<compile_context>
chip_gen: v7x
topology: tpu7x:2x2x1
jax: 0.10.2.dev20260603
libtpu: 0.0.44.dev20260713+nightly
codegen_flags: <defaults>
</compile_context>

<pallas_src>
import functools

import jax
import jax.numpy as jnp
from jax import lax
from jax.experimental import pallas as pl
from jax.experimental.pallas import tpu as pltpu
from jax.experimental.pallas import tpu_sc as plsc

N = 10000
E = 160000
G = 128
L = 128

BN = 2000
BE = 1600
NB_N = N // BN
NB_E = E // BE

NC = 2
NS = 16
NW = NC * NS
CH = 128
NCHUNK = E // CH
CZ = 80
NZCHUNK = N // CZ

_f32 = jnp.float32



def _mlp2_body(x_ref, w1_ref, b1_ref, w2_ref, b2_ref, o_ref):
    h = jnp.dot(x_ref[...], w1_ref[...], preferred_element_type=_f32)
    h = jnp.maximum(h + b1_ref[...], 0.0)
    h = jnp.dot(h, w2_ref[...], preferred_element_type=_f32) + b2_ref[...]
    o_ref[...] = jnp.maximum(h, 0.0)


def _encoder(x, w1, b1, w2, b2, rows, block):
    nb = rows // block
    k = x.shape[1]
    return pl.pallas_call(
        _mlp2_body,
        grid=(nb,),
        in_specs=[
            pl.BlockSpec((block, k), lambda i: (i, 0)),
            pl.BlockSpec(w1.shape, lambda i: (0, 0)),
            pl.BlockSpec(b1.shape, lambda i: (0, 0)),
            pl.BlockSpec(w2.shape, lambda i: (0, 0)),
            pl.BlockSpec(b2.shape, lambda i: (0, 0)),
        ],
        out_specs=pl.BlockSpec((block, L), lambda i: (i, 0)),
        out_shape=jax.ShapeDtypeStruct((rows, L), _f32),
    )(x, w1, b1, w2, b2)


def _nodeprep_body(h_ref, b3_ref, u_ref, wa_ref, wb_ref, wd_ref, b1_ref,
                   ha_ref, hb_ref):
    b = b3_ref[...].reshape(BN, 1)
    oh = (b == lax.broadcasted_iota(jnp.int32, (BN, G), 1)).astype(_f32)
    ud = jnp.dot(u_ref[...], wd_ref[...], preferred_element_type=_f32)
    ha = jnp.dot(h_ref[...], wa_ref[...], preferred_element_type=_f32)
    ha = ha + jnp.dot(oh, ud, preferred_element_type=_f32) + b1_ref[...]
    ha_ref[...] = ha
    hb_ref[...] = jnp.dot(h_ref[...], wb_ref[...], preferred_element_type=_f32)


def _nodeprep(h, batch3, u, wa, wb, wd, b1):
    return pl.pallas_call(
        _nodeprep_body,
        grid=(NB_N,),
        in_specs=[
            pl.BlockSpec((BN, L), lambda i: (i, 0)),
            pl.BlockSpec((1, 1, BN), lambda i: (i, 0, 0)),
            pl.BlockSpec((G, L), lambda i: (0, 0)),
            pl.BlockSpec((L, L), lambda i: (0, 0)),
            pl.BlockSpec((L, L), lambda i: (0, 0)),
            pl.BlockSpec((L, L), lambda i: (0, 0)),
            pl.BlockSpec((1, L), lambda i: (0, 0)),
        ],
        out_specs=[
            pl.BlockSpec((BN, L), lambda i: (i, 0)),
            pl.BlockSpec((BN, L), lambda i: (i, 0)),
        ],
        out_shape=[
            jax.ShapeDtypeStruct((N, L), _f32),
            jax.ShapeDtypeStruct((N, L), _f32),
        ],
    )(h, batch3, u, wa, wb, wd, b1)


def _edge_body(ta_ref, tb_ref, e_ref, wc_ref, w2_ref, b2_ref, o_ref):
    pre = ta_ref[...] + tb_ref[...] + jnp.dot(
        e_ref[...], wc_ref[...], preferred_element_type=_f32)
    mid = jnp.maximum(pre, 0.0)
    out = jnp.dot(mid, w2_ref[...], preferred_element_type=_f32) + b2_ref[...]
    o_ref[...] = e_ref[...] + jnp.maximum(out, 0.0)


def _edge_update(ta, tb, e, wc, w2, b2):
    return pl.pallas_call(
        _edge_body,
        grid=(NB_E,),
        in_specs=[
            pl.BlockSpec((BE, L), lambda i: (i, 0)),
            pl.BlockSpec((BE, L), lambda i: (i, 0)),
            pl.BlockSpec((BE, L), lambda i: (i, 0)),
            pl.BlockSpec((L, L), lambda i: (0, 0)),
            pl.BlockSpec((L, L), lambda i: (0, 0)),
            pl.BlockSpec((1, L), lambda i: (0, 0)),
        ],
        out_specs=pl.BlockSpec((BE, L), lambda i: (i, 0)),
        out_shape=jax.ShapeDtypeStruct((E, L), _f32),
    )(ta, tb, e, wc, w2, b2)


def _node_body(h_ref, recv_ref, sent_ref, b3_ref, u_ref, pos_ref,
               na_ref, nb_ref, nc_ref, nd_ref, nb1_ref, nw2_ref, nb2_ref,
               pw1_ref, pb1_ref, pw2_ref, pb2_ref,
               hn_ref, pn_ref, nagg_ref, eagg_ref):
    i = pl.program_id(0)
    b = b3_ref[...].reshape(BN, 1)
    oh = (b == lax.broadcasted_iota(jnp.int32, (BN, G), 1)).astype(_f32)
    ud = jnp.dot(u_ref[...], nd_ref[...], preferred_element_type=_f32)
    hid = (jnp.dot(h_ref[...], na_ref[...], preferred_element_type=_f32)
           + jnp.dot(recv_ref[...], nb_ref[...], preferred_element_type=_f32)
           + jnp.dot(sent_ref[...], nc_ref[...], preferred_element_type=_f32)
           + jnp.dot(oh, ud, preferred_element_type=_f32) + nb1_ref[...])
    hid = jnp.maximum(hid, 0.0)
    dn = jnp.dot(hid, nw2_ref[...], preferred_element_type=_f32) + nb2_ref[...]
    h_new = h_ref[...] + jnp.maximum(dn, 0.0)
    hn_ref[...] = h_new
    pmid = jnp.maximum(
        jnp.dot(h_new, pw1_ref[...], preferred_element_type=_f32) + pb1_ref[...],
        0.0)
    pn_ref[...] = pos_ref[...] + jnp.dot(
        pmid, pw2_ref[...], preferred_element_type=_f32) + pb2_ref[...]

    @pl.when(i == 0)
    def _():
        nagg_ref[...] = jnp.zeros_like(nagg_ref)
        eagg_ref[...] = jnp.zeros_like(eagg_ref)

    ohT_h = jax.lax.dot_general(oh, h_new, (((0,), (0,)), ((), ())),
                                preferred_element_type=_f32)
    ohT_s = jax.lax.dot_general(oh, sent_ref[...], (((0,), (0,)), ((), ())),
                                preferred_element_type=_f32)
    nagg_ref[...] += ohT_h
    eagg_ref[...] += ohT_s


def _node_update(h, recv, sent, batch3, u, pos,
                 na, nb, nc, nd, nb1, nw2, nb2, pw1, pb1, pw2, pb2):
    full = lambda a: pl.BlockSpec(a.shape, lambda i: tuple(0 for _ in a.shape))
    return pl.pallas_call(
        _node_body,
        grid=(NB_N,),
        in_specs=[
            pl.BlockSpec((BN, L), lambda i: (i, 0)),
            pl.BlockSpec((BN, L), lambda i: (i, 0)),
            pl.BlockSpec((BN, L), lambda i: (i, 0)),
            pl.BlockSpec((1, 1, BN), lambda i: (i, 0, 0)),
            pl.BlockSpec((G, L), lambda i: (0, 0)),
            pl.BlockSpec((BN, 3), lambda i: (i, 0)),
            full(na), full(nb), full(nc), full(nd), full(nb1),
            full(nw2), full(nb2), full(pw1), full(pb1), full(pw2), full(pb2),
        ],
        out_specs=[
            pl.BlockSpec((BN, L), lambda i: (i, 0)),
            pl.BlockSpec((BN, 3), lambda i: (i, 0)),
            pl.BlockSpec((G, L), lambda i: (0, 0)),
            pl.BlockSpec((G, L), lambda i: (0, 0)),
        ],
        out_shape=[
            jax.ShapeDtypeStruct((N, L), _f32),
            jax.ShapeDtypeStruct((N, 3), _f32),
            jax.ShapeDtypeStruct((G, L), _f32),
            jax.ShapeDtypeStruct((G, L), _f32),
        ],
    )(h, recv, sent, batch3, u, pos,
      na, nb, nc, nd, nb1, nw2, nb2, pw1, pb1, pw2, pb2)


def _glob_body(u_ref, nagg_ref, eagg_ref, ga_ref, gb_ref, gc_ref,
               gb1_ref, gw2_ref, gb2_ref, o_ref):
    hid = (jnp.dot(u_ref[...], ga_ref[...], preferred_element_type=_f32)
           + jnp.dot(nagg_ref[...], gb_ref[...], preferred_element_type=_f32)
           + jnp.dot(eagg_ref[...], gc_ref[...], preferred_element_type=_f32)
           + gb1_ref[...])
    hid = jnp.maximum(hid, 0.0)
    du = jnp.dot(hid, gw2_ref[...], preferred_element_type=_f32) + gb2_ref[...]
    o_ref[...] = u_ref[...] + jnp.maximum(du, 0.0)


def _glob_update(u, nagg, eagg, ga, gb, gc, gb1, gw2, gb2):
    full = lambda a: pl.BlockSpec(a.shape, lambda: tuple(0 for _ in a.shape))
    return pl.pallas_call(
        _glob_body,
        in_specs=[full(u), full(nagg), full(eagg), full(ga), full(gb),
                  full(gc), full(gb1), full(gw2), full(gb2)],
        out_specs=full(u),
        out_shape=jax.ShapeDtypeStruct((G, L), _f32),
    )(u, nagg, eagg, ga, gb, gc, gb1, gw2, gb2)



_MESH = plsc.VectorSubcoreMesh(core_axis_name="c", subcore_axis_name="s")


def _gather_body(ha_hbm, hb_hbm, src_hbm, dst_hbm, oa_hbm, ob_hbm,
                 idxa, idxb, bufa, bufb, sema, semb):
    cid = lax.axis_index("c")
    sid = lax.axis_index("s")
    wid = sid * NC + cid
    nfull = NCHUNK // NW
    rem = NCHUNK - nfull * NW
    n_w = nfull + jnp.where(wid < rem, 1, 0)

    def body(k, carry):
        j = wid + k * NW
        base = j * CH
        pltpu.sync_copy(src_hbm.at[pl.ds(base, CH)], idxa)
        pltpu.sync_copy(dst_hbm.at[pl.ds(base, CH)], idxb)
        ca = pltpu.async_copy(ha_hbm.at[idxa], bufa, sema)
        cb = pltpu.async_copy(hb_hbm.at[idxb], bufb, semb)
        ca.wait()
        pltpu.sync_copy(bufa, oa_hbm.at[pl.ds(base, CH)])
        cb.wait()
        pltpu.sync_copy(bufb, ob_hbm.at[pl.ds(base, CH)])
        return carry

    lax.fori_loop(0, n_w, body, 0)


@functools.partial(
    pl.kernel,
    mesh=_MESH,
    out_type=[
        jax.ShapeDtypeStruct((E, L), _f32),
        jax.ShapeDtypeStruct((E, L), _f32),
    ],
    scratch_types=[
        pltpu.VMEM((CH,), jnp.int32),
        pltpu.VMEM((CH,), jnp.int32),
        pltpu.VMEM((CH, L), _f32),
        pltpu.VMEM((CH, L), _f32),
        pltpu.SemaphoreType.DMA,
        pltpu.SemaphoreType.DMA,
    ],
)
def _sc_gather(ha_hbm, hb_hbm, src_hbm, dst_hbm, oa_hbm, ob_hbm,
               idxa, idxb, bufa, bufb, sema, semb):
    _gather_body(ha_hbm, hb_hbm, src_hbm, dst_hbm, oa_hbm, ob_hbm,
                 idxa, idxb, bufa, bufb, sema, semb)


def _scatter_one(e_hbm, idx_hbm, out_hbm, idx, buf, zbuf, table, sid):
    z = jnp.zeros((16,), _f32)

    def zb(i, carry):
        r = i // 8
        c = (i % 8) * 16
        zbuf[r, pl.ds(c, 16)] = z
        return carry

    lax.fori_loop(0, CZ * 8, zb, 0)

    nz_full = NZCHUNK // NS
    nz_rem = NZCHUNK - nz_full * NS
    nz_w = nz_full + jnp.where(sid < nz_rem, 1, 0)

    def zt(k, carry):
        j = sid + k * NS
        pltpu.sync_copy(zbuf, table.at[pl.ds(j * CZ, CZ)])
        return carry

    lax.fori_loop(0, nz_w, zt, 0)
    plsc.subcore_barrier()

    nfull = NCHUNK // NS
    rem = NCHUNK - nfull * NS
    n_w = nfull + jnp.where(sid < rem, 1, 0)

    def body(k, carry):
        j = sid + k * NS
        base = j * CH
        pltpu.sync_copy(idx_hbm.at[pl.ds(base, CH)], idx)
        pltpu.sync_copy(e_hbm.at[pl.ds(base, CH)], buf)
        pltpu.sync_copy(buf, table.at[idx], add=True)
        return carry

    lax.fori_loop(0, n_w, body, 0)
    plsc.subcore_barrier()

    def out(k, carry):
        j = sid + k * NS
        pltpu.sync_copy(table.at[pl.ds(j * CZ, CZ)], out_hbm.at[pl.ds(j * CZ, CZ)])
        return carry

    lax.fori_loop(0, nz_w, out, 0)


@functools.partial(
    pl.kernel,
    mesh=_MESH,
    out_type=[
        jax.ShapeDtypeStruct((N, L), _f32),
        jax.ShapeDtypeStruct((N, L), _f32),
    ],
    scratch_types=[
        pltpu.VMEM((CH,), jnp.int32),
        pltpu.VMEM((CH, L), _f32),
        pltpu.VMEM((CZ, L), _f32),
        pltpu.VMEM_SHARED((N, L), _f32),
    ],
)
def _sc_scatter(e_hbm, src_hbm, dst_hbm, recv_hbm, sent_hbm,
                idx, buf, zbuf, table):
    cid = lax.axis_index("c")
    sid = lax.axis_index("s")

    @pl.when(cid == 0)
    def _():
        _scatter_one(e_hbm, dst_hbm, recv_hbm, idx, buf, zbuf, table, sid)

    @pl.when(cid == 1)
    def _():
        _scatter_one(e_hbm, src_hbm, sent_hbm, idx, buf, zbuf, table, sid)



def kernel(x, edge_attr, edge_index, batch, global_init,
           node_enc_W1, node_enc_b1, node_enc_W2, node_enc_b2,
           edge_enc_W1, edge_enc_b1, edge_enc_W2, edge_enc_b2,
           edge_W1, edge_b1, edge_W2, edge_b2,
           node_W1, node_b1, node_W2, node_b2,
           glob_W1, glob_b1, glob_W2, glob_b2,
           pos_W1, pos_b1, pos_W2, pos_b2):
    S = edge_W1.shape[0]
    src = edge_index[0]
    dst = edge_index[1]
    batch3 = batch.reshape(NB_N, 1, BN)
    r1 = lambda b: b.reshape(1, -1)

    h = _encoder(x, node_enc_W1, r1(node_enc_b1), node_enc_W2,
                 r1(node_enc_b2), N, BN)
    e = _encoder(edge_attr, edge_enc_W1, r1(edge_enc_b1), edge_enc_W2,
                 r1(edge_enc_b2), E, BE)
    u = jnp.tile(global_init, (G, 1))
    pos = jnp.zeros((N, 3), _f32)

    for i in range(S):
        eWa, eWb, eWc, eWd = (edge_W1[i, 0:L], edge_W1[i, L:2 * L],
                              edge_W1[i, 2 * L:3 * L], edge_W1[i, 3 * L:4 * L])
        ha, hb = _nodeprep(h, batch3, u, eWa, eWb, eWd, r1(edge_b1[i]))
        ta, tb = _sc_gather(ha, hb, src, dst)
        e = _edge_update(ta, tb, e, eWc, edge_W2[i], r1(edge_b2[i]))
        recv, sent = _sc_scatter(e, src, dst)
        nA, nB, nC, nD = (node_W1[i, 0:L], node_W1[i, L:2 * L],
                          node_W1[i, 2 * L:3 * L], node_W1[i, 3 * L:4 * L])
        h, pos, nagg, eagg = _node_update(
            h, recv, sent, batch3, u, pos,
            nA, nB, nC, nD, r1(node_b1[i]), node_W2[i], r1(node_b2[i]),
            pos_W1[i], r1(pos_b1[i]), pos_W2[i], r1(pos_b2[i]))
        gA, gB, gC = (glob_W1[i, 0:L], glob_W1[i, L:2 * L],
                      glob_W1[i, 2 * L:3 * L])
        u = _glob_update(u, nagg, eagg, gA, gB, gC, r1(glob_b1[i]),
                         glob_W2[i], r1(glob_b2[i]))
    return pos

# --- scband reference (transcript-rebuilt; emitter-appended) ---
"""Pipeline reference for scband-conf-gnn-42253888258098 (READ-ONLY COPY).

The authoritative reference and input builder live on the scoring server;
editing this copy changes nothing except your own understanding.
"""

import jax, jax.numpy as jnp
import numpy as np

N = 10000
E = 160000
G = 128
L = 128
H = 128
S = 2
ATOM = 174
BOND = 13

FLOAT_NAMES = ["x", "edge_attr", "global_init",
    "node_enc_W1", "node_enc_b1", "node_enc_W2", "node_enc_b2",
    "edge_enc_W1", "edge_enc_b1", "edge_enc_W2", "edge_enc_b2",
    "edge_W1", "edge_b1", "edge_W2", "edge_b2",
    "node_W1", "node_b1", "node_W2", "node_b2",
    "glob_W1", "glob_b1", "glob_W2", "glob_b2",
    "pos_W1", "pos_b1", "pos_W2", "pos_b2"]


def _mlp(h, W1, b1, W2, b2, last_act=True):
    h = jax.nn.relu(h @ W1 + b1)
    h = h @ W2 + b2
    return jax.nn.relu(h) if last_act else h


def setup_inputs(seed=0):
    key = jax.random.key(seed)
    ks = jax.random.split(key, 24)
    def w(k, shape):
        return jax.random.normal(k, shape, dtype=jnp.float32) * 0.05
    inp = {}
    inp["x"] = jax.random.uniform(ks[0], (N, ATOM), dtype=jnp.float32)
    inp["edge_attr"] = jax.random.uniform(ks[1], (E, BOND), dtype=jnp.float32)
    inp["edge_index"] = jax.random.randint(ks[2], (2, E), 0, N, dtype=jnp.int32)
    inp["batch"] = jnp.sort(jax.random.randint(ks[3], (N,), 0, G, dtype=jnp.int32))
    inp["global_init"] = w(ks[4], (1, L))
    inp["node_enc_W1"] = w(ks[5], (ATOM, H)); inp["node_enc_b1"] = jnp.zeros((H,), jnp.float32)
    inp["node_enc_W2"] = w(ks[6], (H, L)); inp["node_enc_b2"] = jnp.zeros((L,), jnp.float32)
    inp["edge_enc_W1"] = w(ks[7], (BOND, H)); inp["edge_enc_b1"] = jnp.zeros((H,), jnp.float32)
    inp["edge_enc_W2"] = w(ks[8], (H, L)); inp["edge_enc_b2"] = jnp.zeros((L,), jnp.float32)
    inp["edge_W1"] = w(ks[9], (S, 4 * L, H)); inp["edge_b1"] = jnp.zeros((S, H), jnp.float32)
    inp["edge_W2"] = w(ks[10], (S, H, L)); inp["edge_b2"] = jnp.zeros((S, L), jnp.float32)
    inp["node_W1"] = w(ks[11], (S, 4 * L, H)); inp["node_b1"] = jnp.zeros((S, H), jnp.float32)
    inp["node_W2"] = w(ks[12], (S, H, L)); inp["node_b2"] = jnp.zeros((S, L), jnp.float32)
    inp["glob_W1"] = w(ks[13], (S, 3 * L, H)); inp["glob_b1"] = jnp.zeros((S, H), jnp.float32)
    inp["glob_W2"] = w(ks[14], (S, H, L)); inp["glob_b2"] = jnp.zeros((S, L), jnp.float32)
    inp["pos_W1"] = w(ks[15], (S, L, L)); inp["pos_b1"] = jnp.zeros((S, L), jnp.float32)
    inp["pos_W2"] = w(ks[16], (S, L, 3)); inp["pos_b2"] = jnp.zeros((S, 3), jnp.float32)
    return inp


def _net(fl, edge_index, batch):
    (x, edge_attr, global_init,
     neW1, neb1, neW2, neb2,
     eeW1, eeb1, eeW2, eeb2,
     eW1, eb1, eW2, eb2,
     nW1, nb1, nW2, nb2,
     gW1, gb1, gW2, gb2,
     pW1, pb1, pW2, pb2) = fl
    src = edge_index[0]
    dst = edge_index[1]
    # feature encoders (MLP over raw atom/bond features)
    h = _mlp(x, neW1, neb1, neW2, neb2)
    e = _mlp(edge_attr, eeW1, eeb1, eeW2, eeb2)
    u = jnp.tile(global_init, (G, 1))
    pos = jnp.zeros((x.shape[0], 3), dtype=x.dtype)
    eb = batch[src]
    for i in range(S):
        # MetaLayer edge update: concat[h_src, h_dst, e, u[graph]] -> MLP, residual
        e_in = jnp.concatenate([h[src], h[dst], e, u[eb]], axis=1)
        e = e + _mlp(e_in, eW1[i], eb1[i], eW2[i], eb2[i])
        # node update: concat[h, received agg, sent agg, u[graph]] -> MLP, residual
        recv = jax.ops.segment_sum(e, dst, num_segments=N)
        sent = jax.ops.segment_sum(e, src, num_segments=N)
        n_in = jnp.concatenate([h, recv, sent, u[batch]], axis=1)
        h = h + _mlp(n_in, nW1[i], nb1[i], nW2[i], nb2[i])
        # global update: concat[u, node agg, edge agg] -> MLP, residual
        n_agg = jax.ops.segment_sum(h, batch, num_segments=G)
        e_agg = jax.ops.segment_sum(e, eb, num_segments=G)
        u_in = jnp.concatenate([u, n_agg, e_agg], axis=1)
        u = u + _mlp(u_in, gW1[i], gb1[i], gW2[i], gb2[i])
        # position head (MLPwoLastAct), residual position prediction
        pos = pos + _mlp(h, pW1[i], pb1[i], pW2[i], pb2[i], last_act=False)
    return pos


def reference(x, edge_attr, edge_index, batch, global_init,
              node_enc_W1, node_enc_b1, node_enc_W2, node_enc_b2,
              edge_enc_W1, edge_enc_b1, edge_enc_W2, edge_enc_b2,
              edge_W1, edge_b1, edge_W2, edge_b2,
              node_W1, node_b1, node_W2, node_b2,
              glob_W1, glob_b1, glob_W2, glob_b2,
              pos_W1, pos_b1, pos_W2, pos_b2):
    inp = {"x": x, "edge_attr": edge_attr, "edge_index": edge_index,
           "batch": batch, "global_init": global_init,
           "node_enc_W1": node_enc_W1, "node_enc_b1": node_enc_b1,
           "node_enc_W2": node_enc_W2, "node_enc_b2": node_enc_b2,
           "edge_enc_W1": edge_enc_W1, "edge_enc_b1": edge_enc_b1,
           "edge_enc_W2": edge_enc_W2, "edge_enc_b2": edge_enc_b2,
           "edge_W1": edge_W1, "edge_b1": edge_b1,
           "edge_W2": edge_W2, "edge_b2": edge_b2,
           "node_W1": node_W1, "node_b1": node_b1,
           "node_W2": node_W2, "node_b2": node_b2,
           "glob_W1": glob_W1, "glob_b1": glob_b1,
           "glob_W2": glob_W2, "glob_b2": glob_b2,
           "pos_W1": pos_W1, "pos_b1": pos_b1,
           "pos_W2": pos_W2, "pos_b2": pos_b2}
    fl = tuple(inp[n] for n in FLOAT_NAMES)
    return _net(fl, inp["edge_index"], inp["batch"])

if __name__ == "__main__":
    import jax
    _d = setup_inputs()
    print(jax.jit(kernel)(*tuple(_d.values())))

</pallas_src>

<mosaic_0001>
#map = affine_map<(d0, d1) -> (0, 0)>
#map1 = affine_map<(d0, d1) -> (0)>
module attributes {stable_mosaic.version = 14 : i64} {
  func.func @_sc_gather(%arg0: i32, %arg1: i32, %arg2: memref<10000x128xf32, #tpu.memory_space<hbm>>, %arg3: memref<10000x128xf32, #tpu.memory_space<hbm>>, %arg4: memref<160000xi32, #tpu.memory_space<hbm>>, %arg5: memref<160000xi32, #tpu.memory_space<hbm>>, %arg6: memref<160000x128xf32, #tpu.memory_space<hbm>>, %arg7: memref<160000x128xf32, #tpu.memory_space<hbm>>, %arg8: memref<128xi32, #tpu.memory_space<vmem>>, %arg9: memref<128xi32, #tpu.memory_space<vmem>>, %arg10: memref<128x128xf32, #tpu.memory_space<vmem>>, %arg11: memref<128x128xf32, #tpu.memory_space<vmem>>, %arg12: memref<!tpu.dma_semaphore, #tpu.memory_space<semaphore_mem>>, %arg13: memref<!tpu.dma_semaphore, #tpu.memory_space<semaphore_mem>>) attributes {dimension_semantics = [#tpu.dimension_semantics<core_parallel>, #tpu.dimension_semantics<subcore_parallel>], iteration_bounds = array<i64: 2, 16>, scalar_prefetch = 0 : i64, scratch_operands = 6 : i64, tpu.core_type = #tpu.core_type<sc_vector_subcore>, window_params = [{transform_indices = #map}, {transform_indices = #map}, {transform_indices = #map1}, {transform_indices = #map1}, {transform_indices = #map}, {transform_indices = #map}]} {
    %mul3A = arith.constant 2 : i32
    %mul3A_0 = arith.muli %arg1, %mul3A : i32
    %add3A = arith.addi %mul3A_0, %arg0 : i32
    %lt3A = arith.constant 2 : i32
    %lt3A_1 = arith.cmpi slt, %add3A, %lt3A : i32
    %jit3A = arith.constant 1 : i32
    %jit3A_2 = arith.constant 0 : i32
    %select_n3A = arith.select %lt3A_1, %jit3A, %jit3A_2 : i32
    %add3A_3 = arith.constant 39 : i32
    %add3A_4 = arith.addi %add3A_3, %select_n3A : i32
    %while3A = arith.constant 0 : i32
    %while3A_5 = arith.constant 0 : i32
    %while3A_6 = arith.subi %add3A_4, %while3A_5 : i32
    %while3A_7 = arith.addi %while3A_5, %while3A_6 : i32
    %while3A_8 = arith.constant 1 : i32
    %while3A_9 = arith.divsi %while3A_6, %while3A_8 : i32
    %while3A_10 = arith.muli %while3A_9, %while3A_8 : i32
    %while3A_11 = arith.addi %while3A_5, %while3A_10 : i32
    %while3A_12 = arith.constant 1 : i32
    scf.for %while3A_14 = %while3A_5 to %while3A_11 step %while3A_12  : i32 {
      %mul3A_15 = arith.constant 32 : i32
      %mul3A_16 = arith.muli %while3A_14, %mul3A_15 : i32
      %add3A_17 = arith.addi %add3A, %mul3A_16 : i32
      %mul3A_18 = arith.constant 128 : i32
      %mul3A_19 = arith.muli %add3A_17, %mul3A_18 : i32
      "tpu.region"() ({
        %run_scoped3A = tpu.sem_alloc : memref<!tpu.dma_semaphore, #tpu.memory_space<semaphore_mem>>
        %dma_start3A_30 = tpu.memref_slice %arg4[%mul3A_19] : memref<160000xi32, #tpu.memory_space<hbm>> -> memref<128xi32, #tpu.memory_space<hbm>>
        %dma_start3A_31 = tpu.memref_slice %arg4[%mul3A_19] : memref<160000xi32, #tpu.memory_space<hbm>> -> memref<128xi32, #tpu.memory_space<hbm>>
        tpu.enqueue_dma source(%dma_start3A_31 : memref<128xi32, #tpu.memory_space<hbm>>) target(%arg8 : memref<128xi32, #tpu.memory_space<vmem>>) target_semaphore(%run_scoped3A : memref<!tpu.dma_semaphore, #tpu.memory_space<semaphore_mem>>)
        %dma_wait3A_32 = tpu.memref_slice %arg4[%mul3A_19] : memref<160000xi32, #tpu.memory_space<hbm>> -> memref<128xi32, #tpu.memory_space<hbm>>
        %dma_wait3A_33 = tpu.memref_slice %arg4[%mul3A_19] : memref<160000xi32, #tpu.memory_space<hbm>> -> memref<128xi32, #tpu.memory_space<hbm>>
        tpu.wait_dma2 semaphore(%run_scoped3A : memref<!tpu.dma_semaphore, #tpu.memory_space<semaphore_mem>>) src(%dma_wait3A_33 : memref<128xi32, #tpu.memory_space<hbm>>) dst(%arg8 : memref<128xi32, #tpu.memory_space<vmem>>)
        tpu.yield
      }) : () -> ()
      "tpu.region"() ({
        %run_scoped3A = tpu.sem_alloc : memref<!tpu.dma_semaphore, #tpu.memory_space<semaphore_mem>>
        %dma_start3A_30 = tpu.memref_slice %arg5[%mul3A_19] : memref<160000xi32, #tpu.memory_space<hbm>> -> memref<128xi32, #tpu.memory_space<hbm>>
        %dma_start3A_31 = tpu.memref_slice %arg5[%mul3A_19] : memref<160000xi32, #tpu.memory_space<hbm>> -> memref<128xi32, #tpu.memory_space<hbm>>
        tpu.enqueue_dma source(%dma_start3A_31 : memref<128xi32, #tpu.memory_space<hbm>>) target(%arg9 : memref<128xi32, #tpu.memory_space<vmem>>) target_semaphore(%run_scoped3A : memref<!tpu.dma_semaphore, #tpu.memory_space<semaphore_mem>>)
        %dma_wait3A_32 = tpu.memref_slice %arg5[%mul3A_19] : memref<160000xi32, #tpu.memory_space<hbm>> -> memref<128xi32, #tpu.memory_space<hbm>>
        %dma_wait3A_33 = tpu.memref_slice %arg5[%mul3A_19] : memref<160000xi32, #tpu.memory_space<hbm>> -> memref<128xi32, #tpu.memory_space<hbm>>
        tpu.wait_dma2 semaphore(%run_scoped3A : memref<!tpu.dma_semaphore, #tpu.memory_space<semaphore_mem>>) src(%dma_wait3A_33 : memref<128xi32, #tpu.memory_space<hbm>>) dst(%arg9 : memref<128xi32, #tpu.memory_space<vmem>>)
        tpu.yield
      }) : () -> ()
      %dma_start3A = arith.constant 0 : i32
      %dma_start3A_20 = arith.constant 0 : i32
      %dma_start3A_21 = tpu.memref_slice %arg2[%dma_start3A, %dma_start3A_20] : memref<10000x128xf32, #tpu.memory_space<hbm>> -> memref<10000x128xf32, #tpu.memory_space<hbm>>
      tpu.enqueue_indirect_dma source(%dma_start3A_21 : memref<10000x128xf32, #tpu.memory_space<hbm>>) target(%arg10 : memref<128x128xf32, #tpu.memory_space<vmem>>) offsets(%arg8 : memref<128xi32, #tpu.memory_space<vmem>>) semaphore(%arg12 : memref<!tpu.dma_semaphore, #tpu.memory_space<semaphore_mem>>)
      %dma_start3A_22 = arith.constant 0 : i32
      %dma_start3A_23 = arith.constant 0 : i32
      %dma_start3A_24 = tpu.memref_slice %arg3[%dma_start3A_22, %dma_start3A_23] : memref<10000x128xf32, #tpu.memory_space<hbm>> -> memref<10000x128xf32, #tpu.memory_space<hbm>>
      tpu.enqueue_indirect_dma source(%dma_start3A_24 : memref<10000x128xf32, #tpu.memory_space<hbm>>) target(%arg11 : memref<128x128xf32, #tpu.memory_space<vmem>>) offsets(%arg9 : memref<128xi32, #tpu.memory_space<vmem>>) semaphore(%arg13 : memref<!tpu.dma_semaphore, #tpu.memory_space<semaphore_mem>>)
      %dma_wait3A = arith.constant 0 : i32
      %dma_wait3A_25 = arith.constant 0 : i32
      %dma_wait3A_26 = tpu.memref_slice %arg2[%dma_wait3A, %dma_wait3A_25] : memref<10000x128xf32, #tpu.memory_space<hbm>> -> memref<10000x128xf32, #tpu.memory_space<hbm>>
      tpu.wait_indirect_dma semaphore(%arg12 : memref<!tpu.dma_semaphore, #tpu.memory_space<semaphore_mem>>) src(%dma_wait3A_26 : memref<10000x128xf32, #tpu.memory_space<hbm>>) dst(%arg10 : memref<128x128xf32, #tpu.memory_space<vmem>>)
      "tpu.region"() ({
        %run_scoped3A = tpu.sem_alloc : memref<!tpu.dma_semaphore, #tpu.memory_space<semaphore_mem>>
        %dma_start3A_30 = arith.constant 0 : i32
        %dma_start3A_31 = tpu.memref_slice %arg6[%mul3A_19, %dma_start3A_30] : memref<160000x128xf32, #tpu.memory_space<hbm>> -> memref<128x128xf32, #tpu.memory_space<hbm>>
        %dma_start3A_32 = arith.constant 0 : i32
        %dma_start3A_33 = tpu.memref_slice %arg6[%mul3A_19, %dma_start3A_32] : memref<160000x128xf32, #tpu.memory_space<hbm>> -> memref<128x128xf32, #tpu.memory_space<hbm>>
        tpu.enqueue_dma source(%arg10 : memref<128x128xf32, #tpu.memory_space<vmem>>) target(%dma_start3A_33 : memref<128x128xf32, #tpu.memory_space<hbm>>) target_semaphore(%run_scoped3A : memref<!tpu.dma_semaphore, #tpu.memory_space<semaphore_mem>>)
        %dma_wait3A_34 = arith.constant 0 : i32
        %dma_wait3A_35 = tpu.memref_slice %arg6[%mul3A_19, %dma_wait3A_34] : memref<160000x128xf32, #tpu.memory_space<hbm>> -> memref<128x128xf32, #tpu.memory_space<hbm>>
        %dma_wait3A_36 = arith.constant 0 : i32
        %dma_wait3A_37 = tpu.memref_slice %arg6[%mul3A_19, %dma_wait3A_36] : memref<160000x128xf32, #tpu.memory_space<hbm>> -> memref<128x128xf32, #tpu.memory_space<hbm>>
        tpu.wait_dma2 semaphore(%run_scoped3A : memref<!tpu.dma_semaphore, #tpu.memory_space<semaphore_mem>>) src(%arg10 : memref<128x128xf32, #tpu.memory_space<vmem>>) dst(%dma_wait3A_37 : memref<128x128xf32, #tpu.memory_space<hbm>>)
        tpu.yield
      }) : () -> ()
      %dma_wait3A_27 = arith.constant 0 : i32
      %dma_wait3A_28 = arith.constant 0 : i32
      %dma_wait3A_29 = tpu.memref_slice %arg3[%dma_wait3A_27, %dma_wait3A_28] : memref<10000x128xf32, #tpu.memory_space<hbm>> -> memref<10000x128xf32, #tpu.memory_space<hbm>>
      tpu.wait_indirect_dma semaphore(%arg13 : memref<!tpu.dma_semaphore, #tpu.memory_space<semaphore_mem>>) src(%dma_wait3A_29 : memref<10000x128xf32, #tpu.memory_space<hbm>>) dst(%arg11 : memref<128x128xf32, #tpu.memory_space<vmem>>)
      "tpu.region"() ({
        %run_scoped3A = tpu.sem_alloc : memref<!tpu.dma_semaphore, #tpu.memory_space<semaphore_mem>>
        %dma_start3A_30 = arith.constant 0 : i32
        %dma_start3A_31 = tpu.memref_slice %arg7[%mul3A_19, %dma_start3A_30] : memref<160000x128xf32, #tpu.memory_space<hbm>> -> memref<128x128xf32, #tpu.memory_space<hbm>>
        %dma_start3A_32 = arith.constant 0 : i32
        %dma_start3A_33 = tpu.memref_slice %arg7[%mul3A_19, %dma_start3A_32] : memref<160000x128xf32, #tpu.memory_space<hbm>> -> memref<128x128xf32, #tpu.memory_space<hbm>>
        tpu.enqueue_dma source(%arg11 : memref<128x128xf32, #tpu.memory_space<vmem>>) target(%dma_start3A_33 : memref<128x128xf32, #tpu.memory_space<hbm>>) target_semaphore(%run_scoped3A : memref<!tpu.dma_semaphore, #tpu.memory_space<semaphore_mem>>)
        %dma_wait3A_34 = arith.constant 0 : i32
        %dma_wait3A_35 = tpu.memref_slice %arg7[%mul3A_19, %dma_wait3A_34] : memref<160000x128xf32, #tpu.memory_space<hbm>> -> memref<128x128xf32, #tpu.memory_space<hbm>>
        %dma_wait3A_36 = arith.constant 0 : i32
        %dma_wait3A_37 = tpu.memref_slice %arg7[%mul3A_19, %dma_wait3A_36] : memref<160000x128xf32, #tpu.memory_space<hbm>> -> memref<128x128xf32, #tpu.memory_space<hbm>>
        tpu.wait_dma2 semaphore(%run_scoped3A : memref<!tpu.dma_semaphore, #tpu.memory_space<semaphore_mem>>) src(%arg11 : memref<128x128xf32, #tpu.memory_space<vmem>>) dst(%dma_wait3A_37 : memref<128x128xf32, #tpu.memory_space<hbm>>)
        tpu.yield
      }) : () -> ()
    }
    %while3A_13 = arith.constant 1 : i32
    scf.for %while3A_14 = %while3A_11 to %while3A_7 step %while3A_13  : i32 {
      %mul3A_15 = arith.constant 32 : i32
      %mul3A_16 = arith.muli %while3A_14, %mul3A_15 : i32
      %add3A_17 = arith.addi %add3A, %mul3A_16 : i32
      %mul3A_18 = arith.constant 128 : i32
      %mul3A_19 = arith.muli %add3A_17, %mul3A_18 : i32
      "tpu.region"() ({
        %run_scoped3A = tpu.sem_alloc : memref<!tpu.dma_semaphore, #tpu.memory_space<semaphore_mem>>
        %dma_start3A_30 = tpu.memref_slice %arg4[%mul3A_19] : memref<160000xi32, #tpu.memory_space<hbm>> -> memref<128xi32, #tpu.memory_space<hbm>>
        %dma_start3A_31 = tpu.memref_slice %arg4[%mul3A_19] : memref<160000xi32, #tpu.memory_space<hbm>> -> memref<128xi32, #tpu.memory_space<hbm>>
        tpu.enqueue_dma source(%dma_start3A_31 : memref<128xi32, #tpu.memory_space<hbm>>) target(%arg8 : memref<128xi32, #tpu.memory_space<vmem>>) target_semaphore(%run_scoped3A : memref<!tpu.dma_semaphore, #tpu.memory_space<semaphore_mem>>)
        %dma_wait3A_32 = tpu.memref_slice %arg4[%mul3A_19] : memref<160000xi32, #tpu.memory_space<hbm>> -> memref<128xi32, #tpu.memory_space<hbm>>
        %dma_wait3A_33 = tpu.memref_slice %arg4[%mul3A_19] : memref<160000xi32, #tpu.memory_space<hbm>> -> memref<128xi32, #tpu.memory_space<hbm>>
        tpu.wait_dma2 semaphore(%run_scoped3A : memref<!tpu.dma_semaphore, #tpu.memory_space<semaphore_mem>>) src(%dma_wait3A_33 : memref<128xi32, #tpu.memory_space<hbm>>) dst(%arg8 : memref<128xi32, #tpu.memory_space<vmem>>)
        tpu.yield
      }) : () -> ()
      "tpu.region"() ({
        %run_scoped3A = tpu.sem_alloc : memref<!tpu.dma_semaphore, #tpu.memory_space<semaphore_mem>>
        %dma_start3A_30 = tpu.memref_slice %arg5[%mul3A_19] : memref<160000xi32, #tpu.memory_space<hbm>> -> memref<128xi32, #tpu.memory_space<hbm>>
        %dma_start3A_31 = tpu.memref_slice %arg5[%mul3A_19] : memref<160000xi32, #tpu.memory_space<hbm>> -> memref<128xi32, #tpu.memory_space<hbm>>
        tpu.enqueue_dma source(%dma_start3A_31 : memref<128xi32, #tpu.memory_space<hbm>>) target(%arg9 : memref<128xi32, #tpu.memory_space<vmem>>) target_semaphore(%run_scoped3A : memref<!tpu.dma_semaphore, #tpu.memory_space<semaphore_mem>>)
        %dma_wait3A_32 = tpu.memref_slice %arg5[%mul3A_19] : memref<160000xi32, #tpu.memory_space<hbm>> -> memref<128xi32, #tpu.memory_space<hbm>>
        %dma_wait3A_33 = tpu.memref_slice %arg5[%mul3A_19] : memref<160000xi32, #tpu.memory_space<hbm>> -> memref<128xi32, #tpu.memory_space<hbm>>
        tpu.wait_dma2 semaphore(%run_scoped3A : memref<!tpu.dma_semaphore, #tpu.memory_space<semaphore_mem>>) src(%dma_wait3A_33 : memref<128xi32, #tpu.memory_space<hbm>>) dst(%arg9 : memref<128xi32, #tpu.memory_space<vmem>>)
        tpu.yield
      }) : () -> ()
      %dma_start3A = arith.constant 0 : i32
      %dma_start3A_20 = arith.constant 0 : i32
      %dma_start3A_21 = tpu.memref_slice %arg2[%dma_start3A, %dma_start3A_20] : memref<10000x128xf32, #tpu.memory_space<hbm>> -> memref<10000x128xf32, #tpu.memory_space<hbm>>
      tpu.enqueue_indirect_dma source(%dma_start3A_21 : memref<10000x128xf32, #tpu.memory_space<hbm>>) target(%arg10 : memref<128x128xf32, #tpu.memory_space<vmem>>) offsets(%arg8 : memref<128xi32, #tpu.memory_space<vmem>>) semaphore(%arg12 : memref<!tpu.dma_semaphore, #tpu.memory_space<semaphore_mem>>)
      %dma_start3A_22 = arith.constant 0 : i32
      %dma_start3A_23 = arith.constant 0 : i32
      %dma_start3A_24 = tpu.memref_slice %arg3[%dma_start3A_22, %dma_start3A_23] : memref<10000x128xf32, #tpu.memory_space<hbm>> -> memref<10000x128xf32, #tpu.memory_space<hbm>>
      tpu.enqueue_indirect_dma source(%dma_start3A_24 : memref<10000x128xf32, #tpu.memory_space<hbm>>) target(%arg11 : memref<128x128xf32, #tpu.memory_space<vmem>>) offsets(%arg9 : memref<128xi32, #tpu.memory_space<vmem>>) semaphore(%arg13 : memref<!tpu.dma_semaphore, #tpu.memory_space<semaphore_mem>>)
      %dma_wait3A = arith.constant 0 : i32
      %dma_wait3A_25 = arith.constant 0 : i32
      %dma_wait3A_26 = tpu.memref_slice %arg2[%dma_wait3A, %dma_wait3A_25] : memref<10000x128xf32, #tpu.memory_space<hbm>> -> memref<10000x128xf32, #tpu.memory_space<hbm>>
      tpu.wait_indirect_dma semaphore(%arg12 : memref<!tpu.dma_semaphore, #tpu.memory_space<semaphore_mem>>) src(%dma_wait3A_26 : memref<10000x128xf32, #tpu.memory_space<hbm>>) dst(%arg10 : memref<128x128xf32, #tpu.memory_space<vmem>>)
      "tpu.region"() ({
        %run_scoped3A = tpu.sem_alloc : memref<!tpu.dma_semaphore, #tpu.memory_space<semaphore_mem>>
        %dma_start3A_30 = arith.constant 0 : i32
        %dma_start3A_31 = tpu.memref_slice %arg6[%mul3A_19, %dma_start3A_30] : memref<160000x128xf32, #tpu.memory_space<hbm>> -> memref<128x128xf32, #tpu.memory_space<hbm>>
        %dma_start3A_32 = arith.constant 0 : i32
        %dma_start3A_33 = tpu.memref_slice %arg6[%mul3A_19, %dma_start3A_32] : memref<160000x128xf32, #tpu.memory_space<hbm>> -> memref<128x128xf32, #tpu.memory_space<hbm>>
        tpu.enqueue_dma source(%arg10 : memref<128x128xf32, #tpu.memory_space<vmem>>) target(%dma_start3A_33 : memref<128x128xf32, #tpu.memory_space<hbm>>) target_semaphore(%run_scoped3A : memref<!tpu.dma_semaphore, #tpu.memory_space<semaphore_mem>>)
        %dma_wait3A_34 = arith.constant 0 : i32
        %dma_wait3A_35 = tpu.memref_slice %arg6[%mul3A_19, %dma_wait3A_34] : memref<160000x128xf32, #tpu.memory_space<hbm>> -> memref<128x128xf32, #tpu.memory_space<hbm>>
        %dma_wait3A_36 = arith.constant 0 : i32
        %dma_wait3A_37 = tpu.memref_slice %arg6[%mul3A_19, %dma_wait3A_36] : memref<160000x128xf32, #tpu.memory_space<hbm>> -> memref<128x128xf32, #tpu.memory_space<hbm>>
        tpu.wait_dma2 semaphore(%run_scoped3A : memref<!tpu.dma_semaphore, #tpu.memory_space<semaphore_mem>>) src(%arg10 : memref<128x128xf32, #tpu.memory_space<vmem>>) dst(%dma_wait3A_37 : memref<128x128xf32, #tpu.memory_space<hbm>>)
        tpu.yield
      }) : () -> ()
      %dma_wait3A_27 = arith.constant 0 : i32
      %dma_wait3A_28 = arith.constant 0 : i32
      %dma_wait3A_29 = tpu.memref_slice %arg3[%dma_wait3A_27, %dma_wait3A_28] : memref<10000x128xf32, #tpu.memory_space<hbm>> -> memref<10000x128xf32, #tpu.memory_space<hbm>>
      tpu.wait_indirect_dma semaphore(%arg13 : memref<!tpu.dma_semaphore, #tpu.memory_space<semaphore_mem>>) src(%dma_wait3A_29 : memref<10000x128xf32, #tpu.memory_space<hbm>>) dst(%arg11 : memref<128x128xf32, #tpu.memory_space<vmem>>)
      "tpu.region"() ({
        %run_scoped3A = tpu.sem_alloc : memref<!tpu.dma_semaphore, #tpu.memory_space<semaphore_mem>>
        %dma_start3A_30 = arith.constant 0 : i32
        %dma_start3A_31 = tpu.memref_slice %arg7[%mul3A_19, %dma_start3A_30] : memref<160000x128xf32, #tpu.memory_space<hbm>> -> memref<128x128xf32, #tpu.memory_space<hbm>>
        %dma_start3A_32 = arith.constant 0 : i32
        %dma_start3A_33 = tpu.memref_slice %arg7[%mul3A_19, %dma_start3A_32] : memref<160000x128xf32, #tpu.memory_space<hbm>> -> memref<128x128xf32, #tpu.memory_space<hbm>>
        tpu.enqueue_dma source(%arg11 : memref<128x128xf32, #tpu.memory_space<vmem>>) target(%dma_start3A_33 : memref<128x128xf32, #tpu.memory_space<hbm>>) target_semaphore(%run_scoped3A : memref<!tpu.dma_semaphore, #tpu.memory_space<semaphore_mem>>)
        %dma_wait3A_34 = arith.constant 0 : i32
        %dma_wait3A_35 = tpu.memref_slice %arg7[%mul3A_19, %dma_wait3A_34] : memref<160000x128xf32, #tpu.memory_space<hbm>> -> memref<128x128xf32, #tpu.memory_space<hbm>>
        %dma_wait3A_36 = arith.constant 0 : i32
        %dma_wait3A_37 = tpu.memref_slice %arg7[%mul3A_19, %dma_wait3A_36] : memref<160000x128xf32, #tpu.memory_space<hbm>> -> memref<128x128xf32, #tpu.memory_space<hbm>>
        tpu.wait_dma2 semaphore(%run_scoped3A : memref<!tpu.dma_semaphore, #tpu.memory_space<semaphore_mem>>) src(%arg11 : memref<128x128xf32, #tpu.memory_space<vmem>>) dst(%dma_wait3A_37 : memref<128x128xf32, #tpu.memory_space<hbm>>)
        tpu.yield
      }) : () -> ()
    }
    return
  }
}

#map = affine_map<(d0, d1) -> (0, 0)>
#map1 = affine_map<(d0, d1) -> (0)>
module attributes {stable_mosaic.version = 14 : i64} {
  func.func @_sc_gather(%arg0: i32, %arg1: i32, %arg2: memref<10000x128xf32, #tpu.memory_space<hbm>>, %arg3: memref<10000x128xf32, #tpu.memory_space<hbm>>, %arg4: memref<160000xi32, #tpu.memory_space<hbm>>, %arg5: memref<160000xi32, #tpu.memory_space<hbm>>, %arg6: memref<160000x128xf32, #tpu.memory_space<hbm>>, %arg7: memref<160000x128xf32, #tpu.memory_space<hbm>>, %arg8: memref<128xi32, #tpu.memory_space<vmem>>, %arg9: memref<128xi32, #tpu.memory_space<vmem>>, %arg10: memref<128x128xf32, #tpu.memory_space<vmem>>, %arg11: memref<128x128xf32, #tpu.memory_space<vmem>>, %arg12: memref<!tpu.dma_semaphore, #tpu.memory_space<semaphore_mem>>, %arg13: memref<!tpu.dma_semaphore, #tpu.memory_space<semaphore_mem>>) attributes {dimension_semantics = [#tpu.dimension_semantics<core_parallel>, #tpu.dimension_semantics<subcore_parallel>], iteration_bounds = array<i64: 2, 16>, scalar_prefetch = 0 : i64, scratch_operands = 6 : i64, tpu.core_type = #tpu.core_type<sc_vector_subcore>, window_params = [{transform_indices = #map}, {transform_indices = #map}, {transform_indices = #map1}, {transform_indices = #map1}, {transform_indices = #map}, {transform_indices = #map}]} {
    %mul3A = arith.constant 2 : i32
    %mul3A_0 = arith.muli %arg1, %mul3A : i32
    %add3A = arith.addi %mul3A_0, %arg0 : i32
    %lt3A = arith.constant 2 : i32
    %lt3A_1 = arith.cmpi slt, %add3A, %lt3A : i32
    %jit3A = arith.constant 1 : i32
    %jit3A_2 = arith.constant 0 : i32
    %select_n3A = arith.select %lt3A_1, %jit3A, %jit3A_2 : i32
    %add3A_3 = arith.constant 39 : i32
    %add3A_4 = arith.addi %add3A_3, %select_n3A : i32
    %while3A = arith.constant 0 : i32
    %while3A_5 = arith.constant 0 : i32
    %while3A_6 = arith.subi %add3A_4, %while3A_5 : i32
    %while3A_7 = arith.addi %while3A_5, %while3A_6 : i32
    %while3A_8 = arith.constant 1 : i32
    %while3A_9 = arith.divsi %while3A_6, %while3A_8 : i32
    %while3A_10 = arith.muli %while3A_9, %while3A_8 : i32
    %while3A_11 = arith.addi %while3A_5, %while3A_10 : i32
    %while3A_12 = arith.constant 1 : i32
    scf.for %while3A_14 = %while3A_5 to %while3A_11 step %while3A_12  : i32 {
      %mul3A_15 = arith.constant 32 : i32
      %mul3A_16 = arith.muli %while3A_14, %mul3A_15 : i32
      %add3A_17 = arith.addi %add3A, %mul3A_16 : i32
      %mul3A_18 = arith.constant 128 : i32
      %mul3A_19 = arith.muli %add3A_17, %mul3A_18 : i32
      "tpu.region"() ({
        %run_scoped3A = tpu.sem_alloc : memref<!tpu.dma_semaphore, #tpu.memory_space<semaphore_mem>>
        %dma_start3A_30 = tpu.memref_slice %arg4[%mul3A_19] : memref<160000xi32, #tpu.memory_space<hbm>> -> memref<128xi32, #tpu.memory_space<hbm>>
        %dma_start3A_31 = tpu.memref_slice %arg4[%mul3A_19] : memref<160000xi32, #tpu.memory_space<hbm>> -> memref<128xi32, #tpu.memory_space<hbm>>
        tpu.enqueue_dma source(%dma_start3A_31 : memref<128xi32, #tpu.memory_space<hbm>>) target(%arg8 : memref<128xi32, #tpu.memory_space<vmem>>) target_semaphore(%run_scoped3A : memref<!tpu.dma_semaphore, #tpu.memory_space<semaphore_mem>>)
        %dma_wait3A_32 = tpu.memref_slice %arg4[%mul3A_19] : memref<160000xi32, #tpu.memory_space<hbm>> -> memref<128xi32, #tpu.memory_space<hbm>>
        %dma_wait3A_33 = tpu.memref_slice %arg4[%mul3A_19] : memref<160000xi32, #tpu.memory_space<hbm>> -> memref<128xi32, #tpu.memory_space<hbm>>
        tpu.wait_dma2 semaphore(%run_scoped3A : memref<!tpu.dma_semaphore, #tpu.memory_space<semaphore_mem>>) src(%dma_wait3A_33 : memref<128xi32, #tpu.memory_space<hbm>>) dst(%arg8 : memref<128xi32, #tpu.memory_space<vmem>>)
        tpu.yield
      }) : () -> ()
      "tpu.region"() ({
        %run_scoped3A = tpu.sem_alloc : memref<!tpu.dma_semaphore, #tpu.memory_space<semaphore_mem>>
        %dma_start3A_30 = tpu.memref_slice %arg5[%mul3A_19] : memref<160000xi32, #tpu.memory_space<hbm>> -> memref<128xi32, #tpu.memory_space<hbm>>
        %dma_start3A_31 = tpu.memref_slice %arg5[%mul3A_19] : memref<160000xi32, #tpu.memory_space<hbm>> -> memref<128xi32, #tpu.memory_space<hbm>>
        tpu.enqueue_dma source(%dma_start3A_31 : memref<128xi32, #tpu.memory_space<hbm>>) target(%arg9 : memref<128xi32, #tpu.memory_space<vmem>>) target_semaphore(%run_scoped3A : memref<!tpu.dma_semaphore, #tpu.memory_space<semaphore_mem>>)
        %dma_wait3A_32 = tpu.memref_slice %arg5[%mul3A_19] : memref<160000xi32, #tpu.memory_space<hbm>> -> memref<128xi32, #tpu.memory_space<hbm>>
        %dma_wait3A_33 = tpu.memref_slice %arg5[%mul3A_19] : memref<160000xi32, #tpu.memory_space<hbm>> -> memref<128xi32, #tpu.memory_space<hbm>>
        tpu.wait_dma2 semaphore(%run_scoped3A : memref<!tpu.dma_semaphore, #tpu.memory_space<semaphore_mem>>) src(%dma_wait3A_33 : memref<128xi32, #tpu.memory_space<hbm>>) dst(%arg9 : memref<128xi32, #tpu.memory_space<vmem>>)
        tpu.yield
      }) : () -> ()
      %dma_start3A = arith.constant 0 : i32
      %dma_start3A_20 = arith.constant 0 : i32
      %dma_start3A_21 = tpu.memref_slice %arg2[%dma_start3A, %dma_start3A_20] : memref<10000x128xf32, #tpu.memory_space<hbm>> -> memref<10000x128xf32, #tpu.memory_space<hbm>>
      tpu.enqueue_indirect_dma source(%dma_start3A_21 : memref<10000x128xf32, #tpu.memory_space<hbm>>) target(%arg10 : memref<128x128xf32, #tpu.memory_space<vmem>>) offsets(%arg8 : memref<128xi32, #tpu.memory_space<vmem>>) semaphore(%arg12 : memref<!tpu.dma_semaphore, #tpu.memory_space<semaphore_mem>>)
      %dma_start3A_22 = arith.constant 0 : i32
      %dma_start3A_23 = arith.constant 0 : i32
      %dma_start3A_24 = tpu.memref_slice %arg3[%dma_start3A_22, %dma_start3A_23] : memref<10000x128xf32, #tpu.memory_space<hbm>> -> memref<10000x128xf32, #tpu.memory_space<hbm>>
      tpu.enqueue_indirect_dma source(%dma_start3A_24 : memref<10000x128xf32, #tpu.memory_space<hbm>>) target(%arg11 : memref<128x128xf32, #tpu.memory_space<vmem>>) offsets(%arg9 : memref<128xi32, #tpu.memory_space<vmem>>) semaphore(%arg13 : memref<!tpu.dma_semaphore, #tpu.memory_space<semaphore_mem>>)
      %dma_wait3A = arith.constant 0 : i32
      %dma_wait3A_25 = arith.constant 0 : i32
      %dma_wait3A_26 = tpu.memref_slice %arg2[%dma_wait3A, %dma_wait3A_25] : memref<10000x128xf32, #tpu.memory_space<hbm>> -> memref<10000x128xf32, #tpu.memory_space<hbm>>
      tpu.wait_indirect_dma semaphore(%arg12 : memref<!tpu.dma_semaphore, #tpu.memory_space<semaphore_mem>>) src(%dma_wait3A_26 : memref<10000x128xf32, #tpu.memory_space<hbm>>) dst(%arg10 : memref<128x128xf32, #tpu.memory_space<vmem>>)
      "tpu.region"() ({
        %run_scoped3A = tpu.sem_alloc : memref<!tpu.dma_semaphore, #tpu.memory_space<semaphore_mem>>
        %dma_start3A_30 = arith.constant 0 : i32
        %dma_start3A_31 = tpu.memref_slice %arg6[%mul3A_19, %dma_start3A_30] : memref<160000x128xf32, #tpu.memory_space<hbm>> -> memref<128x128xf32, #tpu.memory_space<hbm>>
        %dma_start3A_32 = arith.constant 0 : i32
        %dma_start3A_33 = tpu.memref_slice %arg6[%mul3A_19, %dma_start3A_32] : memref<160000x128xf32, #tpu.memory_space<hbm>> -> memref<128x128xf32, #tpu.memory_space<hbm>>
        tpu.enqueue_dma source(%arg10 : memref<128x128xf32, #tpu.memory_space<vmem>>) target(%dma_start3A_33 : memref<128x128xf32, #tpu.memory_space<hbm>>) target_semaphore(%run_scoped3A : memref<!tpu.dma_semaphore, #tpu.memory_space<semaphore_mem>>)
        %dma_wait3A_34 = arith.constant 0 : i32
        %dma_wait3A_35 = tpu.memref_slice %arg6[%mul3A_19, %dma_wait3A_34] : memref<160000x128xf32, #tpu.memory_space<hbm>> -> memref<128x128xf32, #tpu.memory_space<hbm>>
        %dma_wait3A_36 = arith.constant 0 : i32
        %dma_wait3A_37 = tpu.memref_slice %arg6[%mul3A_19, %dma_wait3A_36] : memref<160000x128xf32, #tpu.memory_space<hbm>> -> memref<128x128xf32, #tpu.memory_space<hbm>>
        tpu.wait_dma2 semaphore(%run_scoped3A : memref<!tpu.dma_semaphore, #tpu.memory_space<semaphore_mem>>) src(%arg10 : memref<128x128xf32, #tpu.memory_space<vmem>>) dst(%dma_wait3A_37 : memref<128x128xf32, #tpu.memory_space<hbm>>)
        tpu.yield
      }) : () -> ()
      %dma_wait3A_27 = arith.constant 0 : i32
      %dma_wait3A_28 = arith.constant 0 : i32
      %dma_wait3A_29 = tpu.memref_slice %arg3[%dma_wait3A_27, %dma_wait3A_28] : memref<10000x128xf32, #tpu.memory_space<hbm>> -> memref<10000x128xf32, #tpu.memory_space<hbm>>
      tpu.wait_indirect_dma semaphore(%arg13 : memref<!tpu.dma_semaphore, #tpu.memory_space<semaphore_mem>>) src(%dma_wait3A_29 : memref<10000x128xf32, #tpu.memory_space<hbm>>) dst(%arg11 : memref<128x128xf32, #tpu.memory_space<vmem>>)
      "tpu.region"() ({
        %run_scoped3A = tpu.sem_alloc : memref<!tpu.dma_semaphore, #tpu.memory_space<semaphore_mem>>
        %dma_start3A_30 = arith.constant 0 : i32
        %dma_start3A_31 = tpu.memref_slice %arg7[%mul3A_19, %dma_start3A_30] : memref<160000x128xf32, #tpu.memory_space<hbm>> -> memref<128x128xf32, #tpu.memory_space<hbm>>
        %dma_start3A_32 = arith.constant 0 : i32
        %dma_start3A_33 = tpu.memref_slice %arg7[%mul3A_19, %dma_start3A_32] : memref<160000x128xf32, #tpu.memory_space<hbm>> -> memref<128x128xf32, #tpu.memory_space<hbm>>
        tpu.enqueue_dma source(%arg11 : memref<128x128xf32, #tpu.memory_space<vmem>>) target(%dma_start3A_33 : memref<128x128xf32, #tpu.memory_space<hbm>>) target_semaphore(%run_scoped3A : memref<!tpu.dma_semaphore, #tpu.memory_space<semaphore_mem>>)
        %dma_wait3A_34 = arith.constant 0 : i32
        %dma_wait3A_35 = tpu.memref_slice %arg7[%mul3A_19, %dma_wait3A_34] : memref<160000x128xf32, #tpu.memory_space<hbm>> -> memref<128x128xf32, #tpu.memory_space<hbm>>
        %dma_wait3A_36 = arith.constant 0 : i32
        %dma_wait3A_37 = tpu.memref_slice %arg7[%mul3A_19, %dma_wait3A_36] : memref<160000x128xf32, #tpu.memory_space<hbm>> -> memref<128x128xf32, #tpu.memory_space<hbm>>
        tpu.wait_dma2 semaphore(%run_scoped3A : memref<!tpu.dma_semaphore, #tpu.memory_space<semaphore_mem>>) src(%arg11 : memref<128x128xf32, #tpu.memory_space<vmem>>) dst(%dma_wait3A_37 : memref<128x128xf32, #tpu.memory_space<hbm>>)
        tpu.yield
      }) : () -> ()
    }
    %while3A_13 = arith.constant 1 : i32
    scf.for %while3A_14 = %while3A_11 to %while3A_7 step %while3A_13  : i32 {
      %mul3A_15 = arith.constant 32 : i32
      %mul3A_16 = arith.muli %while3A_14, %mul3A_15 : i32
      %add3A_17 = arith.addi %add3A, %mul3A_16 : i32
      %mul3A_18 = arith.constant 128 : i32
      %mul3A_19 = arith.muli %add3A_17, %mul3A_18 : i32
      "tpu.region"() ({
        %run_scoped3A = tpu.sem_alloc : memref<!tpu.dma_semaphore, #tpu.memory_space<semaphore_mem>>
        %dma_start3A_30 = tpu.memref_slice %arg4[%mul3A_19] : memref<160000xi32, #tpu.memory_space<hbm>> -> memref<128xi32, #tpu.memory_space<hbm>>
        %dma_start3A_31 = tpu.memref_slice %arg4[%mul3A_19] : memref<160000xi32, #tpu.memory_space<hbm>> -> memref<128xi32, #tpu.memory_space<hbm>>
        tpu.enqueue_dma source(%dma_start3A_31 : memref<128xi32, #tpu.memory_space<hbm>>) target(%arg8 : memref<128xi32, #tpu.memory_space<vmem>>) target_semaphore(%run_scoped3A : memref<!tpu.dma_semaphore, #tpu.memory_space<semaphore_mem>>)
        %dma_wait3A_32 = tpu.memref_slice %arg4[%mul3A_19] : memref<160000xi32, #tpu.memory_space<hbm>> -> memref<128xi32, #tpu.memory_space<hbm>>
        %dma_wait3A_33 = tpu.memref_slice %arg4[%mul3A_19] : memref<160000xi32, #tpu.memory_space<hbm>> -> memref<128xi32, #tpu.memory_space<hbm>>
        tpu.wait_dma2 semaphore(%run_scoped3A : memref<!tpu.dma_semaphore, #tpu.memory_space<semaphore_mem>>) src(%dma_wait3A_33 : memref<128xi32, #tpu.memory_space<hbm>>) dst(%arg8 : memref<128xi32, #tpu.memory_space<vmem>>)
        tpu.yield
      }) : () -> ()
      "tpu.region"() ({
        %run_scoped3A = tpu.sem_alloc : memref<!tpu.dma_semaphore, #tpu.memory_space<semaphore_mem>>
        %dma_start3A_30 = tpu.memref_slice %arg5[%mul3A_19] : memref<160000xi32, #tpu.memory_space<hbm>> -> memref<128xi32, #tpu.memory_space<hbm>>
        %dma_start3A_31 = tpu.memref_slice %arg5[%mul3A_19] : memref<160000xi32, #tpu.memory_space<hbm>> -> memref<128xi32, #tpu.memory_space<hbm>>
        tpu.enqueue_dma source(%dma_start3A_31 : memref<128xi32, #tpu.memory_space<hbm>>) target(%arg9 : memref<128xi32, #tpu.memory_space<vmem>>) target_semaphore(%run_scoped3A : memref<!tpu.dma_semaphore, #tpu.memory_space<semaphore_mem>>)
        %dma_wait3A_32 = tpu.memref_slice %arg5[%mul3A_19] : memref<160000xi32, #tpu.memory_space<hbm>> -> memref<128xi32, #tpu.memory_space<hbm>>
        %dma_wait3A_33 = tpu.memref_slice %arg5[%mul3A_19] : memref<160000xi32, #tpu.memory_space<hbm>> -> memref<128xi32, #tpu.memory_space<hbm>>
        tpu.wait_dma2 semaphore(%run_scoped3A : memref<!tpu.dma_semaphore, #tpu.memory_space<semaphore_mem>>) src(%dma_wait3A_33 : memref<128xi32, #tpu.memory_space<hbm>>) dst(%arg9 : memref<128xi32, #tpu.memory_space<vmem>>)
        tpu.yield
      }) : () -> ()
      %dma_start3A = arith.constant 0 : i32
      %dma_start3A_20 = arith.constant 0 : i32
      %dma_start3A_21 = tpu.memref_slice %arg2[%dma_start3A, %dma_start3A_20] : memref<10000x128xf32, #tpu.memory_space<hbm>> -> memref<10000x128xf32, #tpu.memory_space<hbm>>
      tpu.enqueue_indirect_dma source(%dma_start3A_21 : memref<10000x128xf32, #tpu.memory_space<hbm>>) target(%arg10 : memref<128x128xf32, #tpu.memory_space<vmem>>) offsets(%arg8 : memref<128xi32, #tpu.memory_space<vmem>>) semaphore(%arg12 : memref<!tpu.dma_semaphore, #tpu.memory_space<semaphore_mem>>)
      %dma_start3A_22 = arith.constant 0 : i32
      %dma_start3A_23 = arith.constant 0 : i32
      %dma_start3A_24 = tpu.memref_slice %arg3[%dma_start3A_22, %dma_start3A_23] : memref<10000x128xf32, #tpu.memory_space<hbm>> -> memref<10000x128xf32, #tpu.memory_space<hbm>>
      tpu.enqueue_indirect_dma source(%dma_start3A_24 : memref<10000x128xf32, #tpu.memory_space<hbm>>) target(%arg11 : memref<128x128xf32, #tpu.memory_space<vmem>>) offsets(%arg9 : memref<128xi32, #tpu.memory_space<vmem>>) semaphore(%arg13 : memref<!tpu.dma_semaphore, #tpu.memory_space<semaphore_mem>>)
      %dma_wait3A = arith.constant 0 : i32
      %dma_wait3A_25 = arith.constant 0 : i32
      %dma_wait3A_26 = tpu.memref_slice %arg2[%dma_wait3A, %dma_wait3A_25] : memref<10000x128xf32, #tpu.memory_space<hbm>> -> memref<10000x128xf32, #tpu.memory_space<hbm>>
      tpu.wait_indirect_dma semaphore(%arg12 : memref<!tpu.dma_semaphore, #tpu.memory_space<semaphore_mem>>) src(%dma_wait3A_26 : memref<10000x128xf32, #tpu.memory_space<hbm>>) dst(%arg10 : memref<128x128xf32, #tpu.memory_space<vmem>>)
      "tpu.region"() ({
        %run_scoped3A = tpu.sem_alloc : memref<!tpu.dma_semaphore, #tpu.memory_space<semaphore_mem>>
        %dma_start3A_30 = arith.constant 0 : i32
        %dma_start3A_31 = tpu.memref_slice %arg6[%mul3A_19, %dma_start3A_30] : memref<160000x128xf32, #tpu.memory_space<hbm>> -> memref<128x128xf32, #tpu.memory_space<hbm>>
        %dma_start3A_32 = arith.constant 0 : i32
        %dma_start3A_33 = tpu.memref_slice %arg6[%mul3A_19, %dma_start3A_32] : memref<160000x128xf32, #tpu.memory_space<hbm>> -> memref<128x128xf32, #tpu.memory_space<hbm>>
        tpu.enqueue_dma source(%arg10 : memref<128x128xf32, #tpu.memory_space<vmem>>) target(%dma_start3A_33 : memref<128x128xf32, #tpu.memory_space<hbm>>) target_semaphore(%run_scoped3A : memref<!tpu.dma_semaphore, #tpu.memory_space<semaphore_mem>>)
        %dma_wait3A_34 = arith.constant 0 : i32
        %dma_wait3A_35 = tpu.memref_slice %arg6[%mul3A_19, %dma_wait3A_34] : memref<160000x128xf32, #tpu.memory_space<hbm>> -> memref<128x128xf32, #tpu.memory_space<hbm>>
        %dma_wait3A_36 = arith.constant 0 : i32
        %dma_wait3A_37 = tpu.memref_slice %arg6[%mul3A_19, %dma_wait3A_36] : memref<160000x128xf32, #tpu.memory_space<hbm>> -> memref<128x128xf32, #tpu.memory_space<hbm>>
        tpu.wait_dma2 semaphore(%run_scoped3A : memref<!tpu.dma_semaphore, #tpu.memory_space<semaphore_mem>>) src(%arg10 : memref<128x128xf32, #tpu.memory_space<vmem>>) dst(%dma_wait3A_37 : memref<128x128xf32, #tpu.memory_space<hbm>>)
        tpu.yield
      }) : () -> ()
      %dma_wait3A_27 = arith.constant 0 : i32
      %dma_wait3A_28 = arith.constant 0 : i32
      %dma_wait3A_29 = tpu.memref_slice %arg3[%dma_wait3A_27, %dma_wait3A_28] : memref<10000x128xf32, #tpu.memory_space<hbm>> -> memref<10000x128xf32, #tpu.memory_space<hbm>>
      tpu.wait_indirect_dma semaphore(%arg13 : memref<!tpu.dma_semaphore, #tpu.memory_space<semaphore_mem>>) src(%dma_wait3A_29 : memref<10000x128xf32, #tpu.memory_space<hbm>>) dst(%arg11 : memref<128x128xf32, #tpu.memory_space<vmem>>)
      "tpu.region"() ({
        %run_scoped3A = tpu.sem_alloc : memref<!tpu.dma_semaphore, #tpu.memory_space<semaphore_mem>>
        %dma_start3A_30 = arith.constant 0 : i32
        %dma_start3A_31 = tpu.memref_slice %arg7[%mul3A_19, %dma_start3A_30] : memref<160000x128xf32, #tpu.memory_space<hbm>> -> memref<128x128xf32, #tpu.memory_space<hbm>>
        %dma_start3A_32 = arith.constant 0 : i32
        %dma_start3A_33 = tpu.memref_slice %arg7[%mul3A_19, %dma_start3A_32] : memref<160000x128xf32, #tpu.memory_space<hbm>> -> memref<128x128xf32, #tpu.memory_space<hbm>>
        tpu.enqueue_dma source(%arg11 : memref<128x128xf32, #tpu.memory_space<vmem>>) target(%dma_start3A_33 : memref<128x128xf32, #tpu.memory_space<hbm>>) target_semaphore(%run_scoped3A : memref<!tpu.dma_semaphore, #tpu.memory_space<semaphore_mem>>)
        %dma_wait3A_34 = arith.constant 0 : i32
        %dma_wait3A_35 = tpu.memref_slice %arg7[%mul3A_19, %dma_wait3A_34] : memref<160000x128xf32, #tpu.memory_space<hbm>> -> memref<128x128xf32, #tpu.memory_space<hbm>>
        %dma_wait3A_36 = arith.constant 0 : i32
        %dma_wait3A_37 = tpu.memref_slice %arg7[%mul3A_19, %dma_wait3A_36] : memref<160000x128xf32, #tpu.memory_space<hbm>> -> memref<128x128xf32, #tpu.memory_space<hbm>>
        tpu.wait_dma2 semaphore(%run_scoped3A : memref<!tpu.dma_semaphore, #tpu.memory_space<semaphore_mem>>) src(%arg11 : memref<128x128xf32, #tpu.memory_space<vmem>>) dst(%dma_wait3A_37 : memref<128x128xf32, #tpu.memory_space<hbm>>)
        tpu.yield
      }) : () -> ()
    }
    return
  }
}

#map = affine_map<(d0, d1) -> (0, 0)>
#map1 = affine_map<(d0, d1) -> (0)>
module attributes {stable_mosaic.version = 14 : i64} {
  func.func @_sc_scatter(%arg0: i32, %arg1: i32, %arg2: memref<160000x128xf32, #tpu.memory_space<hbm>>, %arg3: memref<160000xi32, #tpu.memory_space<hbm>>, %arg4: memref<160000xi32, #tpu.memory_space<hbm>>, %arg5: memref<10000x128xf32, #tpu.memory_space<hbm>>, %arg6: memref<10000x128xf32, #tpu.memory_space<hbm>>, %arg7: memref<128xi32, #tpu.memory_space<vmem>>, %arg8: memref<128x128xf32, #tpu.memory_space<vmem>>, %arg9: memref<80x128xf32, #tpu.memory_space<vmem>>, %arg10: memref<10000x128xf32, #tpu.memory_space<vmem_shared>>) attributes {dimension_semantics = [#tpu.dimension_semantics<core_parallel>, #tpu.dimension_semantics<subcore_parallel>], iteration_bounds = array<i64: 2, 16>, scalar_prefetch = 0 : i64, scratch_operands = 4 : i64, tpu.core_type = #tpu.core_type<sc_vector_subcore>, window_params = [{transform_indices = #map}, {transform_indices = #map1}, {transform_indices = #map1}, {transform_indices = #map}, {transform_indices = #map}]} {
    %eq3A = arith.constant 0 : i32
    %eq3A_0 = arith.cmpi eq, %arg0, %eq3A : i32
    %convert_element_type3A = arith.extui %eq3A_0 : i1 to i32
    %cond3A = arith.constant 0 : i32
    %cond3A_1 = arith.cmpi ne, %convert_element_type3A, %cond3A : i32
    scf.if %cond3A_1 {
      %broadcast_in_dim3A = arith.constant 0.000000e+00 : f32
      %broadcast_in_dim3A_7 = vector.broadcast %broadcast_in_dim3A : f32 to vector<16xf32>
      %scan3A = arith.constant 0 : i32
      %scan3A_8 = arith.constant 0 : i32
      %scan3A_9 = arith.constant 640 : i32
      %scan3A_10 = arith.addi %scan3A_8, %scan3A_9 : i32
      %scan3A_11 = arith.constant 1 : i32
      scf.for %scan3A_53 = %scan3A_8 to %scan3A_10 step %scan3A_11  : i32 {
        %jit3A_54 = arith.constant 8 : i32
        %div3A = arith.divsi %scan3A_53, %jit3A_54 : i32
        %sign3A = arith.constant 0 : i32
        %sign3A_55 = arith.cmpi sgt, %scan3A_53, %sign3A : i32
        %sign3A_56 = arith.extui %sign3A_55 : i1 to i32
        %sign3A_57 = arith.constant 0 : i32
        %sign3A_58 = arith.cmpi slt, %scan3A_53, %sign3A_57 : i32
        %sign3A_59 = arith.extui %sign3A_58 : i1 to i32
        %sign3A_60 = arith.subi %sign3A_56, %sign3A_59 : i32
        %sign3A_61 = arith.constant 0 : i32
        %sign3A_62 = arith.cmpi sgt, %jit3A_54, %sign3A_61 : i32
        %sign3A_63 = arith.extui %sign3A_62 : i1 to i32
        %sign3A_64 = arith.constant 0 : i32
        %sign3A_65 = arith.cmpi slt, %jit3A_54, %sign3A_64 : i32
        %sign3A_66 = arith.extui %sign3A_65 : i1 to i32
        %sign3A_67 = arith.subi %sign3A_63, %sign3A_66 : i32
        %ne3A = arith.cmpi ne, %sign3A_60, %sign3A_67 : i32
        %rem3A = arith.remsi %scan3A_53, %jit3A_54 : i32
        %ne3A_68 = arith.constant 0 : i32
        %ne3A_69 = arith.cmpi ne, %rem3A, %ne3A_68 : i32
        %and3A = arith.andi %ne3A, %ne3A_69 : i1
        %sub3A = arith.constant 1 : i32
        %sub3A_70 = arith.subi %div3A, %sub3A : i32
        %select_n3A_71 = arith.select %and3A, %sub3A_70, %div3A : i32
        %jit3A_72 = arith.constant 8 : i32
        %eq3A_73 = arith.constant 0 : i32
        %eq3A_74 = arith.cmpi eq, %jit3A_72, %eq3A_73 : i32
        %jit3A_75 = arith.constant 1 : i32
        %select_n3A_76 = arith.select %eq3A_74, %jit3A_75, %jit3A_72 : i32
        %rem3A_77 = arith.remsi %scan3A_53, %select_n3A_76 : i32
        %ne3A_78 = arith.constant 0 : i32
        %ne3A_79 = arith.cmpi ne, %rem3A_77, %ne3A_78 : i32
        %lt3A_80 = arith.constant 0 : i32
        %lt3A_81 = arith.cmpi slt, %rem3A_77, %lt3A_80 : i32
        %lt3A_82 = arith.constant 0 : i32
        %lt3A_83 = arith.cmpi slt, %select_n3A_76, %lt3A_82 : i32
        %ne3A_84 = arith.xori %lt3A_81, %lt3A_83 : i1
        %and3A_85 = arith.andi %ne3A_84, %ne3A_79 : i1
        %add3A_86 = arith.addi %rem3A_77, %select_n3A_76 : i32
        %select_n3A_87 = arith.select %and3A_85, %add3A_86, %rem3A_77 : i32
        %mul3A = arith.constant 16 : i32
        %mul3A_88 = arith.muli %select_n3A_87, %mul3A : i32
        %swap3A = arith.index_cast %select_n3A_71 : i32 to index
        %swap3A_89 = arith.index_cast %mul3A_88 : i32 to index
        %swap3A_90 = tpu.vector_load %arg9[%swap3A, %swap3A_89] {strides = array<i32>} : memref<80x128xf32, #tpu.memory_space<vmem>>, vector<1x16xf32>,
        %swap3A_91 = vector.shape_cast %swap3A_90 : vector<1x16xf32> to vector<16xf32>
        %swap3A_92 = vector.shape_cast %broadcast_in_dim3A_7 : vector<16xf32> to vector<1x16xf32>
        tpu.vector_store %arg9[%swap3A, %swap3A_89], %swap3A_92 {strides = array<i32>} : memref<80x128xf32, #tpu.memory_space<vmem>>, vector<1x16xf32>,
      }
      %scan3A_12 = arith.constant 640 : i32
      %lt3A = arith.constant 13 : i32
      %lt3A_13 = arith.cmpi slt, %arg1, %lt3A : i32
      %jit3A = arith.constant 1 : i32
      %jit3A_14 = arith.constant 0 : i32
      %select_n3A = arith.select %lt3A_13, %jit3A, %jit3A_14 : i32
      %add3A = arith.constant 7 : i32
      %add3A_15 = arith.addi %add3A, %select_n3A : i32
      %while3A = arith.constant 0 : i32
      %while3A_16 = arith.constant 0 : i32
      %while3A_17 = arith.subi %add3A_15, %while3A_16 : i32
      %while3A_18 = arith.addi %while3A_16, %while3A_17 : i32
      %while3A_19 = arith.constant 1 : i32
      %while3A_20 = arith.divsi %while3A_17, %while3A_19 : i32
      %while3A_21 = arith.muli %while3A_20, %while3A_19 : i32
      %while3A_22 = arith.addi %while3A_16, %while3A_21 : i32
      %while3A_23 = arith.constant 1 : i32
      scf.for %while3A_53 = %while3A_16 to %while3A_22 step %while3A_23  : i32 {
        %mul3A = arith.constant 16 : i32
        %mul3A_54 = arith.muli %while3A_53, %mul3A : i32
        %add3A_55 = arith.addi %arg1, %mul3A_54 : i32
        %mul3A_56 = arith.constant 80 : i32
        %mul3A_57 = arith.muli %add3A_55, %mul3A_56 : i32
        "tpu.region"() ({
          %run_scoped3A = tpu.sem_alloc : memref<!tpu.dma_semaphore, #tpu.memory_space<semaphore_mem>>
          %dma_start3A = arith.constant 0 : i32
          %dma_start3A_58 = tpu.memref_slice %arg10[%mul3A_57, %dma_start3A] : memref<10000x128xf32, #tpu.memory_space<vmem_shared>> -> memref<80x128xf32, #tpu.memory_space<vmem_shared>>
          %dma_start3A_59 = arith.constant 0 : i32
          %dma_start3A_60 = tpu.memref_slice %arg10[%mul3A_57, %dma_start3A_59] : memref<10000x128xf32, #tpu.memory_space<vmem_shared>> -> memref<80x128xf32, #tpu.memory_space<vmem_shared>>
          tpu.enqueue_dma source(%arg9 : memref<80x128xf32, #tpu.memory_space<vmem>>) target(%dma_start3A_60 : memref<80x128xf32, #tpu.memory_space<vmem_shared>>) target_semaphore(%run_scoped3A : memref<!tpu.dma_semaphore, #tpu.memory_space<semaphore_mem>>)
          %dma_wait3A = arith.constant 0 : i32
          %dma_wait3A_61 = tpu.memref_slice %arg10[%mul3A_57, %dma_wait3A] : memref<10000x128xf32, #tpu.memory_space<vmem_shared>> -> memref<80x128xf32, #tpu.memory_space<vmem_shared>>
          %dma_wait3A_62 = arith.constant 0 : i32
          %dma_wait3A_63 = tpu.memref_slice %arg10[%mul3A_57, %dma_wait3A_62] : memref<10000x128xf32, #tpu.memory_space<vmem_shared>> -> memref<80x128xf32, #tpu.memory_space<vmem_shared>>
          tpu.wait_dma2 semaphore(%run_scoped3A : memref<!tpu.dma_semaphore, #tpu.memory_space<semaphore_mem>>) src(%arg9 : memref<80x128xf32, #tpu.memory_space<vmem>>) dst(%dma_wait3A_63 : memref<80x128xf32, #tpu.memory_space<vmem_shared>>)
          tpu.yield
        }) : () -> ()
      }
      %while3A_24 = arith.constant 1 : i32
      scf.for %while3A_53 = %while3A_22 to %while3A_18 step %while3A_24  : i32 {
        %mul3A = arith.constant 16 : i32
        %mul3A_54 = arith.muli %while3A_53, %mul3A : i32
        %add3A_55 = arith.addi %arg1, %mul3A_54 : i32
        %mul3A_56 = arith.constant 80 : i32
        %mul3A_57 = arith.muli %add3A_55, %mul3A_56 : i32
        "tpu.region"() ({
          %run_scoped3A = tpu.sem_alloc : memref<!tpu.dma_semaphore, #tpu.memory_space<semaphore_mem>>
          %dma_start3A = arith.constant 0 : i32
          %dma_start3A_58 = tpu.memref_slice %arg10[%mul3A_57, %dma_start3A] : memref<10000x128xf32, #tpu.memory_space<vmem_shared>> -> memref<80x128xf32, #tpu.memory_space<vmem_shared>>
          %dma_start3A_59 = arith.constant 0 : i32
          %dma_start3A_60 = tpu.memref_slice %arg10[%mul3A_57, %dma_start3A_59] : memref<10000x128xf32, #tpu.memory_space<vmem_shared>> -> memref<80x128xf32, #tpu.memory_space<vmem_shared>>
          tpu.enqueue_dma source(%arg9 : memref<80x128xf32, #tpu.memory_space<vmem>>) target(%dma_start3A_60 : memref<80x128xf32, #tpu.memory_space<vmem_shared>>) target_semaphore(%run_scoped3A : memref<!tpu.dma_semaphore, #tpu.memory_space<semaphore_mem>>)
          %dma_wait3A = arith.constant 0 : i32
          %dma_wait3A_61 = tpu.memref_slice %arg10[%mul3A_57, %dma_wait3A] : memref<10000x128xf32, #tpu.memory_space<vmem_shared>> -> memref<80x128xf32, #tpu.memory_space<vmem_shared>>
          %dma_wait3A_62 = arith.constant 0 : i32
          %dma_wait3A_63 = tpu.memref_slice %arg10[%mul3A_57, %dma_wait3A_62] : memref<10000x128xf32, #tpu.memory_space<vmem_shared>> -> memref<80x128xf32, #tpu.memory_space<vmem_shared>>
          tpu.wait_dma2 semaphore(%run_scoped3A : memref<!tpu.dma_semaphore, #tpu.memory_space<semaphore_mem>>) src(%arg9 : memref<80x128xf32, #tpu.memory_space<vmem>>) dst(%dma_wait3A_63 : memref<80x128xf32, #tpu.memory_space<vmem_shared>>)
          tpu.yield
        }) : () -> ()
      }
      %barrier3A = arith.constant 0 : index
      tpu.barrier barrier_id(%barrier3A)
      %lt3A_25 = arith.constant 2 : i32
      %lt3A_26 = arith.cmpi slt, %arg1, %lt3A_25 : i32
      %jit3A_27 = arith.constant 1 : i32
      %jit3A_28 = arith.constant 0 : i32
      %select_n3A_29 = arith.select %lt3A_26, %jit3A_27, %jit3A_28 : i32
      %add3A_30 = arith.constant 78 : i32
      %add3A_31 = arith.addi %add3A_30, %select_n3A_29 : i32
      %while3A_32 = arith.constant 0 : i32
      %while3A_33 = arith.constant 0 : i32
      %while3A_34 = arith.subi %add3A_31, %while3A_33 : i32
      %while3A_35 = arith.addi %while3A_33, %while3A_34 : i32
      %while3A_36 = arith.constant 1 : i32
      %while3A_37 = arith.divsi %while3A_34, %while3A_36 : i32
      %while3A_38 = arith.muli %while3A_37, %while3A_36 : i32
      %while3A_39 = arith.addi %while3A_33, %while3A_38 : i32
      %while3A_40 = arith.constant 1 : i32
      scf.for %while3A_53 = %while3A_33 to %while3A_39 step %while3A_40  : i32 {
        %mul3A = arith.constant 16 : i32
        %mul3A_54 = arith.muli %while3A_53, %mul3A : i32
        %add3A_55 = arith.addi %arg1, %mul3A_54 : i32
        %mul3A_56 = arith.constant 128 : i32
        %mul3A_57 = arith.muli %add3A_55, %mul3A_56 : i32
        "tpu.region"() ({
          %run_scoped3A = tpu.sem_alloc : memref<!tpu.dma_semaphore, #tpu.memory_space<semaphore_mem>>
          %dma_start3A = tpu.memref_slice %arg4[%mul3A_57] : memref<160000xi32, #tpu.memory_space<hbm>> -> memref<128xi32, #tpu.memory_space<hbm>>
          %dma_start3A_58 = tpu.memref_slice %arg4[%mul3A_57] : memref<160000xi32, #tpu.memory_space<hbm>> -> memref<128xi32, #tpu.memory_space<hbm>>
          tpu.enqueue_dma source(%dma_start3A_58 : memref<128xi32, #tpu.memory_space<hbm>>) target(%arg7 : memref<128xi32, #tpu.memory_space<vmem>>) target_semaphore(%run_scoped3A : memref<!tpu.dma_semaphore, #tpu.memory_space<semaphore_mem>>)
          %dma_wait3A = tpu.memref_slice %arg4[%mul3A_57] : memref<160000xi32, #tpu.memory_space<hbm>> -> memref<128xi32, #tpu.memory_space<hbm>>
          %dma_wait3A_59 = tpu.memref_slice %arg4[%mul3A_57] : memref<160000xi32, #tpu.memory_space<hbm>> -> memref<128xi32, #tpu.memory_space<hbm>>
          tpu.wait_dma2 semaphore(%run_scoped3A : memref<!tpu.dma_semaphore, #tpu.memory_space<semaphore_mem>>) src(%dma_wait3A_59 : memref<128xi32, #tpu.memory_space<hbm>>) dst(%arg7 : memref<128xi32, #tpu.memory_space<vmem>>)
          tpu.yield
        }) : () -> ()
        "tpu.region"() ({
          %run_scoped3A = tpu.sem_alloc : memref<!tpu.dma_semaphore, #tpu.memory_space<semaphore_mem>>
          %dma_start3A = arith.constant 0 : i32
          %dma_start3A_58 = tpu.memref_slice %arg2[%mul3A_57, %dma_start3A] : memref<160000x128xf32, #tpu.memory_space<hbm>> -> memref<128x128xf32, #tpu.memory_space<hbm>>
          %dma_start3A_59 = arith.constant 0 : i32
          %dma_start3A_60 = tpu.memref_slice %arg2[%mul3A_57, %dma_start3A_59] : memref<160000x128xf32, #tpu.memory_space<hbm>> -> memref<128x128xf32, #tpu.memory_space<hbm>>
          tpu.enqueue_dma source(%dma_start3A_60 : memref<128x128xf32, #tpu.memory_space<hbm>>) target(%arg8 : memref<128x128xf32, #tpu.memory_space<vmem>>) target_semaphore(%run_scoped3A : memref<!tpu.dma_semaphore, #tpu.memory_space<semaphore_mem>>)
          %dma_wait3A = arith.constant 0 : i32
          %dma_wait3A_61 = tpu.memref_slice %arg2[%mul3A_57, %dma_wait3A] : memref<160000x128xf32, #tpu.memory_space<hbm>> -> memref<128x128xf32, #tpu.memory_space<hbm>>
          %dma_wait3A_62 = arith.constant 0 : i32
          %dma_wait3A_63 = tpu.memref_slice %arg2[%mul3A_57, %dma_wait3A_62] : memref<160000x128xf32, #tpu.memory_space<hbm>> -> memref<128x128xf32, #tpu.memory_space<hbm>>
          tpu.wait_dma2 semaphore(%run_scoped3A : memref<!tpu.dma_semaphore, #tpu.memory_space<semaphore_mem>>) src(%dma_wait3A_63 : memref<128x128xf32, #tpu.memory_space<hbm>>) dst(%arg8 : memref<128x128xf32, #tpu.memory_space<vmem>>)
          tpu.yield
        }) : () -> ()
        "tpu.region"() ({
          %run_scoped3A = tpu.sem_alloc : memref<!tpu.dma_semaphore, #tpu.memory_space<semaphore_mem>>
          %dma_start3A = arith.constant 0 : i32
          %dma_start3A_58 = arith.constant 0 : i32
          %dma_start3A_59 = tpu.memref_slice %arg10[%dma_start3A, %dma_start3A_58] : memref<10000x128xf32, #tpu.memory_space<vmem_shared>> -> memref<10000x128xf32, #tpu.memory_space<vmem_shared>>
          tpu.enqueue_indirect_dma source(%arg8 : memref<128x128xf32, #tpu.memory_space<vmem>>) target(%dma_start3A_59 : memref<10000x128xf32, #tpu.memory_space<vmem_shared>>) offsets(%arg7 : memref<128xi32, #tpu.memory_space<vmem>>) semaphore(%run_scoped3A : memref<!tpu.dma_semaphore, #tpu.memory_space<semaphore_mem>>) {add = true}
          %dma_wait3A = arith.constant 0 : i32
          %dma_wait3A_60 = arith.constant 0 : i32
          %dma_wait3A_61 = tpu.memref_slice %arg10[%dma_wait3A, %dma_wait3A_60] : memref<10000x128xf32, #tpu.memory_space<vmem_shared>> -> memref<10000x128xf32, #tpu.memory_space<vmem_shared>>
          tpu.wait_indirect_dma semaphore(%run_scoped3A : memref<!tpu.dma_semaphore, #tpu.memory_space<semaphore_mem>>) src(%arg8 : memref<128x128xf32, #tpu.memory_space<vmem>>) dst(%dma_wait3A_61 : memref<10000x128xf32, #tpu.memory_space<vmem_shared>>)
          tpu.yield
        }) : () -> ()
      }
      %while3A_41 = arith.constant 1 : i32
      scf.for %while3A_53 = %while3A_39 to %while3A_35 step %while3A_41  : i32 {
        %mul3A = arith.constant 16 : i32
        %mul3A_54 = arith.muli %while3A_53, %mul3A : i32
        %add3A_55 = arith.addi %arg1, %mul3A_54 : i32
        %mul3A_56 = arith.constant 128 : i32
        %mul3A_57 = arith.muli %add3A_55, %mul3A_56 : i32
        "tpu.region"() ({
          %run_scoped3A = tpu.sem_alloc : memref<!tpu.dma_semaphore, #tpu.memory_space<semaphore_mem>>
          %dma_start3A = tpu.memref_slice %arg4[%mul3A_57] : memref<160000xi32, #tpu.memory_space<hbm>> -> memref<128xi32, #tpu.memory_space<hbm>>
          %dma_start3A_58 = tpu.memref_slice %arg4[%mul3A_57] : memref<160000xi32, #tpu.memory_space<hbm>> -> memref<128xi32, #tpu.memory_space<hbm>>
          tpu.enqueue_dma source(%dma_start3A_58 : memref<128xi32, #tpu.memory_space<hbm>>) target(%arg7 : memref<128xi32, #tpu.memory_space<vmem>>) target_semaphore(%run_scoped3A : memref<!tpu.dma_semaphore, #tpu.memory_space<semaphore_mem>>)
          %dma_wait3A = tpu.memref_slice %arg4[%mul3A_57] : memref<160000xi32, #tpu.memory_space<hbm>> -> memref<128xi32, #tpu.memory_space<hbm>>
          %dma_wait3A_59 = tpu.memref_slice %arg4[%mul3A_57] : memref<160000xi32, #tpu.memory_space<hbm>> -> memref<128xi32, #tpu.memory_space<hbm>>
          tpu.wait_dma2 semaphore(%run_scoped3A : memref<!tpu.dma_semaphore, #tpu.memory_space<semaphore_mem>>) src(%dma_wait3A_59 : memref<128xi32, #tpu.memory_space<hbm>>) dst(%arg7 : memref<128xi32, #tpu.memory_space<vmem>>)
          tpu.yield
        }) : () -> ()
        "tpu.region"() ({
          %run_scoped3A = tpu.sem_alloc : memref<!tpu.dma_semaphore, #tpu.memory_space<semaphore_mem>>
          %dma_start3A = arith.constant 0 : i32
          %dma_start3A_58 = tpu.memref_slice %arg2[%mul3A_57, %dma_start3A] : memref<160000x128xf32, #tpu.memory_space<hbm>> -> memref<128x128xf32, #tpu.memory_space<hbm>>
          %dma_start3A_59 = arith.constant 0 : i32
          %dma_start3A_60 = tpu.memref_slice %arg2[%mul3A_57, %dma_start3A_59] : memref<160000x128xf32, #tpu.memory_space<hbm>> -> memref<128x128xf32, #tpu.memory_space<hbm>>
          tpu.enqueue_dma source(%dma_start3A_60 : memref<128x128xf32, #tpu.memory_space<hbm>>) target(%arg8 : memref<128x128xf32, #tpu.memory_space<vmem>>) target_semaphore(%run_scoped3A : memref<!tpu.dma_semaphore, #tpu.memory_space<semaphore_mem>>)
          %dma_wait3A = arith.constant 0 : i32
          %dma_wait3A_61 = tpu.memref_slice %arg2[%mul3A_57, %dma_wait3A] : memref<160000x128xf32, #tpu.memory_space<hbm>> -> memref<128x128xf32, #tpu.memory_space<hbm>>
          %dma_wait3A_62 = arith.constant 0 : i32
          %dma_wait3A_63 = tpu.memref_slice %arg2[%mul3A_57, %dma_wait3A_62] : memref<160000x128xf32, #tpu.memory_space<hbm>> -> memref<128x128xf32, #tpu.memory_space<hbm>>
          tpu.wait_dma2 semaphore(%run_scoped3A : memref<!tpu.dma_semaphore, #tpu.memory_space<semaphore_mem>>) src(%dma_wait3A_63 : memref<128x128xf32, #tpu.memory_space<hbm>>) dst(%arg8 : memref<128x128xf32, #tpu.memory_space<vmem>>)
          tpu.yield
        }) : () -> ()
        "tpu.region"() ({
          %run_scoped3A = tpu.sem_alloc : memref<!tpu.dma_semaphore, #tpu.memory_space<semaphore_mem>>
          %dma_start3A = arith.constant 0 : i32
          %dma_start3A_58 = arith.constant 0 : i32
          %dma_start3A_59 = tpu.memref_slice %arg10[%dma_start3A, %dma_start3A_58] : memref<10000x128xf32, #tpu.memory_space<vmem_shared>> -> memref<10000x128xf32, #tpu.memory_space<vmem_shared>>
          tpu.enqueue_indirect_dma source(%arg8 : memref<128x128xf32, #tpu.memory_space<vmem>>) target(%dma_start3A_59 : memref<10000x128xf32, #tpu.memory_space<vmem_shared>>) offsets(%arg7 : memref<128xi32, #tpu.memory_space<vmem>>) semaphore(%run_scoped3A : memref<!tpu.dma_semaphore, #tpu.memory_space<semaphore_mem>>) {add = true}
          %dma_wait3A = arith.constant 0 : i32
          %dma_wait3A_60 = arith.constant 0 : i32
          %dma_wait3A_61 = tpu.memref_slice %arg10[%dma_wait3A, %dma_wait3A_60] : memref<10000x128xf32, #tpu.memory_space<vmem_shared>> -> memref<10000x128xf32, #tpu.memory_space<vmem_shared>>
          tpu.wait_indirect_dma semaphore(%run_scoped3A : memref<!tpu.dma_semaphore, #tpu.memory_space<semaphore_mem>>) src(%arg8 : memref<128x128xf32, #tpu.memory_space<vmem>>) dst(%dma_wait3A_61 : memref<10000x128xf32, #tpu.memory_space<vmem_shared>>)
          tpu.yield
        }) : () -> ()
      }
      %barrier3A_42 = arith.constant 0 : index
      tpu.barrier barrier_id(%barrier3A_42)
      %while3A_43 = arith.constant 0 : i32
      %while3A_44 = arith.constant 0 : i32
      %while3A_45 = arith.subi %add3A_15, %while3A_44 : i32
      %while3A_46 = arith.addi %while3A_44, %while3A_45 : i32
      %while3A_47 = arith.constant 1 : i32
      %while3A_48 = arith.divsi %while3A_45, %while3A_47 : i32
      %while3A_49 = arith.muli %while3A_48, %while3A_47 : i32
      %while3A_50 = arith.addi %while3A_44, %while3A_49 : i32
      %while3A_51 = arith.constant 1 : i32
      scf.for %while3A_53 = %while3A_44 to %while3A_50 step %while3A_51  : i32 {
        %mul3A = arith.constant 16 : i32
        %mul3A_54 = arith.muli %while3A_53, %mul3A : i32
        %add3A_55 = arith.addi %arg1, %mul3A_54 : i32
        %mul3A_56 = arith.constant 80 : i32
        %mul3A_57 = arith.muli %add3A_55, %mul3A_56 : i32
        %mul3A_58 = arith.constant 80 : i32
        %mul3A_59 = arith.muli %add3A_55, %mul3A_58 : i32
        "tpu.region"() ({
          %run_scoped3A = tpu.sem_alloc : memref<!tpu.dma_semaphore, #tpu.memory_space<semaphore_mem>>
          %dma_start3A = arith.constant 0 : i32
          %dma_start3A_60 = tpu.memref_slice %arg5[%mul3A_59, %dma_start3A] : memref<10000x128xf32, #tpu.memory_space<hbm>> -> memref<80x128xf32, #tpu.memory_space<hbm>>
          %dma_start3A_61 = arith.constant 0 : i32
          %dma_start3A_62 = tpu.memref_slice %arg10[%mul3A_57, %dma_start3A_61] : memref<10000x128xf32, #tpu.memory_space<vmem_shared>> -> memref<80x128xf32, #tpu.memory_space<vmem_shared>>
          tpu.enqueue_dma source(%dma_start3A_62 : memref<80x128xf32, #tpu.memory_space<vmem_shared>>) target(%dma_start3A_60 : memref<80x128xf32, #tpu.memory_space<hbm>>) target_semaphore(%run_scoped3A : memref<!tpu.dma_semaphore, #tpu.memory_space<semaphore_mem>>)
          %dma_wait3A = arith.constant 0 : i32
          %dma_wait3A_63 = tpu.memref_slice %arg5[%mul3A_59, %dma_wait3A] : memref<10000x128xf32, #tpu.memory_space<hbm>> -> memref<80x128xf32, #tpu.memory_space<hbm>>
          %dma_wait3A_64 = arith.constant 0 : i32
          %dma_wait3A_65 = tpu.memref_slice %arg10[%mul3A_57, %dma_wait3A_64] : memref<10000x128xf32, #tpu.memory_space<vmem_shared>> -> memref<80x128xf32, #tpu.memory_space<vmem_shared>>
          tpu.wait_dma2 semaphore(%run_scoped3A : memref<!tpu.dma_semaphore, #tpu.memory_space<semaphore_mem>>) src(%dma_wait3A_65 : memref<80x128xf32, #tpu.memory_space<vmem_shared>>) dst(%dma_wait3A_63 : memref<80x128xf32, #tpu.memory_space<hbm>>)
          tpu.yield
        }) : () -> ()
      }
      %while3A_52 = arith.constant 1 : i32
      scf.for %while3A_53 = %while3A_50 to %while3A_46 step %while3A_52  : i32 {
        %mul3A = arith.constant 16 : i32
        %mul3A_54 = arith.muli %while3A_53, %mul3A : i32
        %add3A_55 = arith.addi %arg1, %mul3A_54 : i32
        %mul3A_56 = arith.constant 80 : i32
        %mul3A_57 = arith.muli %add3A_55, %mul3A_56 : i32
        %mul3A_58 = arith.constant 80 : i32
        %mul3A_59 = arith.muli %add3A_55, %mul3A_58 : i32
        "tpu.region"() ({
          %run_scoped3A = tpu.sem_alloc : memref<!tpu.dma_semaphore, #tpu.memory_space<semaphore_mem>>
          %dma_start3A = arith.constant 0 : i32
          %dma_start3A_60 = tpu.memref_slice %arg5[%mul3A_59, %dma_start3A] : memref<10000x128xf32, #tpu.memory_space<hbm>> -> memref<80x128xf32, #tpu.memory_space<hbm>>
          %dma_start3A_61 = arith.constant 0 : i32
          %dma_start3A_62 = tpu.memref_slice %arg10[%mul3A_57, %dma_start3A_61] : memref<10000x128xf32, #tpu.memory_space<vmem_shared>> -> memref<80x128xf32, #tpu.memory_space<vmem_shared>>
          tpu.enqueue_dma source(%dma_start3A_62 : memref<80x128xf32, #tpu.memory_space<vmem_shared>>) target(%dma_start3A_60 : memref<80x128xf32, #tpu.memory_space<hbm>>) target_semaphore(%run_scoped3A : memref<!tpu.dma_semaphore, #tpu.memory_space<semaphore_mem>>)
          %dma_wait3A = arith.constant 0 : i32
          %dma_wait3A_63 = tpu.memref_slice %arg5[%mul3A_59, %dma_wait3A] : memref<10000x128xf32, #tpu.memory_space<hbm>> -> memref<80x128xf32, #tpu.memory_space<hbm>>
          %dma_wait3A_64 = arith.constant 0 : i32
          %dma_wait3A_65 = tpu.memref_slice %arg10[%mul3A_57, %dma_wait3A_64] : memref<10000x128xf32, #tpu.memory_space<vmem_shared>> -> memref<80x128xf32, #tpu.memory_space<vmem_shared>>
          tpu.wait_dma2 semaphore(%run_scoped3A : memref<!tpu.dma_semaphore, #tpu.memory_space<semaphore_mem>>) src(%dma_wait3A_65 : memref<80x128xf32, #tpu.memory_space<vmem_shared>>) dst(%dma_wait3A_63 : memref<80x128xf32, #tpu.memory_space<hbm>>)
          tpu.yield
        }) : () -> ()
      }
    } else {
    }
    %eq3A_2 = arith.constant 1 : i32
    %eq3A_3 = arith.cmpi eq, %arg0, %eq3A_2 : i32
    %convert_element_type3A_4 = arith.extui %eq3A_3 : i1 to i32
    %cond3A_5 = arith.constant 0 : i32
    %cond3A_6 = arith.cmpi ne, %convert_element_type3A_4, %cond3A_5 : i32
    scf.if %cond3A_6 {
      %broadcast_in_dim3A = arith.constant 0.000000e+00 : f32
      %broadcast_in_dim3A_7 = vector.broadcast %broadcast_in_dim3A : f32 to vector<16xf32>
      %scan3A = arith.constant 0 : i32
      %scan3A_8 = arith.constant 0 : i32
      %scan3A_9 = arith.constant 640 : i32
      %scan3A_10 = arith.addi %scan3A_8, %scan3A_9 : i32
      %scan3A_11 = arith.constant 1 : i32
      scf.for %scan3A_53 = %scan3A_8 to %scan3A_10 step %scan3A_11  : i32 {
        %jit3A_54 = arith.constant 8 : i32
        %div3A = arith.divsi %scan3A_53, %jit3A_54 : i32
        %sign3A = arith.constant 0 : i32
        %sign3A_55 = arith.cmpi sgt, %scan3A_53, %sign3A : i32
        %sign3A_56 = arith.extui %sign3A_55 : i1 to i32
        %sign3A_57 = arith.constant 0 : i32
        %sign3A_58 = arith.cmpi slt, %scan3A_53, %sign3A_57 : i32
        %sign3A_59 = arith.extui %sign3A_58 : i1 to i32
        %sign3A_60 = arith.subi %sign3A_56, %sign3A_59 : i32
        %sign3A_61 = arith.constant 0 : i32
        %sign3A_62 = arith.cmpi sgt, %jit3A_54, %sign3A_61 : i32
        %sign3A_63 = arith.extui %sign3A_62 : i1 to i32
        %sign3A_64 = arith.constant 0 : i32
        %sign3A_65 = arith.cmpi slt, %jit3A_54, %sign3A_64 : i32
        %sign3A_66 = arith.extui %sign3A_65 : i1 to i32
        %sign3A_67 = arith.subi %sign3A_63, %sign3A_66 : i32
        %ne3A = arith.cmpi ne, %sign3A_60, %sign3A_67 : i32
        %rem3A = arith.remsi %scan3A_53, %jit3A_54 : i32
        %ne3A_68 = arith.constant 0 : i32
        %ne3A_69 = arith.cmpi ne, %rem3A, %ne3A_68 : i32
        %and3A = arith.andi %ne3A, %ne3A_69 : i1
        %sub3A = arith.constant 1 : i32
        %sub3A_70 = arith.subi %div3A, %sub3A : i32
        %select_n3A_71 = arith.select %and3A, %sub3A_70, %div3A : i32
        %jit3A_72 = arith.constant 8 : i32
        %eq3A_73 = arith.constant 0 : i32
        %eq3A_74 = arith.cmpi eq, %jit3A_72, %eq3A_73 : i32
        %jit3A_75 = arith.constant 1 : i32
        %select_n3A_76 = arith.select %eq3A_74, %jit3A_75, %jit3A_72 : i32
        %rem3A_77 = arith.remsi %scan3A_53, %select_n3A_76 : i32
        %ne3A_78 = arith.constant 0 : i32
        %ne3A_79 = arith.cmpi ne, %rem3A_77, %ne3A_78 : i32
        %lt3A_80 = arith.constant 0 : i32
        %lt3A_81 = arith.cmpi slt, %rem3A_77, %lt3A_80 : i32
        %lt3A_82 = arith.constant 0 : i32
        %lt3A_83 = arith.cmpi slt, %select_n3A_76, %lt3A_82 : i32
        %ne3A_84 = arith.xori %lt3A_81, %lt3A_83 : i1
        %and3A_85 = arith.andi %ne3A_84, %ne3A_79 : i1
        %add3A_86 = arith.addi %rem3A_77, %select_n3A_76 : i32
        %select_n3A_87 = arith.select %and3A_85, %add3A_86, %rem3A_77 : i32
        %mul3A = arith.constant 16 : i32
        %mul3A_88 = arith.muli %select_n3A_87, %mul3A : i32
        %swap3A = arith.index_cast %select_n3A_71 : i32 to index
        %swap3A_89 = arith.index_cast %mul3A_88 : i32 to index
        %swap3A_90 = tpu.vector_load %arg9[%swap3A, %swap3A_89] {strides = array<i32>} : memref<80x128xf32, #tpu.memory_space<vmem>>, vector<1x16xf32>,
        %swap3A_91 = vector.shape_cast %swap3A_90 : vector<1x16xf32> to vector<16xf32>
        %swap3A_92 = vector.shape_cast %broadcast_in_dim3A_7 : vector<16xf32> to vector<1x16xf32>
        tpu.vector_store %arg9[%swap3A, %swap3A_89], %swap3A_92 {strides = array<i32>} : memref<80x128xf32, #tpu.memory_space<vmem>>, vector<1x16xf32>,
      }
      %scan3A_12 = arith.constant 640 : i32
      %lt3A = arith.constant 13 : i32
      %lt3A_13 = arith.cmpi slt, %arg1, %lt3A : i32
      %jit3A = arith.constant 1 : i32
      %jit3A_14 = arith.constant 0 : i32
      %select_n3A = arith.select %lt3A_13, %jit3A, %jit3A_14 : i32
      %add3A = arith.constant 7 : i32
      %add3A_15 = arith.addi %add3A, %select_n3A : i32
      %while3A = arith.constant 0 : i32
      %while3A_16 = arith.constant 0 : i32
      %while3A_17 = arith.subi %add3A_15, %while3A_16 : i32
      %while3A_18 = arith.addi %while3A_16, %while3A_17 : i32
      %while3A_19 = arith.constant 1 : i32
      %while3A_20 = arith.divsi %while3A_17, %while3A_19 : i32
      %while3A_21 = arith.muli %while3A_20, %while3A_19 : i32
      %while3A_22 = arith.addi %while3A_16, %while3A_21 : i32
      %while3A_23 = arith.constant 1 : i32
      scf.for %while3A_53 = %while3A_16 to %while3A_22 step %while3A_23  : i32 {
        %mul3A = arith.constant 16 : i32
        %mul3A_54 = arith.muli %while3A_53, %mul3A : i32
        %add3A_55 = arith.addi %arg1, %mul3A_54 : i32
        %mul3A_56 = arith.constant 80 : i32
        %mul3A_57 = arith.muli %add3A_55, %mul3A_56 : i32
        "tpu.region"() ({
          %run_scoped3A = tpu.sem_alloc : memref<!tpu.dma_semaphore, #tpu.memory_space<semaphore_mem>>
          %dma_start3A = arith.constant 0 : i32
          %dma_start3A_58 = tpu.memref_slice %arg10[%mul3A_57, %dma_start3A] : memref<10000x128xf32, #tpu.memory_space<vmem_shared>> -> memref<80x128xf32, #tpu.memory_space<vmem_shared>>
          %dma_start3A_59 = arith.constant 0 : i32
          %dma_start3A_60 = tpu.memref_slice %arg10[%mul3A_57, %dma_start3A_59] : memref<10000x128xf32, #tpu.memory_space<vmem_shared>> -> memref<80x128xf32, #tpu.memory_space<vmem_shared>>
          tpu.enqueue_dma source(%arg9 : memref<80x128xf32, #tpu.memory_space<vmem>>) target(%dma_start3A_60 : memref<80x128xf32, #tpu.memory_space<vmem_shared>>) target_semaphore(%run_scoped3A : memref<!tpu.dma_semaphore, #tpu.memory_space<semaphore_mem>>)
          %dma_wait3A = arith.constant 0 : i32
          %dma_wait3A_61 = tpu.memref_slice %arg10[%mul3A_57, %dma_wait3A] : memref<10000x128xf32, #tpu.memory_space<vmem_shared>> -> memref<80x128xf32, #tpu.memory_space<vmem_shared>>
          %dma_wait3A_62 = arith.constant 0 : i32
          %dma_wait3A_63 = tpu.memref_slice %arg10[%mul3A_57, %dma_wait3A_62] : memref<10000x128xf32, #tpu.memory_space<vmem_shared>> -> memref<80x128xf32, #tpu.memory_space<vmem_shared>>
          tpu.wait_dma2 semaphore(%run_scoped3A : memref<!tpu.dma_semaphore, #tpu.memory_space<semaphore_mem>>) src(%arg9 : memref<80x128xf32, #tpu.memory_space<vmem>>) dst(%dma_wait3A_63 : memref<80x128xf32, #tpu.memory_space<vmem_shared>>)
          tpu.yield
        }) : () -> ()
      }
      %while3A_24 = arith.constant 1 : i32
      scf.for %while3A_53 = %while3A_22 to %while3A_18 step %while3A_24  : i32 {
        %mul3A = arith.constant 16 : i32
        %mul3A_54 = arith.muli %while3A_53, %mul3A : i32
        %add3A_55 = arith.addi %arg1, %mul3A_54 : i32
        %mul3A_56 = arith.constant 80 : i32
        %mul3A_57 = arith.muli %add3A_55, %mul3A_56 : i32
        "tpu.region"() ({
          %run_scoped3A = tpu.sem_alloc : memref<!tpu.dma_semaphore, #tpu.memory_space<semaphore_mem>>
          %dma_start3A = arith.constant 0 : i32
          %dma_start3A_58 = tpu.memref_slice %arg10[%mul3A_57, %dma_start3A] : memref<10000x128xf32, #tpu.memory_space<vmem_shared>> -> memref<80x128xf32, #tpu.memory_space<vmem_shared>>
          %dma_start3A_59 = arith.constant 0 : i32
          %dma_start3A_60 = tpu.memref_slice %arg10[%mul3A_57, %dma_start3A_59] : memref<10000x128xf32, #tpu.memory_space<vmem_shared>> -> memref<80x128xf32, #tpu.memory_space<vmem_shared>>
          tpu.enqueue_dma source(%arg9 : memref<80x128xf32, #tpu.memory_space<vmem>>) target(%dma_start3A_60 : memref<80x128xf32, #tpu.memory_space<vmem_shared>>) target_semaphore(%run_scoped3A : memref<!tpu.dma_semaphore, #tpu.memory_space<semaphore_mem>>)
          %dma_wait3A = arith.constant 0 : i32
          %dma_wait3A_61 = tpu.memref_slice %arg10[%mul3A_57, %dma_wait3A] : memref<10000x128xf32, #tpu.memory_space<vmem_shared>> -> memref<80x128xf32, #tpu.memory_space<vmem_shared>>
          %dma_wait3A_62 = arith.constant 0 : i32
          %dma_wait3A_63 = tpu.memref_slice %arg10[%mul3A_57, %dma_wait3A_62] : memref<10000x128xf32, #tpu.memory_space<vmem_shared>> -> memref<80x128xf32, #tpu.memory_space<vmem_shared>>
          tpu.wait_dma2 semaphore(%run_scoped3A : memref<!tpu.dma_semaphore, #tpu.memory_space<semaphore_mem>>) src(%arg9 : memref<80x128xf32, #tpu.memory_space<vmem>>) dst(%dma_wait3A_63 : memref<80x128xf32, #tpu.memory_space<vmem_shared>>)
          tpu.yield
        }) : () -> ()
      }
      %barrier3A = arith.constant 0 : index
      tpu.barrier barrier_id(%barrier3A)
      %lt3A_25 = arith.constant 2 : i32
      %lt3A_26 = arith.cmpi slt, %arg1, %lt3A_25 : i32
      %jit3A_27 = arith.constant 1 : i32
      %jit3A_28 = arith.constant 0 : i32
      %select_n3A_29 = arith.select %lt3A_26, %jit3A_27, %jit3A_28 : i32
      %add3A_30 = arith.constant 78 : i32
      %add3A_31 = arith.addi %add3A_30, %select_n3A_29 : i32
      %while3A_32 = arith.constant 0 : i32
      %while3A_33 = arith.constant 0 : i32
      %while3A_34 = arith.subi %add3A_31, %while3A_33 : i32
      %while3A_35 = arith.addi %while3A_33, %while3A_34 : i32
      %while3A_36 = arith.constant 1 : i32
      %while3A_37 = arith.divsi %while3A_34, %while3A_36 : i32
      %while3A_38 = arith.muli %while3A_37, %while3A_36 : i32
      %while3A_39 = arith.addi %while3A_33, %while3A_38 : i32
      %while3A_40 = arith.constant 1 : i32
      scf.for %while3A_53 = %while3A_33 to %while3A_39 step %while3A_40  : i32 {
        %mul3A = arith.constant 16 : i32
        %mul3A_54 = arith.muli %while3A_53, %mul3A : i32
        %add3A_55 = arith.addi %arg1, %mul3A_54 : i32
        %mul3A_56 = arith.constant 128 : i32
        %mul3A_57 = arith.muli %add3A_55, %mul3A_56 : i32
        "tpu.region"() ({
          %run_scoped3A = tpu.sem_alloc : memref<!tpu.dma_semaphore, #tpu.memory_space<semaphore_mem>>
          %dma_start3A = tpu.memref_slice %arg3[%mul3A_57] : memref<160000xi32, #tpu.memory_space<hbm>> -> memref<128xi32, #tpu.memory_space<hbm>>
          %dma_start3A_58 = tpu.memref_slice %arg3[%mul3A_57] : memref<160000xi32, #tpu.memory_space<hbm>> -> memref<128xi32, #tpu.memory_space<hbm>>
          tpu.enqueue_dma source(%dma_start3A_58 : memref<128xi32, #tpu.memory_space<hbm>>) target(%arg7 : memref<128xi32, #tpu.memory_space<vmem>>) target_semaphore(%run_scoped3A : memref<!tpu.dma_semaphore, #tpu.memory_space<semaphore_mem>>)
          %dma_wait3A = tpu.memref_slice %arg3[%mul3A_57] : memref<160000xi32, #tpu.memory_space<hbm>> -> memref<128xi32, #tpu.memory_space<hbm>>
          %dma_wait3A_59 = tpu.memref_slice %arg3[%mul3A_57] : memref<160000xi32, #tpu.memory_space<hbm>> -> memref<128xi32, #tpu.memory_space<hbm>>
          tpu.wait_dma2 semaphore(%run_scoped3A : memref<!tpu.dma_semaphore, #tpu.memory_space<semaphore_mem>>) src(%dma_wait3A_59 : memref<128xi32, #tpu.memory_space<hbm>>) dst(%arg7 : memref<128xi32, #tpu.memory_space<vmem>>)
          tpu.yield
        }) : () -> ()
        "tpu.region"() ({
          %run_scoped3A = tpu.sem_alloc : memref<!tpu.dma_semaphore, #tpu.memory_space<semaphore_mem>>
          %dma_start3A = arith.constant 0 : i32
          %dma_start3A_58 = tpu.memref_slice %arg2[%mul3A_57, %dma_start3A] : memref<160000x128xf32, #tpu.memory_space<hbm>> -> memref<128x128xf32, #tpu.memory_space<hbm>>
          %dma_start3A_59 = arith.constant 0 : i32
          %dma_start3A_60 = tpu.memref_slice %arg2[%mul3A_57, %dma_start3A_59] : memref<160000x128xf32, #tpu.memory_space<hbm>> -> memref<128x128xf32, #tpu.memory_space<hbm>>
          tpu.enqueue_dma source(%dma_start3A_60 : memref<128x128xf32, #tpu.memory_space<hbm>>) target(%arg8 : memref<128x128xf32, #tpu.memory_space<vmem>>) target_semaphore(%run_scoped3A : memref<!tpu.dma_semaphore, #tpu.memory_space<semaphore_mem>>)
          %dma_wait3A = arith.constant 0 : i32
          %dma_wait3A_61 = tpu.memref_slice %arg2[%mul3A_57, %dma_wait3A] : memref<160000x128xf32, #tpu.memory_space<hbm>> -> memref<128x128xf32, #tpu.memory_space<hbm>>
          %dma_wait3A_62 = arith.constant 0 : i32
          %dma_wait3A_63 = tpu.memref_slice %arg2[%mul3A_57, %dma_wait3A_62] : memref<160000x128xf32, #tpu.memory_space<hbm>> -> memref<128x128xf32, #tpu.memory_space<hbm>>
          tpu.wait_dma2 semaphore(%run_scoped3A : memref<!tpu.dma_semaphore, #tpu.memory_space<semaphore_mem>>) src(%dma_wait3A_63 : memref<128x128xf32, #tpu.memory_space<hbm>>) dst(%arg8 : memref<128x128xf32, #tpu.memory_space<vmem>>)
          tpu.yield
        }) : () -> ()
        "tpu.region"() ({
          %run_scoped3A = tpu.sem_alloc : memref<!tpu.dma_semaphore, #tpu.memory_space<semaphore_mem>>
          %dma_start3A = arith.constant 0 : i32
          %dma_start3A_58 = arith.constant 0 : i32
          %dma_start3A_59 = tpu.memref_slice %arg10[%dma_start3A, %dma_start3A_58] : memref<10000x128xf32, #tpu.memory_space<vmem_shared>> -> memref<10000x128xf32, #tpu.memory_space<vmem_shared>>
          tpu.enqueue_indirect_dma source(%arg8 : memref<128x128xf32, #tpu.memory_space<vmem>>) target(%dma_start3A_59 : memref<10000x128xf32, #tpu.memory_space<vmem_shared>>) offsets(%arg7 : memref<128xi32, #tpu.memory_space<vmem>>) semaphore(%run_scoped3A : memref<!tpu.dma_semaphore, #tpu.memory_space<semaphore_mem>>) {add = true}
          %dma_wait3A = arith.constant 0 : i32
          %dma_wait3A_60 = arith.constant 0 : i32
          %dma_wait3A_61 = tpu.memref_slice %arg10[%dma_wait3A, %dma_wait3A_60] : memref<10000x128xf32, #tpu.memory_space<vmem_shared>> -> memref<10000x128xf32, #tpu.memory_space<vmem_shared>>
          tpu.wait_indirect_dma semaphore(%run_scoped3A : memref<!tpu.dma_semaphore, #tpu.memory_space<semaphore_mem>>) src(%arg8 : memref<128x128xf32, #tpu.memory_space<vmem>>) dst(%dma_wait3A_61 : memref<10000x128xf32, #tpu.memory_space<vmem_shared>>)
          tpu.yield
        }) : () -> ()
      }
      %while3A_41 = arith.constant 1 : i32
      scf.for %while3A_53 = %while3A_39 to %while3A_35 step %while3A_41  : i32 {
        %mul3A = arith.constant 16 : i32
        %mul3A_54 = arith.muli %while3A_53, %mul3A : i32
        %add3A_55 = arith.addi %arg1, %mul3A_54 : i32
        %mul3A_56 = arith.constant 128 : i32
        %mul3A_57 = arith.muli %add3A_55, %mul3A_56 : i32
        "tpu.region"() ({
          %run_scoped3A = tpu.sem_alloc : memref<!tpu.dma_semaphore, #tpu.memory_space<semaphore_mem>>
          %dma_start3A = tpu.memref_slice %arg3[%mul3A_57] : memref<160000xi32, #tpu.memory_space<hbm>> -> memref<128xi32, #tpu.memory_space<hbm>>
          %dma_start3A_58 = tpu.memref_slice %arg3[%mul3A_57] : memref<160000xi32, #tpu.memory_space<hbm>> -> memref<128xi32, #tpu.memory_space<hbm>>
          tpu.enqueue_dma source(%dma_start3A_58 : memref<128xi32, #tpu.memory_space<hbm>>) target(%arg7 : memref<128xi32, #tpu.memory_space<vmem>>) target_semaphore(%run_scoped3A : memref<!tpu.dma_semaphore, #tpu.memory_space<semaphore_mem>>)
          %dma_wait3A = tpu.memref_slice %arg3[%mul3A_57] : memref<160000xi32, #tpu.memory_space<hbm>> -> memref<128xi32, #tpu.memory_space<hbm>>
          %dma_wait3A_59 = tpu.memref_slice %arg3[%mul3A_57] : memref<160000xi32, #tpu.memory_space<hbm>> -> memref<128xi32, #tpu.memory_space<hbm>>
          tpu.wait_dma2 semaphore(%run_scoped3A : memref<!tpu.dma_semaphore, #tpu.memory_space<semaphore_mem>>) src(%dma_wait3A_59 : memref<128xi32, #tpu.memory_space<hbm>>) dst(%arg7 : memref<128xi32, #tpu.memory_space<vmem>>)
          tpu.yield
        }) : () -> ()
        "tpu.region"() ({
          %run_scoped3A = tpu.sem_alloc : memref<!tpu.dma_semaphore, #tpu.memory_space<semaphore_mem>>
          %dma_start3A = arith.constant 0 : i32
          %dma_start3A_58 = tpu.memref_slice %arg2[%mul3A_57, %dma_start3A] : memref<160000x128xf32, #tpu.memory_space<hbm>> -> memref<128x128xf32, #tpu.memory_space<hbm>>
          %dma_start3A_59 = arith.constant 0 : i32
          %dma_start3A_60 = tpu.memref_slice %arg2[%mul3A_57, %dma_start3A_59] : memref<160000x128xf32, #tpu.memory_space<hbm>> -> memref<128x128xf32, #tpu.memory_space<hbm>>
          tpu.enqueue_dma source(%dma_start3A_60 : memref<128x128xf32, #tpu.memory_space<hbm>>) target(%arg8 : memref<128x128xf32, #tpu.memory_space<vmem>>) target_semaphore(%run_scoped3A : memref<!tpu.dma_semaphore, #tpu.memory_space<semaphore_mem>>)
          %dma_wait3A = arith.constant 0 : i32
          %dma_wait3A_61 = tpu.memref_slice %arg2[%mul3A_57, %dma_wait3A] : memref<160000x128xf32, #tpu.memory_space<hbm>> -> memref<128x128xf32, #tpu.memory_space<hbm>>
          %dma_wait3A_62 = arith.constant 0 : i32
          %dma_wait3A_63 = tpu.memref_slice %arg2[%mul3A_57, %dma_wait3A_62] : memref<160000x128xf32, #tpu.memory_space<hbm>> -> memref<128x128xf32, #tpu.memory_space<hbm>>
          tpu.wait_dma2 semaphore(%run_scoped3A : memref<!tpu.dma_semaphore, #tpu.memory_space<semaphore_mem>>) src(%dma_wait3A_63 : memref<128x128xf32, #tpu.memory_space<hbm>>) dst(%arg8 : memref<128x128xf32, #tpu.memory_space<vmem>>)
          tpu.yield
        }) : () -> ()
        "tpu.region"() ({
          %run_scoped3A = tpu.sem_alloc : memref<!tpu.dma_semaphore, #tpu.memory_space<semaphore_mem>>
          %dma_start3A = arith.constant 0 : i32
          %dma_start3A_58 = arith.constant 0 : i32
          %dma_start3A_59 = tpu.memref_slice %arg10[%dma_start3A, %dma_start3A_58] : memref<10000x128xf32, #tpu.memory_space<vmem_shared>> -> memref<10000x128xf32, #tpu.memory_space<vmem_shared>>
          tpu.enqueue_indirect_dma source(%arg8 : memref<128x128xf32, #tpu.memory_space<vmem>>) target(%dma_start3A_59 : memref<10000x128xf32, #tpu.memory_space<vmem_shared>>) offsets(%arg7 : memref<128xi32, #tpu.memory_space<vmem>>) semaphore(%run_scoped3A : memref<!tpu.dma_semaphore, #tpu.memory_space<semaphore_mem>>) {add = true}
          %dma_wait3A = arith.constant 0 : i32
          %dma_wait3A_60 = arith.constant 0 : i32
          %dma_wait3A_61 = tpu.memref_slice %arg10[%dma_wait3A, %dma_wait3A_60] : memref<10000x128xf32, #tpu.memory_space<vmem_shared>> -> memref<10000x128xf32, #tpu.memory_space<vmem_shared>>
          tpu.wait_indirect_dma semaphore(%run_scoped3A : memref<!tpu.dma_semaphore, #tpu.memory_space<semaphore_mem>>) src(%arg8 : memref<128x128xf32, #tpu.memory_space<vmem>>) dst(%dma_wait3A_61 : memref<10000x128xf32, #tpu.memory_space<vmem_shared>>)
          tpu.yield
        }) : () -> ()
      }
      %barrier3A_42 = arith.constant 0 : index
      tpu.barrier barrier_id(%barrier3A_42)
      %while3A_43 = arith.constant 0 : i32
      %while3A_44 = arith.constant 0 : i32
      %while3A_45 = arith.subi %add3A_15, %while3A_44 : i32
      %while3A_46 = arith.addi %while3A_44, %while3A_45 : i32
      %while3A_47 = arith.constant 1 : i32
      %while3A_48 = arith.divsi %while3A_45, %while3A_47 : i32
      %while3A_49 = arith.muli %while3A_48, %while3A_47 : i32
      %while3A_50 = arith.addi %while3A_44, %while3A_49 : i32
      %while3A_51 = arith.constant 1 : i32
      scf.for %while3A_53 = %while3A_44 to %while3A_50 step %while3A_51  : i32 {
        %mul3A = arith.constant 16 : i32
        %mul3A_54 = arith.muli %while3A_53, %mul3A : i32
        %add3A_55 = arith.addi %arg1, %mul3A_54 : i32
        %mul3A_56 = arith.constant 80 : i32
        %mul3A_57 = arith.muli %add3A_55, %mul3A_56 : i32
        %mul3A_58 = arith.constant 80 : i32
        %mul3A_59 = arith.muli %add3A_55, %mul3A_58 : i32
        "tpu.region"() ({
          %run_scoped3A = tpu.sem_alloc : memref<!tpu.dma_semaphore, #tpu.memory_space<semaphore_mem>>
          %dma_start3A = arith.constant 0 : i32
          %dma_start3A_60 = tpu.memref_slice %arg6[%mul3A_59, %dma_start3A] : memref<10000x128xf32, #tpu.memory_space<hbm>> -> memref<80x128xf32, #tpu.memory_space<hbm>>
          %dma_start3A_61 = arith.constant 0 : i32
          %dma_start3A_62 = tpu.memref_slice %arg10[%mul3A_57, %dma_start3A_61] : memref<10000x128xf32, #tpu.memory_space<vmem_shared>> -> memref<80x128xf32, #tpu.memory_space<vmem_shared>>
          tpu.enqueue_dma source(%dma_start3A_62 : memref<80x128xf32, #tpu.memory_space<vmem_shared>>) target(%dma_start3A_60 : memref<80x128xf32, #tpu.memory_space<hbm>>) target_semaphore(%run_scoped3A : memref<!tpu.dma_semaphore, #tpu.memory_space<semaphore_mem>>)
          %dma_wait3A = arith.constant 0 : i32
          %dma_wait3A_63 = tpu.memref_slice %arg6[%mul3A_59, %dma_wait3A] : memref<10000x128xf32, #tpu.memory_space<hbm>> -> memref<80x128xf32, #tpu.memory_space<hbm>>
          %dma_wait3A_64 = arith.constant 0 : i32
          %dma_wait3A_65 = tpu.memref_slice %arg10[%mul3A_57, %dma_wait3A_64] : memref<10000x128xf32, #tpu.memory_space<vmem_shared>> -> memref<80x128xf32, #tpu.memory_space<vmem_shared>>
          tpu.wait_dma2 semaphore(%run_scoped3A : memref<!tpu.dma_semaphore, #tpu.memory_space<semaphore_mem>>) src(%dma_wait3A_65 : memref<80x128xf32, #tpu.memory_space<vmem_shared>>) dst(%dma_wait3A_63 : memref<80x128xf32, #tpu.memory_space<hbm>>)
          tpu.yield
        }) : () -> ()
      }
      %while3A_52 = arith.constant 1 : i32
      scf.for %while3A_53 = %while3A_50 to %while3A_46 step %while3A_52  : i32 {
        %mul3A = arith.constant 16 : i32
        %mul3A_54 = arith.muli %while3A_53, %mul3A : i32
        %add3A_55 = arith.addi %arg1, %mul3A_54 : i32
        %mul3A_56 = arith.constant 80 : i32
        %mul3A_57 = arith.muli %add3A_55, %mul3A_56 : i32
        %mul3A_58 = arith.constant 80 : i32
        %mul3A_59 = arith.muli %add3A_55, %mul3A_58 : i32
        "tpu.region"() ({
          %run_scoped3A = tpu.sem_alloc : memref<!tpu.dma_semaphore, #tpu.memory_space<semaphore_mem>>
          %dma_start3A = arith.constant 0 : i32
          %dma_start3A_60 = tpu.memref_slice %arg6[%mul3A_59, %dma_start3A] : memref<10000x128xf32, #tpu.memory_space<hbm>> -> memref<80x128xf32, #tpu.memory_space<hbm>>
          %dma_start3A_61 = arith.constant 0 : i32
          %dma_start3A_62 = tpu.memref_slice %arg10[%mul3A_57, %dma_start3A_61] : memref<10000x128xf32, #tpu.memory_space<vmem_shared>> -> memref<80x128xf32, #tpu.memory_space<vmem_shared>>
          tpu.enqueue_dma source(%dma_start3A_62 : memref<80x128xf32, #tpu.memory_space<vmem_shared>>) target(%dma_start3A_60 : memref<80x128xf32, #tpu.memory_space<hbm>>) target_semaphore(%run_scoped3A : memref<!tpu.dma_semaphore, #tpu.memory_space<semaphore_mem>>)
          %dma_wait3A = arith.constant 0 : i32
          %dma_wait3A_63 = tpu.memref_slice %arg6[%mul3A_59, %dma_wait3A] : memref<10000x128xf32, #tpu.memory_space<hbm>> -> memref<80x128xf32, #tpu.memory_space<hbm>>
          %dma_wait3A_64 = arith.constant 0 : i32
          %dma_wait3A_65 = tpu.memref_slice %arg10[%mul3A_57, %dma_wait3A_64] : memref<10000x128xf32, #tpu.memory_space<vmem_shared>> -> memref<80x128xf32, #tpu.memory_space<vmem_shared>>
          tpu.wait_dma2 semaphore(%run_scoped3A : memref<!tpu.dma_semaphore, #tpu.memory_space<semaphore_mem>>) src(%dma_wait3A_65 : memref<80x128xf32, #tpu.memory_space<vmem_shared>>) dst(%dma_wait3A_63 : memref<80x128xf32, #tpu.memory_space<hbm>>)
          tpu.yield
        }) : () -> ()
      }
    } else {
    }
    return
  }
}

#map = affine_map<(d0, d1) -> (0, 0)>
#map1 = affine_map<(d0, d1) -> (0)>
module attributes {stable_mosaic.version = 14 : i64} {
  func.func @_sc_scatter(%arg0: i32, %arg1: i32, %arg2: memref<160000x128xf32, #tpu.memory_space<hbm>>, %arg3: memref<160000xi32, #tpu.memory_space<hbm>>, %arg4: memref<160000xi32, #tpu.memory_space<hbm>>, %arg5: memref<10000x128xf32, #tpu.memory_space<hbm>>, %arg6: memref<10000x128xf32, #tpu.memory_space<hbm>>, %arg7: memref<128xi32, #tpu.memory_space<vmem>>, %arg8: memref<128x128xf32, #tpu.memory_space<vmem>>, %arg9: memref<80x128xf32, #tpu.memory_space<vmem>>, %arg10: memref<10000x128xf32, #tpu.memory_space<vmem_shared>>) attributes {dimension_semantics = [#tpu.dimension_semantics<core_parallel>, #tpu.dimension_semantics<subcore_parallel>], iteration_bounds = array<i64: 2, 16>, scalar_prefetch = 0 : i64, scratch_operands = 4 : i64, tpu.core_type = #tpu.core_type<sc_vector_subcore>, window_params = [{transform_indices = #map}, {transform_indices = #map1}, {transform_indices = #map1}, {transform_indices = #map}, {transform_indices = #map}]} {
    %eq3A = arith.constant 0 : i32
    %eq3A_0 = arith.cmpi eq, %arg0, %eq3A : i32
    %convert_element_type3A = arith.extui %eq3A_0 : i1 to i32
    %cond3A = arith.constant 0 : i32
    %cond3A_1 = arith.cmpi ne, %convert_element_type3A, %cond3A : i32
    scf.if %cond3A_1 {
      %broadcast_in_dim3A = arith.constant 0.000000e+00 : f32
      %broadcast_in_dim3A_7 = vector.broadcast %broadcast_in_dim3A : f32 to vector<16xf32>
      %scan3A = arith.constant 0 : i32
      %scan3A_8 = arith.constant 0 : i32
      %scan3A_9 = arith.constant 640 : i32
      %scan3A_10 = arith.addi %scan3A_8, %scan3A_9 : i32
      %scan3A_11 = arith.constant 1 : i32
      scf.for %scan3A_53 = %scan3A_8 to %scan3A_10 step %scan3A_11  : i32 {
        %jit3A_54 = arith.constant 8 : i32
        %div3A = arith.divsi %scan3A_53, %jit3A_54 : i32
        %sign3A = arith.constant 0 : i32
        %sign3A_55 = arith.cmpi sgt, %scan3A_53, %sign3A : i32
        %sign3A_56 = arith.extui %sign3A_55 : i1 to i32
        %sign3A_57 = arith.constant 0 : i32
        %sign3A_58 = arith.cmpi slt, %scan3A_53, %sign3A_57 : i32
        %sign3A_59 = arith.extui %sign3A_58 : i1 to i32
        %sign3A_60 = arith.subi %sign3A_56, %sign3A_59 : i32
        %sign3A_61 = arith.constant 0 : i32
        %sign3A_62 = arith.cmpi sgt, %jit3A_54, %sign3A_61 : i32
        %sign3A_63 = arith.extui %sign3A_62 : i1 to i32
        %sign3A_64 = arith.constant 0 : i32
        %sign3A_65 = arith.cmpi slt, %jit3A_54, %sign3A_64 : i32
        %sign3A_66 = arith.extui %sign3A_65 : i1 to i32
        %sign3A_67 = arith.subi %sign3A_63, %sign3A_66 : i32
        %ne3A = arith.cmpi ne, %sign3A_60, %sign3A_67 : i32
        %rem3A = arith.remsi %scan3A_53, %jit3A_54 : i32
        %ne3A_68 = arith.constant 0 : i32
        %ne3A_69 = arith.cmpi ne, %rem3A, %ne3A_68 : i32
        %and3A = arith.andi %ne3A, %ne3A_69 : i1
        %sub3A = arith.constant 1 : i32
        %sub3A_70 = arith.subi %div3A, %sub3A : i32
        %select_n3A_71 = arith.select %and3A, %sub3A_70, %div3A : i32
        %jit3A_72 = arith.constant 8 : i32
        %eq3A_73 = arith.constant 0 : i32
        %eq3A_74 = arith.cmpi eq, %jit3A_72, %eq3A_73 : i32
        %jit3A_75 = arith.constant 1 : i32
        %select_n3A_76 = arith.select %eq3A_74, %jit3A_75, %jit3A_72 : i32
        %rem3A_77 = arith.remsi %scan3A_53, %select_n3A_76 : i32
        %ne3A_78 = arith.constant 0 : i32
        %ne3A_79 = arith.cmpi ne, %rem3A_77, %ne3A_78 : i32
        %lt3A_80 = arith.constant 0 : i32
        %lt3A_81 = arith.cmpi slt, %rem3A_77, %lt3A_80 : i32
        %lt3A_82 = arith.constant 0 : i32
        %lt3A_83 = arith.cmpi slt, %select_n3A_76, %lt3A_82 : i32
        %ne3A_84 = arith.xori %lt3A_81, %lt3A_83 : i1
        %and3A_85 = arith.andi %ne3A_84, %ne3A_79 : i1
        %add3A_86 = arith.addi %rem3A_77, %select_n3A_76 : i32
        %select_n3A_87 = arith.select %and3A_85, %add3A_86, %rem3A_77 : i32
        %mul3A = arith.constant 16 : i32
        %mul3A_88 = arith.muli %select_n3A_87, %mul3A : i32
        %swap3A = arith.index_cast %select_n3A_71 : i32 to index
        %swap3A_89 = arith.index_cast %mul3A_88 : i32 to index
        %swap3A_90 = tpu.vector_load %arg9[%swap3A, %swap3A_89] {strides = array<i32>} : memref<80x128xf32, #tpu.memory_space<vmem>>, vector<1x16xf32>,
        %swap3A_91 = vector.shape_cast %swap3A_90 : vector<1x16xf32> to vector<16xf32>
        %swap3A_92 = vector.shape_cast %broadcast_in_dim3A_7 : vector<16xf32> to vector<1x16xf32>
        tpu.vector_store %arg9[%swap3A, %swap3A_89], %swap3A_92 {strides = array<i32>} : memref<80x128xf32, #tpu.memory_space<vmem>>, vector<1x16xf32>,
      }
      %scan3A_12 = arith.constant 640 : i32
      %lt3A = arith.constant 13 : i32
      %lt3A_13 = arith.cmpi slt, %arg1, %lt3A : i32
      %jit3A = arith.constant 1 : i32
      %jit3A_14 = arith.constant 0 : i32
      %select_n3A = arith.select %lt3A_13, %jit3A, %jit3A_14 : i32
      %add3A = arith.constant 7 : i32
      %add3A_15 = arith.addi %add3A, %select_n3A : i32
      %while3A = arith.constant 0 : i32
      %while3A_16 = arith.constant 0 : i32
      %while3A_17 = arith.subi %add3A_15, %while3A_16 : i32
      %while3A_18 = arith.addi %while3A_16, %while3A_17 : i32
      %while3A_19 = arith.constant 1 : i32
      %while3A_20 = arith.divsi %while3A_17, %while3A_19 : i32
      %while3A_21 = arith.muli %while3A_20, %while3A_19 : i32
      %while3A_22 = arith.addi %while3A_16, %while3A_21 : i32
      %while3A_23 = arith.constant 1 : i32
      scf.for %while3A_53 = %while3A_16 to %while3A_22 step %while3A_23  : i32 {
        %mul3A = arith.constant 16 : i32
        %mul3A_54 = arith.muli %while3A_53, %mul3A : i32
        %add3A_55 = arith.addi %arg1, %mul3A_54 : i32
        %mul3A_56 = arith.constant 80 : i32
        %mul3A_57 = arith.muli %add3A_55, %mul3A_56 : i32
        "tpu.region"() ({
          %run_scoped3A = tpu.sem_alloc : memref<!tpu.dma_semaphore, #tpu.memory_space<semaphore_mem>>
          %dma_start3A = arith.constant 0 : i32
          %dma_start3A_58 = tpu.memref_slice %arg10[%mul3A_57, %dma_start3A] : memref<10000x128xf32, #tpu.memory_space<vmem_shared>> -> memref<80x128xf32, #tpu.memory_space<vmem_shared>>
          %dma_start3A_59 = arith.constant 0 : i32
          %dma_start3A_60 = tpu.memref_slice %arg10[%mul3A_57, %dma_start3A_59] : memref<10000x128xf32, #tpu.memory_space<vmem_shared>> -> memref<80x128xf32, #tpu.memory_space<vmem_shared>>
          tpu.enqueue_dma source(%arg9 : memref<80x128xf32, #tpu.memory_space<vmem>>) target(%dma_start3A_60 : memref<80x128xf32, #tpu.memory_space<vmem_shared>>) target_semaphore(%run_scoped3A : memref<!tpu.dma_semaphore, #tpu.memory_space<semaphore_mem>>)
          %dma_wait3A = arith.constant 0 : i32
          %dma_wait3A_61 = tpu.memref_slice %arg10[%mul3A_57, %dma_wait3A] : memref<10000x128xf32, #tpu.memory_space<vmem_shared>> -> memref<80x128xf32, #tpu.memory_space<vmem_shared>>
          %dma_wait3A_62 = arith.constant 0 : i32
          %dma_wait3A_63 = tpu.memref_slice %arg10[%mul3A_57, %dma_wait3A_62] : memref<10000x128xf32, #tpu.memory_space<vmem_shared>> -> memref<80x128xf32, #tpu.memory_space<vmem_shared>>
          tpu.wait_dma2 semaphore(%run_scoped3A : memref<!tpu.dma_semaphore, #tpu.memory_space<semaphore_mem>>) src(%arg9 : memref<80x128xf32, #tpu.memory_space<vmem>>) dst(%dma_wait3A_63 : memref<80x128xf32, #tpu.memory_space<vmem_shared>>)
          tpu.yield
        }) : () -> ()
      }
      %while3A_24 = arith.constant 1 : i32
      scf.for %while3A_53 = %while3A_22 to %while3A_18 step %while3A_24  : i32 {
        %mul3A = arith.constant 16 : i32
        %mul3A_54 = arith.muli %while3A_53, %mul3A : i32
        %add3A_55 = arith.addi %arg1, %mul3A_54 : i32
        %mul3A_56 = arith.constant 80 : i32
        %mul3A_57 = arith.muli %add3A_55, %mul3A_56 : i32
        "tpu.region"() ({
          %run_scoped3A = tpu.sem_alloc : memref<!tpu.dma_semaphore, #tpu.memory_space<semaphore_mem>>
          %dma_start3A = arith.constant 0 : i32
          %dma_start3A_58 = tpu.memref_slice %arg10[%mul3A_57, %dma_start3A] : memref<10000x128xf32, #tpu.memory_space<vmem_shared>> -> memref<80x128xf32, #tpu.memory_space<vmem_shared>>
          %dma_start3A_59 = arith.constant 0 : i32
          %dma_start3A_60 = tpu.memref_slice %arg10[%mul3A_57, %dma_start3A_59] : memref<10000x128xf32, #tpu.memory_space<vmem_shared>> -> memref<80x128xf32, #tpu.memory_space<vmem_shared>>
          tpu.enqueue_dma source(%arg9 : memref<80x128xf32, #tpu.memory_space<vmem>>) target(%dma_start3A_60 : memref<80x128xf32, #tpu.memory_space<vmem_shared>>) target_semaphore(%run_scoped3A : memref<!tpu.dma_semaphore, #tpu.memory_space<semaphore_mem>>)
          %dma_wait3A = arith.constant 0 : i32
          %dma_wait3A_61 = tpu.memref_slice %arg10[%mul3A_57, %dma_wait3A] : memref<10000x128xf32, #tpu.memory_space<vmem_shared>> -> memref<80x128xf32, #tpu.memory_space<vmem_shared>>
          %dma_wait3A_62 = arith.constant 0 : i32
          %dma_wait3A_63 = tpu.memref_slice %arg10[%mul3A_57, %dma_wait3A_62] : memref<10000x128xf32, #tpu.memory_space<vmem_shared>> -> memref<80x128xf32, #tpu.memory_space<vmem_shared>>
          tpu.wait_dma2 semaphore(%run_scoped3A : memref<!tpu.dma_semaphore, #tpu.memory_space<semaphore_mem>>) src(%arg9 : memref<80x128xf32, #tpu.memory_space<vmem>>) dst(%dma_wait3A_63 : memref<80x128xf32, #tpu.memory_space<vmem_shared>>)
          tpu.yield
        }) : () -> ()
      }
      %barrier3A = arith.constant 0 : index
      tpu.barrier barrier_id(%barrier3A)
      %lt3A_25 = arith.constant 2 : i32
      %lt3A_26 = arith.cmpi slt, %arg1, %lt3A_25 : i32
      %jit3A_27 = arith.constant 1 : i32
      %jit3A_28 = arith.constant 0 : i32
      %select_n3A_29 = arith.select %lt3A_26, %jit3A_27, %jit3A_28 : i32
      %add3A_30 = arith.constant 78 : i32
      %add3A_31 = arith.addi %add3A_30, %select_n3A_29 : i32
      %while3A_32 = arith.constant 0 : i32
      %while3A_33 = arith.constant 0 : i32
      %while3A_34 = arith.subi %add3A_31, %while3A_33 : i32
      %while3A_35 = arith.addi %while3A_33, %while3A_34 : i32
      %while3A_36 = arith.constant 1 : i32
      %while3A_37 = arith.divsi %while3A_34, %while3A_36 : i32
      %while3A_38 = arith.muli %while3A_37, %while3A_36 : i32
      %while3A_39 = arith.addi %while3A_33, %while3A_38 : i32
      %while3A_40 = arith.constant 1 : i32
      scf.for %while3A_53 = %while3A_33 to %while3A_39 step %while3A_40  : i32 {
        %mul3A = arith.constant 16 : i32
        %mul3A_54 = arith.muli %while3A_53, %mul3A : i32
        %add3A_55 = arith.addi %arg1, %mul3A_54 : i32
        %mul3A_56 = arith.constant 128 : i32
        %mul3A_57 = arith.muli %add3A_55, %mul3A_56 : i32
        "tpu.region"() ({
          %run_scoped3A = tpu.sem_alloc : memref<!tpu.dma_semaphore, #tpu.memory_space<semaphore_mem>>
          %dma_start3A = tpu.memref_slice %arg4[%mul3A_57] : memref<160000xi32, #tpu.memory_space<hbm>> -> memref<128xi32, #tpu.memory_space<hbm>>
          %dma_start3A_58 = tpu.memref_slice %arg4[%mul3A_57] : memref<160000xi32, #tpu.memory_space<hbm>> -> memref<128xi32, #tpu.memory_space<hbm>>
          tpu.enqueue_dma source(%dma_start3A_58 : memref<128xi32, #tpu.memory_space<hbm>>) target(%arg7 : memref<128xi32, #tpu.memory_space<vmem>>) target_semaphore(%run_scoped3A : memref<!tpu.dma_semaphore, #tpu.memory_space<semaphore_mem>>)
          %dma_wait3A = tpu.memref_slice %arg4[%mul3A_57] : memref<160000xi32, #tpu.memory_space<hbm>> -> memref<128xi32, #tpu.memory_space<hbm>>
          %dma_wait3A_59 = tpu.memref_slice %arg4[%mul3A_57] : memref<160000xi32, #tpu.memory_space<hbm>> -> memref<128xi32, #tpu.memory_space<hbm>>
          tpu.wait_dma2 semaphore(%run_scoped3A : memref<!tpu.dma_semaphore, #tpu.memory_space<semaphore_mem>>) src(%dma_wait3A_59 : memref<128xi32, #tpu.memory_space<hbm>>) dst(%arg7 : memref<128xi32, #tpu.memory_space<vmem>>)
          tpu.yield
        }) : () -> ()
        "tpu.region"() ({
          %run_scoped3A = tpu.sem_alloc : memref<!tpu.dma_semaphore, #tpu.memory_space<semaphore_mem>>
          %dma_start3A = arith.constant 0 : i32
          %dma_start3A_58 = tpu.memref_slice %arg2[%mul3A_57, %dma_start3A] : memref<160000x128xf32, #tpu.memory_space<hbm>> -> memref<128x128xf32, #tpu.memory_space<hbm>>
          %dma_start3A_59 = arith.constant 0 : i32
          %dma_start3A_60 = tpu.memref_slice %arg2[%mul3A_57, %dma_start3A_59] : memref<160000x128xf32, #tpu.memory_space<hbm>> -> memref<128x128xf32, #tpu.memory_space<hbm>>
          tpu.enqueue_dma source(%dma_start3A_60 : memref<128x128xf32, #tpu.memory_space<hbm>>) target(%arg8 : memref<128x128xf32, #tpu.memory_space<vmem>>) target_semaphore(%run_scoped3A : memref<!tpu.dma_semaphore, #tpu.memory_space<semaphore_mem>>)
          %dma_wait3A = arith.constant 0 : i32
          %dma_wait3A_61 = tpu.memref_slice %arg2[%mul3A_57, %dma_wait3A] : memref<160000x128xf32, #tpu.memory_space<hbm>> -> memref<128x128xf32, #tpu.memory_space<hbm>>
          %dma_wait3A_62 = arith.constant 0 : i32
          %dma_wait3A_63 = tpu.memref_slice %arg2[%mul3A_57, %dma_wait3A_62] : memref<160000x128xf32, #tpu.memory_space<hbm>> -> memref<128x128xf32, #tpu.memory_space<hbm>>
          tpu.wait_dma2 semaphore(%run_scoped3A : memref<!tpu.dma_semaphore, #tpu.memory_space<semaphore_mem>>) src(%dma_wait3A_63 : memref<128x128xf32, #tpu.memory_space<hbm>>) dst(%arg8 : memref<128x128xf32, #tpu.memory_space<vmem>>)
          tpu.yield
        }) : () -> ()
        "tpu.region"() ({
          %run_scoped3A = tpu.sem_alloc : memref<!tpu.dma_semaphore, #tpu.memory_space<semaphore_mem>>
          %dma_start3A = arith.constant 0 : i32
          %dma_start3A_58 = arith.constant 0 : i32
          %dma_start3A_59 = tpu.memref_slice %arg10[%dma_start3A, %dma_start3A_58] : memref<10000x128xf32, #tpu.memory_space<vmem_shared>> -> memref<10000x128xf32, #tpu.memory_space<vmem_shared>>
          tpu.enqueue_indirect_dma source(%arg8 : memref<128x128xf32, #tpu.memory_space<vmem>>) target(%dma_start3A_59 : memref<10000x128xf32, #tpu.memory_space<vmem_shared>>) offsets(%arg7 : memref<128xi32, #tpu.memory_space<vmem>>) semaphore(%run_scoped3A : memref<!tpu.dma_semaphore, #tpu.memory_space<semaphore_mem>>) {add = true}
          %dma_wait3A = arith.constant 0 : i32
          %dma_wait3A_60 = arith.constant 0 : i32
          %dma_wait3A_61 = tpu.memref_slice %arg10[%dma_wait3A, %dma_wait3A_60] : memref<10000x128xf32, #tpu.memory_space<vmem_shared>> -> memref<10000x128xf32, #tpu.memory_space<vmem_shared>>
          tpu.wait_indirect_dma semaphore(%run_scoped3A : memref<!tpu.dma_semaphore, #tpu.memory_space<semaphore_mem>>) src(%arg8 : memref<128x128xf32, #tpu.memory_space<vmem>>) dst(%dma_wait3A_61 : memref<10000x128xf32, #tpu.memory_space<vmem_shared>>)
          tpu.yield
        }) : () -> ()
      }
      %while3A_41 = arith.constant 1 : i32
      scf.for %while3A_53 = %while3A_39 to %while3A_35 step %while3A_41  : i32 {
        %mul3A = arith.constant 16 : i32
        %mul3A_54 = arith.muli %while3A_53, %mul3A : i32
        %add3A_55 = arith.addi %arg1, %mul3A_54 : i32
        %mul3A_56 = arith.constant 128 : i32
        %mul3A_57 = arith.muli %add3A_55, %mul3A_56 : i32
        "tpu.region"() ({
          %run_scoped3A = tpu.sem_alloc : memref<!tpu.dma_semaphore, #tpu.memory_space<semaphore_mem>>
          %dma_start3A = tpu.memref_slice %arg4[%mul3A_57] : memref<160000xi32, #tpu.memory_space<hbm>> -> memref<128xi32, #tpu.memory_space<hbm>>
          %dma_start3A_58 = tpu.memref_slice %arg4[%mul3A_57] : memref<160000xi32, #tpu.memory_space<hbm>> -> memref<128xi32, #tpu.memory_space<hbm>>
          tpu.enqueue_dma source(%dma_start3A_58 : memref<128xi32, #tpu.memory_space<hbm>>) target(%arg7 : memref<128xi32, #tpu.memory_space<vmem>>) target_semaphore(%run_scoped3A : memref<!tpu.dma_semaphore, #tpu.memory_space<semaphore_mem>>)
          %dma_wait3A = tpu.memref_slice %arg4[%mul3A_57] : memref<160000xi32, #tpu.memory_space<hbm>> -> memref<128xi32, #tpu.memory_space<hbm>>
          %dma_wait3A_59 = tpu.memref_slice %arg4[%mul3A_57] : memref<160000xi32, #tpu.memory_space<hbm>> -> memref<128xi32, #tpu.memory_space<hbm>>
          tpu.wait_dma2 semaphore(%run_scoped3A : memref<!tpu.dma_semaphore, #tpu.memory_space<semaphore_mem>>) src(%dma_wait3A_59 : memref<128xi32, #tpu.memory_space<hbm>>) dst(%arg7 : memref<128xi32, #tpu.memory_space<vmem>>)
          tpu.yield
        }) : () -> ()
        "tpu.region"() ({
          %run_scoped3A = tpu.sem_alloc : memref<!tpu.dma_semaphore, #tpu.memory_space<semaphore_mem>>
          %dma_start3A = arith.constant 0 : i32
          %dma_start3A_58 = tpu.memref_slice %arg2[%mul3A_57, %dma_start3A] : memref<160000x128xf32, #tpu.memory_space<hbm>> -> memref<128x128xf32, #tpu.memory_space<hbm>>
          %dma_start3A_59 = arith.constant 0 : i32
          %dma_start3A_60 = tpu.memref_slice %arg2[%mul3A_57, %dma_start3A_59] : memref<160000x128xf32, #tpu.memory_space<hbm>> -> memref<128x128xf32, #tpu.memory_space<hbm>>
          tpu.enqueue_dma source(%dma_start3A_60 : memref<128x128xf32, #tpu.memory_space<hbm>>) target(%arg8 : memref<128x128xf32, #tpu.memory_space<vmem>>) target_semaphore(%run_scoped3A : memref<!tpu.dma_semaphore, #tpu.memory_space<semaphore_mem>>)
          %dma_wait3A = arith.constant 0 : i32
          %dma_wait3A_61 = tpu.memref_slice %arg2[%mul3A_57, %dma_wait3A] : memref<160000x128xf32, #tpu.memory_space<hbm>> -> memref<128x128xf32, #tpu.memory_space<hbm>>
          %dma_wait3A_62 = arith.constant 0 : i32
          %dma_wait3A_63 = tpu.memref_slice %arg2[%mul3A_57, %dma_wait3A_62] : memref<160000x128xf32, #tpu.memory_space<hbm>> -> memref<128x128xf32, #tpu.memory_space<hbm>>
          tpu.wait_dma2 semaphore(%run_scoped3A : memref<!tpu.dma_semaphore, #tpu.memory_space<semaphore_mem>>) src(%dma_wait3A_63 : memref<128x128xf32, #tpu.memory_space<hbm>>) dst(%arg8 : memref<128x128xf32, #tpu.memory_space<vmem>>)
          tpu.yield
        }) : () -> ()
        "tpu.region"() ({
          %run_scoped3A = tpu.sem_alloc : memref<!tpu.dma_semaphore, #tpu.memory_space<semaphore_mem>>
          %dma_start3A = arith.constant 0 : i32
          %dma_start3A_58 = arith.constant 0 : i32
          %dma_start3A_59 = tpu.memref_slice %arg10[%dma_start3A, %dma_start3A_58] : memref<10000x128xf32, #tpu.memory_space<vmem_shared>> -> memref<10000x128xf32, #tpu.memory_space<vmem_shared>>
          tpu.enqueue_indirect_dma source(%arg8 : memref<128x128xf32, #tpu.memory_space<vmem>>) target(%dma_start3A_59 : memref<10000x128xf32, #tpu.memory_space<vmem_shared>>) offsets(%arg7 : memref<128xi32, #tpu.memory_space<vmem>>) semaphore(%run_scoped3A : memref<!tpu.dma_semaphore, #tpu.memory_space<semaphore_mem>>) {add = true}
          %dma_wait3A = arith.constant 0 : i32
          %dma_wait3A_60 = arith.constant 0 : i32
          %dma_wait3A_61 = tpu.memref_slice %arg10[%dma_wait3A, %dma_wait3A_60] : memref<10000x128xf32, #tpu.memory_space<vmem_shared>> -> memref<10000x128xf32, #tpu.memory_space<vmem_shared>>
          tpu.wait_indirect_dma semaphore(%run_scoped3A : memref<!tpu.dma_semaphore, #tpu.memory_space<semaphore_mem>>) src(%arg8 : memref<128x128xf32, #tpu.memory_space<vmem>>) dst(%dma_wait3A_61 : memref<10000x128xf32, #tpu.memory_space<vmem_shared>>)
          tpu.yield
        }) : () -> ()
      }
      %barrier3A_42 = arith.constant 0 : index
      tpu.barrier barrier_id(%barrier3A_42)
      %while3A_43 = arith.constant 0 : i32
      %while3A_44 = arith.constant 0 : i32
      %while3A_45 = arith.subi %add3A_15, %while3A_44 : i32
      %while3A_46 = arith.addi %while3A_44, %while3A_45 : i32
      %while3A_47 = arith.constant 1 : i32
      %while3A_48 = arith.divsi %while3A_45, %while3A_47 : i32
      %while3A_49 = arith.muli %while3A_48, %while3A_47 : i32
      %while3A_50 = arith.addi %while3A_44, %while3A_49 : i32
      %while3A_51 = arith.constant 1 : i32
      scf.for %while3A_53 = %while3A_44 to %while3A_50 step %while3A_51  : i32 {
        %mul3A = arith.constant 16 : i32
        %mul3A_54 = arith.muli %while3A_53, %mul3A : i32
        %add3A_55 = arith.addi %arg1, %mul3A_54 : i32
        %mul3A_56 = arith.constant 80 : i32
        %mul3A_57 = arith.muli %add3A_55, %mul3A_56 : i32
        %mul3A_58 = arith.constant 80 : i32
        %mul3A_59 = arith.muli %add3A_55, %mul3A_58 : i32
        "tpu.region"() ({
          %run_scoped3A = tpu.sem_alloc : memref<!tpu.dma_semaphore, #tpu.memory_space<semaphore_mem>>
          %dma_start3A = arith.constant 0 : i32
          %dma_start3A_60 = tpu.memref_slice %arg5[%mul3A_59, %dma_start3A] : memref<10000x128xf32, #tpu.memory_space<hbm>> -> memref<80x128xf32, #tpu.memory_space<hbm>>
          %dma_start3A_61 = arith.constant 0 : i32
          %dma_start3A_62 = tpu.memref_slice %arg10[%mul3A_57, %dma_start3A_61] : memref<10000x128xf32, #tpu.memory_space<vmem_shared>> -> memref<80x128xf32, #tpu.memory_space<vmem_shared>>
          tpu.enqueue_dma source(%dma_start3A_62 : memref<80x128xf32, #tpu.memory_space<vmem_shared>>) target(%dma_start3A_60 : memref<80x128xf32, #tpu.memory_space<hbm>>) target_semaphore(%run_scoped3A : memref<!tpu.dma_semaphore, #tpu.memory_space<semaphore_mem>>)
          %dma_wait3A = arith.constant 0 : i32
          %dma_wait3A_63 = tpu.memref_slice %arg5[%mul3A_59, %dma_wait3A] : memref<10000x128xf32, #tpu.memory_space<hbm>> -> memref<80x128xf32, #tpu.memory_space<hbm>>
          %dma_wait3A_64 = arith.constant 0 : i32
          %dma_wait3A_65 = tpu.memref_slice %arg10[%mul3A_57, %dma_wait3A_64] : memref<10000x128xf32, #tpu.memory_space<vmem_shared>> -> memref<80x128xf32, #tpu.memory_space<vmem_shared>>
          tpu.wait_dma2 semaphore(%run_scoped3A : memref<!tpu.dma_semaphore, #tpu.memory_space<semaphore_mem>>) src(%dma_wait3A_65 : memref<80x128xf32, #tpu.memory_space<vmem_shared>>) dst(%dma_wait3A_63 : memref<80x128xf32, #tpu.memory_space<hbm>>)
          tpu.yield
        }) : () -> ()
      }
      %while3A_52 = arith.constant 1 : i32
      scf.for %while3A_53 = %while3A_50 to %while3A_46 step %while3A_52  : i32 {
        %mul3A = arith.constant 16 : i32
        %mul3A_54 = arith.muli %while3A_53, %mul3A : i32
        %add3A_55 = arith.addi %arg1, %mul3A_54 : i32
        %mul3A_56 = arith.constant 80 : i32
        %mul3A_57 = arith.muli %add3A_55, %mul3A_56 : i32
        %mul3A_58 = arith.constant 80 : i32
        %mul3A_59 = arith.muli %add3A_55, %mul3A_58 : i32
        "tpu.region"() ({
          %run_scoped3A = tpu.sem_alloc : memref<!tpu.dma_semaphore, #tpu.memory_space<semaphore_mem>>
          %dma_start3A = arith.constant 0 : i32
          %dma_start3A_60 = tpu.memref_slice %arg5[%mul3A_59, %dma_start3A] : memref<10000x128xf32, #tpu.memory_space<hbm>> -> memref<80x128xf32, #tpu.memory_space<hbm>>
          %dma_start3A_61 = arith.constant 0 : i32
          %dma_start3A_62 = tpu.memref_slice %arg10[%mul3A_57, %dma_start3A_61] : memref<10000x128xf32, #tpu.memory_space<vmem_shared>> -> memref<80x128xf32, #tpu.memory_space<vmem_shared>>
          tpu.enqueue_dma source(%dma_start3A_62 : memref<80x128xf32, #tpu.memory_space<vmem_shared>>) target(%dma_start3A_60 : memref<80x128xf32, #tpu.memory_space<hbm>>) target_semaphore(%run_scoped3A : memref<!tpu.dma_semaphore, #tpu.memory_space<semaphore_mem>>)
          %dma_wait3A = arith.constant 0 : i32
          %dma_wait3A_63 = tpu.memref_slice %arg5[%mul3A_59, %dma_wait3A] : memref<10000x128xf32, #tpu.memory_space<hbm>> -> memref<80x128xf32, #tpu.memory_space<hbm>>
          %dma_wait3A_64 = arith.constant 0 : i32
          %dma_wait3A_65 = tpu.memref_slice %arg10[%mul3A_57, %dma_wait3A_64] : memref<10000x128xf32, #tpu.memory_space<vmem_shared>> -> memref<80x128xf32, #tpu.memory_space<vmem_shared>>
          tpu.wait_dma2 semaphore(%run_scoped3A : memref<!tpu.dma_semaphore, #tpu.memory_space<semaphore_mem>>) src(%dma_wait3A_65 : memref<80x128xf32, #tpu.memory_space<vmem_shared>>) dst(%dma_wait3A_63 : memref<80x128xf32, #tpu.memory_space<hbm>>)
          tpu.yield
        }) : () -> ()
      }
    } else {
    }
    %eq3A_2 = arith.constant 1 : i32
    %eq3A_3 = arith.cmpi eq, %arg0, %eq3A_2 : i32
    %convert_element_type3A_4 = arith.extui %eq3A_3 : i1 to i32
    %cond3A_5 = arith.constant 0 : i32
    %cond3A_6 = arith.cmpi ne, %convert_element_type3A_4, %cond3A_5 : i32
    scf.if %cond3A_6 {
      %broadcast_in_dim3A = arith.constant 0.000000e+00 : f32
      %broadcast_in_dim3A_7 = vector.broadcast %broadcast_in_dim3A : f32 to vector<16xf32>
      %scan3A = arith.constant 0 : i32
      %scan3A_8 = arith.constant 0 : i32
      %scan3A_9 = arith.constant 640 : i32
      %scan3A_10 = arith.addi %scan3A_8, %scan3A_9 : i32
      %scan3A_11 = arith.constant 1 : i32
      scf.for %scan3A_53 = %scan3A_8 to %scan3A_10 step %scan3A_11  : i32 {
        %jit3A_54 = arith.constant 8 : i32
        %div3A = arith.divsi %scan3A_53, %jit3A_54 : i32
        %sign3A = arith.constant 0 : i32
        %sign3A_55 = arith.cmpi sgt, %scan3A_53, %sign3A : i32
        %sign3A_56 = arith.extui %sign3A_55 : i1 to i32
        %sign3A_57 = arith.constant 0 : i32
        %sign3A_58 = arith.cmpi slt, %scan3A_53, %sign3A_57 : i32
        %sign3A_59 = arith.extui %sign3A_58 : i1 to i32
        %sign3A_60 = arith.subi %sign3A_56, %sign3A_59 : i32
        %sign3A_61 = arith.constant 0 : i32
        %sign3A_62 = arith.cmpi sgt, %jit3A_54, %sign3A_61 : i32
        %sign3A_63 = arith.extui %sign3A_62 : i1 to i32
        %sign3A_64 = arith.constant 0 : i32
        %sign3A_65 = arith.cmpi slt, %jit3A_54, %sign3A_64 : i32
        %sign3A_66 = arith.extui %sign3A_65 : i1 to i32
        %sign3A_67 = arith.subi %sign3A_63, %sign3A_66 : i32
        %ne3A = arith.cmpi ne, %sign3A_60, %sign3A_67 : i32
        %rem3A = arith.remsi %scan3A_53, %jit3A_54 : i32
        %ne3A_68 = arith.constant 0 : i32
        %ne3A_69 = arith.cmpi ne, %rem3A, %ne3A_68 : i32
        %and3A = arith.andi %ne3A, %ne3A_69 : i1
        %sub3A = arith.constant 1 : i32
        %sub3A_70 = arith.subi %div3A, %sub3A : i32
        %select_n3A_71 = arith.select %and3A, %sub3A_70, %div3A : i32
        %jit3A_72 = arith.constant 8 : i32
        %eq3A_73 = arith.constant 0 : i32
        %eq3A_74 = arith.cmpi eq, %jit3A_72, %eq3A_73 : i32
        %jit3A_75 = arith.constant 1 : i32
        %select_n3A_76 = arith.select %eq3A_74, %jit3A_75, %jit3A_72 : i32
        %rem3A_77 = arith.remsi %scan3A_53, %select_n3A_76 : i32
        %ne3A_78 = arith.constant 0 : i32
        %ne3A_79 = arith.cmpi ne, %rem3A_77, %ne3A_78 : i32
        %lt3A_80 = arith.constant 0 : i32
        %lt3A_81 = arith.cmpi slt, %rem3A_77, %lt3A_80 : i32
        %lt3A_82 = arith.constant 0 : i32
        %lt3A_83 = arith.cmpi slt, %select_n3A_76, %lt3A_82 : i32
        %ne3A_84 = arith.xori %lt3A_81, %lt3A_83 : i1
        %and3A_85 = arith.andi %ne3A_84, %ne3A_79 : i1
        %add3A_86 = arith.addi %rem3A_77, %select_n3A_76 : i32
        %select_n3A_87 = arith.select %and3A_85, %add3A_86, %rem3A_77 : i32
        %mul3A = arith.constant 16 : i32
        %mul3A_88 = arith.muli %select_n3A_87, %mul3A : i32
        %swap3A = arith.index_cast %select_n3A_71 : i32 to index
        %swap3A_89 = arith.index_cast %mul3A_88 : i32 to index
        %swap3A_90 = tpu.vector_load %arg9[%swap3A, %swap3A_89] {strides = array<i32>} : memref<80x128xf32, #tpu.memory_space<vmem>>, vector<1x16xf32>,
        %swap3A_91 = vector.shape_cast %swap3A_90 : vector<1x16xf32> to vector<16xf32>
        %swap3A_92 = vector.shape_cast %broadcast_in_dim3A_7 : vector<16xf32> to vector<1x16xf32>
        tpu.vector_store %arg9[%swap3A, %swap3A_89], %swap3A_92 {strides = array<i32>} : memref<80x128xf32, #tpu.memory_space<vmem>>, vector<1x16xf32>,
      }
      %scan3A_12 = arith.constant 640 : i32
      %lt3A = arith.constant 13 : i32
      %lt3A_13 = arith.cmpi slt, %arg1, %lt3A : i32
      %jit3A = arith.constant 1 : i32
      %jit3A_14 = arith.constant 0 : i32
      %select_n3A = arith.select %lt3A_13, %jit3A, %jit3A_14 : i32
      %add3A = arith.constant 7 : i32
      %add3A_15 = arith.addi %add3A, %select_n3A : i32
      %while3A = arith.constant 0 : i32
      %while3A_16 = arith.constant 0 : i32
      %while3A_17 = arith.subi %add3A_15, %while3A_16 : i32
      %while3A_18 = arith.addi %while3A_16, %while3A_17 : i32
      %while3A_19 = arith.constant 1 : i32
      %while3A_20 = arith.divsi %while3A_17, %while3A_19 : i32
      %while3A_21 = arith.muli %while3A_20, %while3A_19 : i32
      %while3A_22 = arith.addi %while3A_16, %while3A_21 : i32
      %while3A_23 = arith.constant 1 : i32
      scf.for %while3A_53 = %while3A_16 to %while3A_22 step %while3A_23  : i32 {
        %mul3A = arith.constant 16 : i32
        %mul3A_54 = arith.muli %while3A_53, %mul3A : i32
        %add3A_55 = arith.addi %arg1, %mul3A_54 : i32
        %mul3A_56 = arith.constant 80 : i32
        %mul3A_57 = arith.muli %add3A_55, %mul3A_56 : i32
        "tpu.region"() ({
          %run_scoped3A = tpu.sem_alloc : memref<!tpu.dma_semaphore, #tpu.memory_space<semaphore_mem>>
          %dma_start3A = arith.constant 0 : i32
          %dma_start3A_58 = tpu.memref_slice %arg10[%mul3A_57, %dma_start3A] : memref<10000x128xf32, #tpu.memory_space<vmem_shared>> -> memref<80x128xf32, #tpu.memory_space<vmem_shared>>
          %dma_start3A_59 = arith.constant 0 : i32
          %dma_start3A_60 = tpu.memref_slice %arg10[%mul3A_57, %dma_start3A_59] : memref<10000x128xf32, #tpu.memory_space<vmem_shared>> -> memref<80x128xf32, #tpu.memory_space<vmem_shared>>
          tpu.enqueue_dma source(%arg9 : memref<80x128xf32, #tpu.memory_space<vmem>>) target(%dma_start3A_60 : memref<80x128xf32, #tpu.memory_space<vmem_shared>>) target_semaphore(%run_scoped3A : memref<!tpu.dma_semaphore, #tpu.memory_space<semaphore_mem>>)
          %dma_wait3A = arith.constant 0 : i32
          %dma_wait3A_61 = tpu.memref_slice %arg10[%mul3A_57, %dma_wait3A] : memref<10000x128xf32, #tpu.memory_space<vmem_shared>> -> memref<80x128xf32, #tpu.memory_space<vmem_shared>>
          %dma_wait3A_62 = arith.constant 0 : i32
          %dma_wait3A_63 = tpu.memref_slice %arg10[%mul3A_57, %dma_wait3A_62] : memref<10000x128xf32, #tpu.memory_space<vmem_shared>> -> memref<80x128xf32, #tpu.memory_space<vmem_shared>>
          tpu.wait_dma2 semaphore(%run_scoped3A : memref<!tpu.dma_semaphore, #tpu.memory_space<semaphore_mem>>) src(%arg9 : memref<80x128xf32, #tpu.memory_space<vmem>>) dst(%dma_wait3A_63 : memref<80x128xf32, #tpu.memory_space<vmem_shared>>)
          tpu.yield
        }) : () -> ()
      }
      %while3A_24 = arith.constant 1 : i32
      scf.for %while3A_53 = %while3A_22 to %while3A_18 step %while3A_24  : i32 {
        %mul3A = arith.constant 16 : i32
        %mul3A_54 = arith.muli %while3A_53, %mul3A : i32
        %add3A_55 = arith.addi %arg1, %mul3A_54 : i32
        %mul3A_56 = arith.constant 80 : i32
        %mul3A_57 = arith.muli %add3A_55, %mul3A_56 : i32
        "tpu.region"() ({
          %run_scoped3A = tpu.sem_alloc : memref<!tpu.dma_semaphore, #tpu.memory_space<semaphore_mem>>
          %dma_start3A = arith.constant 0 : i32
          %dma_start3A_58 = tpu.memref_slice %arg10[%mul3A_57, %dma_start3A] : memref<10000x128xf32, #tpu.memory_space<vmem_shared>> -> memref<80x128xf32, #tpu.memory_space<vmem_shared>>
          %dma_start3A_59 = arith.constant 0 : i32
          %dma_start3A_60 = tpu.memref_slice %arg10[%mul3A_57, %dma_start3A_59] : memref<10000x128xf32, #tpu.memory_space<vmem_shared>> -> memref<80x128xf32, #tpu.memory_space<vmem_shared>>
          tpu.enqueue_dma source(%arg9 : memref<80x128xf32, #tpu.memory_space<vmem>>) target(%dma_start3A_60 : memref<80x128xf32, #tpu.memory_space<vmem_shared>>) target_semaphore(%run_scoped3A : memref<!tpu.dma_semaphore, #tpu.memory_space<semaphore_mem>>)
          %dma_wait3A = arith.constant 0 : i32
          %dma_wait3A_61 = tpu.memref_slice %arg10[%mul3A_57, %dma_wait3A] : memref<10000x128xf32, #tpu.memory_space<vmem_shared>> -> memref<80x128xf32, #tpu.memory_space<vmem_shared>>
          %dma_wait3A_62 = arith.constant 0 : i32
          %dma_wait3A_63 = tpu.memref_slice %arg10[%mul3A_57, %dma_wait3A_62] : memref<10000x128xf32, #tpu.memory_space<vmem_shared>> -> memref<80x128xf32, #tpu.memory_space<vmem_shared>>
          tpu.wait_dma2 semaphore(%run_scoped3A : memref<!tpu.dma_semaphore, #tpu.memory_space<semaphore_mem>>) src(%arg9 : memref<80x128xf32, #tpu.memory_space<vmem>>) dst(%dma_wait3A_63 : memref<80x128xf32, #tpu.memory_space<vmem_shared>>)
          tpu.yield
        }) : () -> ()
      }
      %barrier3A = arith.constant 0 : index
      tpu.barrier barrier_id(%barrier3A)
      %lt3A_25 = arith.constant 2 : i32
      %lt3A_26 = arith.cmpi slt, %arg1, %lt3A_25 : i32
      %jit3A_27 = arith.constant 1 : i32
      %jit3A_28 = arith.constant 0 : i32
      %select_n3A_29 = arith.select %lt3A_26, %jit3A_27, %jit3A_28 : i32
      %add3A_30 = arith.constant 78 : i32
      %add3A_31 = arith.addi %add3A_30, %select_n3A_29 : i32
      %while3A_32 = arith.constant 0 : i32
      %while3A_33 = arith.constant 0 : i32
      %while3A_34 = arith.subi %add3A_31, %while3A_33 : i32
      %while3A_35 = arith.addi %while3A_33, %while3A_34 : i32
      %while3A_36 = arith.constant 1 : i32
      %while3A_37 = arith.divsi %while3A_34, %while3A_36 : i32
      %while3A_38 = arith.muli %while3A_37, %while3A_36 : i32
      %while3A_39 = arith.addi %while3A_33, %while3A_38 : i32
      %while3A_40 = arith.constant 1 : i32
      scf.for %while3A_53 = %while3A_33 to %while3A_39 step %while3A_40  : i32 {
        %mul3A = arith.constant 16 : i32
        %mul3A_54 = arith.muli %while3A_53, %mul3A : i32
        %add3A_55 = arith.addi %arg1, %mul3A_54 : i32
        %mul3A_56 = arith.constant 128 : i32
        %mul3A_57 = arith.muli %add3A_55, %mul3A_56 : i32
        "tpu.region"() ({
          %run_scoped3A = tpu.sem_alloc : memref<!tpu.dma_semaphore, #tpu.memory_space<semaphore_mem>>
          %dma_start3A = tpu.memref_slice %arg3[%mul3A_57] : memref<160000xi32, #tpu.memory_space<hbm>> -> memref<128xi32, #tpu.memory_space<hbm>>
          %dma_start3A_58 = tpu.memref_slice %arg3[%mul3A_57] : memref<160000xi32, #tpu.memory_space<hbm>> -> memref<128xi32, #tpu.memory_space<hbm>>
          tpu.enqueue_dma source(%dma_start3A_58 : memref<128xi32, #tpu.memory_space<hbm>>) target(%arg7 : memref<128xi32, #tpu.memory_space<vmem>>) target_semaphore(%run_scoped3A : memref<!tpu.dma_semaphore, #tpu.memory_space<semaphore_mem>>)
          %dma_wait3A = tpu.memref_slice %arg3[%mul3A_57] : memref<160000xi32, #tpu.memory_space<hbm>> -> memref<128xi32, #tpu.memory_space<hbm>>
          %dma_wait3A_59 = tpu.memref_slice %arg3[%mul3A_57] : memref<160000xi32, #tpu.memory_space<hbm>> -> memref<128xi32, #tpu.memory_space<hbm>>
          tpu.wait_dma2 semaphore(%run_scoped3A : memref<!tpu.dma_semaphore, #tpu.memory_space<semaphore_mem>>) src(%dma_wait3A_59 : memref<128xi32, #tpu.memory_space<hbm>>) dst(%arg7 : memref<128xi32, #tpu.memory_space<vmem>>)
          tpu.yield
        }) : () -> ()
        "tpu.region"() ({
          %run_scoped3A = tpu.sem_alloc : memref<!tpu.dma_semaphore, #tpu.memory_space<semaphore_mem>>
          %dma_start3A = arith.constant 0 : i32
          %dma_start3A_58 = tpu.memref_slice %arg2[%mul3A_57, %dma_start3A] : memref<160000x128xf32, #tpu.memory_space<hbm>> -> memref<128x128xf32, #tpu.memory_space<hbm>>
          %dma_start3A_59 = arith.constant 0 : i32
          %dma_start3A_60 = tpu.memref_slice %arg2[%mul3A_57, %dma_start3A_59] : memref<160000x128xf32, #tpu.memory_space<hbm>> -> memref<128x128xf32, #tpu.memory_space<hbm>>
          tpu.enqueue_dma source(%dma_start3A_60 : memref<128x128xf32, #tpu.memory_space<hbm>>) target(%arg8 : memref<128x128xf32, #tpu.memory_space<vmem>>) target_semaphore(%run_scoped3A : memref<!tpu.dma_semaphore, #tpu.memory_space<semaphore_mem>>)
          %dma_wait3A = arith.constant 0 : i32
          %dma_wait3A_61 = tpu.memref_slice %arg2[%mul3A_57, %dma_wait3A] : memref<160000x128xf32, #tpu.memory_space<hbm>> -> memref<128x128xf32, #tpu.memory_space<hbm>>
          %dma_wait3A_62 = arith.constant 0 : i32
          %dma_wait3A_63 = tpu.memref_slice %arg2[%mul3A_57, %dma_wait3A_62] : memref<160000x128xf32, #tpu.memory_space<hbm>> -> memref<128x128xf32, #tpu.memory_space<hbm>>
          tpu.wait_dma2 semaphore(%run_scoped3A : memref<!tpu.dma_semaphore, #tpu.memory_space<semaphore_mem>>) src(%dma_wait3A_63 : memref<128x128xf32, #tpu.memory_space<hbm>>) dst(%arg8 : memref<128x128xf32, #tpu.memory_space<vmem>>)
          tpu.yield
        }) : () -> ()
        "tpu.region"() ({
          %run_scoped3A = tpu.sem_alloc : memref<!tpu.dma_semaphore, #tpu.memory_space<semaphore_mem>>
          %dma_start3A = arith.constant 0 : i32
          %dma_start3A_58 = arith.constant 0 : i32
          %dma_start3A_59 = tpu.memref_slice %arg10[%dma_start3A, %dma_start3A_58] : memref<10000x128xf32, #tpu.memory_space<vmem_shared>> -> memref<10000x128xf32, #tpu.memory_space<vmem_shared>>
          tpu.enqueue_indirect_dma source(%arg8 : memref<128x128xf32, #tpu.memory_space<vmem>>) target(%dma_start3A_59 : memref<10000x128xf32, #tpu.memory_space<vmem_shared>>) offsets(%arg7 : memref<128xi32, #tpu.memory_space<vmem>>) semaphore(%run_scoped3A : memref<!tpu.dma_semaphore, #tpu.memory_space<semaphore_mem>>) {add = true}
          %dma_wait3A = arith.constant 0 : i32
          %dma_wait3A_60 = arith.constant 0 : i32
          %dma_wait3A_61 = tpu.memref_slice %arg10[%dma_wait3A, %dma_wait3A_60] : memref<10000x128xf32, #tpu.memory_space<vmem_shared>> -> memref<10000x128xf32, #tpu.memory_space<vmem_shared>>
          tpu.wait_indirect_dma semaphore(%run_scoped3A : memref<!tpu.dma_semaphore, #tpu.memory_space<semaphore_mem>>) src(%arg8 : memref<128x128xf32, #tpu.memory_space<vmem>>) dst(%dma_wait3A_61 : memref<10000x128xf32, #tpu.memory_space<vmem_shared>>)
          tpu.yield
        }) : () -> ()
      }
      %while3A_41 = arith.constant 1 : i32
      scf.for %while3A_53 = %while3A_39 to %while3A_35 step %while3A_41  : i32 {
        %mul3A = arith.constant 16 : i32
        %mul3A_54 = arith.muli %while3A_53, %mul3A : i32
        %add3A_55 = arith.addi %arg1, %mul3A_54 : i32
        %mul3A_56 = arith.constant 128 : i32
        %mul3A_57 = arith.muli %add3A_55, %mul3A_56 : i32
        "tpu.region"() ({
          %run_scoped3A = tpu.sem_alloc : memref<!tpu.dma_semaphore, #tpu.memory_space<semaphore_mem>>
          %dma_start3A = tpu.memref_slice %arg3[%mul3A_57] : memref<160000xi32, #tpu.memory_space<hbm>> -> memref<128xi32, #tpu.memory_space<hbm>>
          %dma_start3A_58 = tpu.memref_slice %arg3[%mul3A_57] : memref<160000xi32, #tpu.memory_space<hbm>> -> memref<128xi32, #tpu.memory_space<hbm>>
          tpu.enqueue_dma source(%dma_start3A_58 : memref<128xi32, #tpu.memory_space<hbm>>) target(%arg7 : memref<128xi32, #tpu.memory_space<vmem>>) target_semaphore(%run_scoped3A : memref<!tpu.dma_semaphore, #tpu.memory_space<semaphore_mem>>)
          %dma_wait3A = tpu.memref_slice %arg3[%mul3A_57] : memref<160000xi32, #tpu.memory_space<hbm>> -> memref<128xi32, #tpu.memory_space<hbm>>
          %dma_wait3A_59 = tpu.memref_slice %arg3[%mul3A_57] : memref<160000xi32, #tpu.memory_space<hbm>> -> memref<128xi32, #tpu.memory_space<hbm>>
          tpu.wait_dma2 semaphore(%run_scoped3A : memref<!tpu.dma_semaphore, #tpu.memory_space<semaphore_mem>>) src(%dma_wait3A_59 : memref<128xi32, #tpu.memory_space<hbm>>) dst(%arg7 : memref<128xi32, #tpu.memory_space<vmem>>)
          tpu.yield
        }) : () -> ()
        "tpu.region"() ({
          %run_scoped3A = tpu.sem_alloc : memref<!tpu.dma_semaphore, #tpu.memory_space<semaphore_mem>>
          %dma_start3A = arith.constant 0 : i32
          %dma_start3A_58 = tpu.memref_slice %arg2[%mul3A_57, %dma_start3A] : memref<160000x128xf32, #tpu.memory_space<hbm>> -> memref<128x128xf32, #tpu.memory_space<hbm>>
          %dma_start3A_59 = arith.constant 0 : i32
          %dma_start3A_60 = tpu.memref_slice %arg2[%mul3A_57, %dma_start3A_59] : memref<160000x128xf32, #tpu.memory_space<hbm>> -> memref<128x128xf32, #tpu.memory_space<hbm>>
          tpu.enqueue_dma source(%dma_start3A_60 : memref<128x128xf32, #tpu.memory_space<hbm>>) target(%arg8 : memref<128x128xf32, #tpu.memory_space<vmem>>) target_semaphore(%run_scoped3A : memref<!tpu.dma_semaphore, #tpu.memory_space<semaphore_mem>>)
          %dma_wait3A = arith.constant 0 : i32
          %dma_wait3A_61 = tpu.memref_slice %arg2[%mul3A_57, %dma_wait3A] : memref<160000x128xf32, #tpu.memory_space<hbm>> -> memref<128x128xf32, #tpu.memory_space<hbm>>
          %dma_wait3A_62 = arith.constant 0 : i32
          %dma_wait3A_63 = tpu.memref_slice %arg2[%mul3A_57, %dma_wait3A_62] : memref<160000x128xf32, #tpu.memory_space<hbm>> -> memref<128x128xf32, #tpu.memory_space<hbm>>
          tpu.wait_dma2 semaphore(%run_scoped3A : memref<!tpu.dma_semaphore, #tpu.memory_space<semaphore_mem>>) src(%dma_wait3A_63 : memref<128x128xf32, #tpu.memory_space<hbm>>) dst(%arg8 : memref<128x128xf32, #tpu.memory_space<vmem>>)
          tpu.yield
        }) : () -> ()
        "tpu.region"() ({
          %run_scoped3A = tpu.sem_alloc : memref<!tpu.dma_semaphore, #tpu.memory_space<semaphore_mem>>
          %dma_start3A = arith.constant 0 : i32
          %dma_start3A_58 = arith.constant 0 : i32
          %dma_start3A_59 = tpu.memref_slice %arg10[%dma_start3A, %dma_start3A_58] : memref<10000x128xf32, #tpu.memory_space<vmem_shared>> -> memref<10000x128xf32, #tpu.memory_space<vmem_shared>>
          tpu.enqueue_indirect_dma source(%arg8 : memref<128x128xf32, #tpu.memory_space<vmem>>) target(%dma_start3A_59 : memref<10000x128xf32, #tpu.memory_space<vmem_shared>>) offsets(%arg7 : memref<128xi32, #tpu.memory_space<vmem>>) semaphore(%run_scoped3A : memref<!tpu.dma_semaphore, #tpu.memory_space<semaphore_mem>>) {add = true}
          %dma_wait3A = arith.constant 0 : i32
          %dma_wait3A_60 = arith.constant 0 : i32
          %dma_wait3A_61 = tpu.memref_slice %arg10[%dma_wait3A, %dma_wait3A_60] : memref<10000x128xf32, #tpu.memory_space<vmem_shared>> -> memref<10000x128xf32, #tpu.memory_space<vmem_shared>>
          tpu.wait_indirect_dma semaphore(%run_scoped3A : memref<!tpu.dma_semaphore, #tpu.memory_space<semaphore_mem>>) src(%arg8 : memref<128x128xf32, #tpu.memory_space<vmem>>) dst(%dma_wait3A_61 : memref<10000x128xf32, #tpu.memory_space<vmem_shared>>)
          tpu.yield
        }) : () -> ()
      }
      %barrier3A_42 = arith.constant 0 : index
      tpu.barrier barrier_id(%barrier3A_42)
      %while3A_43 = arith.constant 0 : i32
      %while3A_44 = arith.constant 0 : i32
      %while3A_45 = arith.subi %add3A_15, %while3A_44 : i32
      %while3A_46 = arith.addi %while3A_44, %while3A_45 : i32
      %while3A_47 = arith.constant 1 : i32
      %while3A_48 = arith.divsi %while3A_45, %while3A_47 : i32
      %while3A_49 = arith.muli %while3A_48, %while3A_47 : i32
      %while3A_50 = arith.addi %while3A_44, %while3A_49 : i32
      %while3A_51 = arith.constant 1 : i32
      scf.for %while3A_53 = %while3A_44 to %while3A_50 step %while3A_51  : i32 {
        %mul3A = arith.constant 16 : i32
        %mul3A_54 = arith.muli %while3A_53, %mul3A : i32
        %add3A_55 = arith.addi %arg1, %mul3A_54 : i32
        %mul3A_56 = arith.constant 80 : i32
        %mul3A_57 = arith.muli %add3A_55, %mul3A_56 : i32
        %mul3A_58 = arith.constant 80 : i32
        %mul3A_59 = arith.muli %add3A_55, %mul3A_58 : i32
        "tpu.region"() ({
          %run_scoped3A = tpu.sem_alloc : memref<!tpu.dma_semaphore, #tpu.memory_space<semaphore_mem>>
          %dma_start3A = arith.constant 0 : i32
          %dma_start3A_60 = tpu.memref_slice %arg6[%mul3A_59, %dma_start3A] : memref<10000x128xf32, #tpu.memory_space<hbm>> -> memref<80x128xf32, #tpu.memory_space<hbm>>
          %dma_start3A_61 = arith.constant 0 : i32
          %dma_start3A_62 = tpu.memref_slice %arg10[%mul3A_57, %dma_start3A_61] : memref<10000x128xf32, #tpu.memory_space<vmem_shared>> -> memref<80x128xf32, #tpu.memory_space<vmem_shared>>
          tpu.enqueue_dma source(%dma_start3A_62 : memref<80x128xf32, #tpu.memory_space<vmem_shared>>) target(%dma_start3A_60 : memref<80x128xf32, #tpu.memory_space<hbm>>) target_semaphore(%run_scoped3A : memref<!tpu.dma_semaphore, #tpu.memory_space<semaphore_mem>>)
          %dma_wait3A = arith.constant 0 : i32
          %dma_wait3A_63 = tpu.memref_slice %arg6[%mul3A_59, %dma_wait3A] : memref<10000x128xf32, #tpu.memory_space<hbm>> -> memref<80x128xf32, #tpu.memory_space<hbm>>
          %dma_wait3A_64 = arith.constant 0 : i32
          %dma_wait3A_65 = tpu.memref_slice %arg10[%mul3A_57, %dma_wait3A_64] : memref<10000x128xf32, #tpu.memory_space<vmem_shared>> -> memref<80x128xf32, #tpu.memory_space<vmem_shared>>
          tpu.wait_dma2 semaphore(%run_scoped3A : memref<!tpu.dma_semaphore, #tpu.memory_space<semaphore_mem>>) src(%dma_wait3A_65 : memref<80x128xf32, #tpu.memory_space<vmem_shared>>) dst(%dma_wait3A_63 : memref<80x128xf32, #tpu.memory_space<hbm>>)
          tpu.yield
        }) : () -> ()
      }
      %while3A_52 = arith.constant 1 : i32
      scf.for %while3A_53 = %while3A_50 to %while3A_46 step %while3A_52  : i32 {
        %mul3A = arith.constant 16 : i32
        %mul3A_54 = arith.muli %while3A_53, %mul3A : i32
        %add3A_55 = arith.addi %arg1, %mul3A_54 : i32
        %mul3A_56 = arith.constant 80 : i32
        %mul3A_57 = arith.muli %add3A_55, %mul3A_56 : i32
        %mul3A_58 = arith.constant 80 : i32
        %mul3A_59 = arith.muli %add3A_55, %mul3A_58 : i32
        "tpu.region"() ({
          %run_scoped3A = tpu.sem_alloc : memref<!tpu.dma_semaphore, #tpu.memory_space<semaphore_mem>>
          %dma_start3A = arith.constant 0 : i32
          %dma_start3A_60 = tpu.memref_slice %arg6[%mul3A_59, %dma_start3A] : memref<10000x128xf32, #tpu.memory_space<hbm>> -> memref<80x128xf32, #tpu.memory_space<hbm>>
          %dma_start3A_61 = arith.constant 0 : i32
          %dma_start3A_62 = tpu.memref_slice %arg10[%mul3A_57, %dma_start3A_61] : memref<10000x128xf32, #tpu.memory_space<vmem_shared>> -> memref<80x128xf32, #tpu.memory_space<vmem_shared>>
          tpu.enqueue_dma source(%dma_start3A_62 : memref<80x128xf32, #tpu.memory_space<vmem_shared>>) target(%dma_start3A_60 : memref<80x128xf32, #tpu.memory_space<hbm>>) target_semaphore(%run_scoped3A : memref<!tpu.dma_semaphore, #tpu.memory_space<semaphore_mem>>)
          %dma_wait3A = arith.constant 0 : i32
          %dma_wait3A_63 = tpu.memref_slice %arg6[%mul3A_59, %dma_wait3A] : memref<10000x128xf32, #tpu.memory_space<hbm>> -> memref<80x128xf32, #tpu.memory_space<hbm>>
          %dma_wait3A_64 = arith.constant 0 : i32
          %dma_wait3A_65 = tpu.memref_slice %arg10[%mul3A_57, %dma_wait3A_64] : memref<10000x128xf32, #tpu.memory_space<vmem_shared>> -> memref<80x128xf32, #tpu.memory_space<vmem_shared>>
          tpu.wait_dma2 semaphore(%run_scoped3A : memref<!tpu.dma_semaphore, #tpu.memory_space<semaphore_mem>>) src(%dma_wait3A_65 : memref<80x128xf32, #tpu.memory_space<vmem_shared>>) dst(%dma_wait3A_63 : memref<80x128xf32, #tpu.memory_space<hbm>>)
          tpu.yield
        }) : () -> ()
      }
    } else {
    }
    return
  }
}

module attributes {stable_mosaic.version = 14 : i64} {
  func.func @_mlp2_body(%arg0: i32, %arg1: memref<2000x174xf32, #tpu.memory_space<vmem>>, %arg2: memref<174x128xf32, #tpu.memory_space<vmem>>, %arg3: memref<1x128xf32, #tpu.memory_space<vmem>>, %arg4: memref<128x128xf32, #tpu.memory_space<vmem>>, %arg5: memref<1x128xf32, #tpu.memory_space<vmem>>, %arg6: memref<2000x128xf32, #tpu.memory_space<vmem>>) attributes {dimension_semantics = [#tpu.dimension_semantics<arbitrary>], iteration_bounds = array<i64: 5>, scalar_prefetch = 0 : i64, scratch_operands = 0 : i64, tpu.core_type = #tpu.core_type<tc>, window_params = [{transform_indices = @transform_0, window_bounds = array<i64: 2000, 174>}, {pipeline_mode = #tpu.pipeline_mode<synchronous>, transform_indices = @transform_1, window_bounds = array<i64: 174, 128>}, {pipeline_mode = #tpu.pipeline_mode<synchronous>, transform_indices = @transform_2, window_bounds = array<i64: 1, 128>}, {pipeline_mode = #tpu.pipeline_mode<synchronous>, transform_indices = @transform_3, window_bounds = array<i64: 128, 128>}, {pipeline_mode = #tpu.pipeline_mode<synchronous>, transform_indices = @transform_4, window_bounds = array<i64: 1, 128>}, {transform_indices = @transform_5, window_bounds = array<i64: 2000, 128>}]} {
    %get3A = arith.constant 0 : index
    %get3A_0 = arith.constant 0 : index
    %get3A_1 = vector.load %arg1[%get3A, %get3A_0] : memref<2000x174xf32, #tpu.memory_space<vmem>>, vector<2000x174xf32>
    %get3A_2 = arith.constant 0 : index
    %get3A_3 = arith.constant 0 : index
    %get3A_4 = vector.load %arg2[%get3A_2, %get3A_3] : memref<174x128xf32, #tpu.memory_space<vmem>>, vector<174x128xf32>
    %dot_general3A = arith.constant dense<0.000000e+00> : vector<2000x128xf32>
    %dot_general3A_5 = tpu.matmul %get3A_1, %get3A_4, %dot_general3A {dimension_numbers = #tpu.dot_dimension_numbers<[1], [0], [0], [1], [0, 0, 1, 1], [], []>, transpose_lhs_hint = false} : vector<2000x174xf32>, vector<174x128xf32>, vector<2000x128xf32> -> vector<2000x128xf32>
    %get3A_6 = arith.constant 0 : index
    %get3A_7 = arith.constant 0 : index
    %get3A_8 = vector.load %arg3[%get3A_6, %get3A_7] : memref<1x128xf32, #tpu.memory_space<vmem>>, vector<1x128xf32>
    %add3A = vector.broadcast %get3A_8 : vector<1x128xf32> to vector<2000x128xf32>
    %add3A_9 = arith.addf %dot_general3A_5, %add3A : vector<2000x128xf32>
    %max3A = arith.constant 0.000000e+00 : f32
    %max3A_10 = vector.broadcast %max3A : f32 to vector<2000x128xf32>
    %max3A_11 = arith.maximumf %add3A_9, %max3A_10 : vector<2000x128xf32>
    %get3A_12 = arith.constant 0 : index
    %get3A_13 = arith.constant 0 : index
    %get3A_14 = vector.load %arg4[%get3A_12, %get3A_13] : memref<128x128xf32, #tpu.memory_space<vmem>>, vector<128x128xf32>
    %dot_general3A_15 = arith.constant dense<0.000000e+00> : vector<2000x128xf32>
    %dot_general3A_16 = tpu.matmul %max3A_11, %get3A_14, %dot_general3A_15 {dimension_numbers = #tpu.dot_dimension_numbers<[1], [0], [0], [1], [0, 0, 1, 1], [], []>, transpose_lhs_hint = false} : vector<2000x128xf32>, vector<128x128xf32>, vector<2000x128xf32> -> vector<2000x128xf32>
    %get3A_17 = arith.constant 0 : index
    %get3A_18 = arith.constant 0 : index
    %get3A_19 = vector.load %arg5[%get3A_17, %get3A_18] : memref<1x128xf32, #tpu.memory_space<vmem>>, vector<1x128xf32>
    %add3A_20 = vector.broadcast %get3A_19 : vector<1x128xf32> to vector<2000x128xf32>
    %add3A_21 = arith.addf %dot_general3A_16, %add3A_20 : vector<2000x128xf32>
    %max3A_22 = arith.constant 0.000000e+00 : f32
    %max3A_23 = vector.broadcast %max3A_22 : f32 to vector<2000x128xf32>
    %max3A_24 = arith.maximumf %add3A_21, %max3A_23 : vector<2000x128xf32>
    %swap3A = arith.constant 0 : index
    %swap3A_25 = arith.constant 0 : index
    %swap3A_26 = vector.load %arg6[%swap3A, %swap3A_25] : memref<2000x128xf32, #tpu.memory_space<vmem>>, vector<2000x128xf32>
    tpu.vector_store %arg6[%swap3A, %swap3A_25], %max3A_24 {strides = array<i32>} : memref<2000x128xf32, #tpu.memory_space<vmem>>, vector<2000x128xf32>,
    return
  }
  func.func @transform_0(%arg0: i32) -> (i32, i32) {
    %c0_i32 = arith.constant 0 : i32
    %c0_i32_0 = arith.constant 0 : i32
    return %arg0, %c0_i32 : i32, i32
  }
  func.func @transform_1(%arg0: i32) -> (i32, i32) {
    %c0_i32 = arith.constant 0 : i32
    %c0_i32_0 = arith.constant 0 : i32
    %c0_i32_1 = arith.constant 0 : i32
    return %c0_i32, %c0_i32_0 : i32, i32
  }
  func.func @transform_2(%arg0: i32) -> (i32, i32) {
    %c0_i32 = arith.constant 0 : i32
    %c0_i32_0 = arith.constant 0 : i32
    %c0_i32_1 = arith.constant 0 : i32
    return %c0_i32, %c0_i32_0 : i32, i32
  }
  func.func @transform_3(%arg0: i32) -> (i32, i32) {
    %c0_i32 = arith.constant 0 : i32
    %c0_i32_0 = arith.constant 0 : i32
    %c0_i32_1 = arith.constant 0 : i32
    return %c0_i32, %c0_i32_0 : i32, i32
  }
  func.func @transform_4(%arg0: i32) -> (i32, i32) {
    %c0_i32 = arith.constant 0 : i32
    %c0_i32_0 = arith.constant 0 : i32
    %c0_i32_1 = arith.constant 0 : i32
    return %c0_i32, %c0_i32_0 : i32, i32
  }
  func.func @transform_5(%arg0: i32) -> (i32, i32) {
    %c0_i32 = arith.constant 0 : i32
    %c0_i32_0 = arith.constant 0 : i32
    return %arg0, %c0_i32 : i32, i32
  }
}

module attributes {stable_mosaic.version = 14 : i64} {
  func.func @_nodeprep_body(%arg0: i32, %arg1: memref<2000x128xf32, #tpu.memory_space<vmem>>, %arg2: memref<1x1x2000xi32, #tpu.memory_space<vmem>>, %arg3: memref<128x128xf32, #tpu.memory_space<vmem>>, %arg4: memref<128x128xf32, #tpu.memory_space<vmem>>, %arg5: memref<128x128xf32, #tpu.memory_space<vmem>>, %arg6: memref<128x128xf32, #tpu.memory_space<vmem>>, %arg7: memref<1x128xf32, #tpu.memory_space<vmem>>, %arg8: memref<2000x128xf32, #tpu.memory_space<vmem>>, %arg9: memref<2000x128xf32, #tpu.memory_space<vmem>>) attributes {dimension_semantics = [#tpu.dimension_semantics<arbitrary>], iteration_bounds = array<i64: 5>, scalar_prefetch = 0 : i64, scratch_operands = 0 : i64, tpu.core_type = #tpu.core_type<tc>, window_params = [{transform_indices = @transform_0, window_bounds = array<i64: 2000, 128>}, {transform_indices = @transform_1, window_bounds = array<i64: 1, 1, 2000>}, {pipeline_mode = #tpu.pipeline_mode<synchronous>, transform_indices = @transform_2, window_bounds = array<i64: 128, 128>}, {pipeline_mode = #tpu.pipeline_mode<synchronous>, transform_indices = @transform_3, window_bounds = array<i64: 128, 128>}, {pipeline_mode = #tpu.pipeline_mode<synchronous>, transform_indices = @transform_4, window_bounds = array<i64: 128, 128>}, {pipeline_mode = #tpu.pipeline_mode<synchronous>, transform_indices = @transform_5, window_bounds = array<i64: 128, 128>}, {pipeline_mode = #tpu.pipeline_mode<synchronous>, transform_indices = @transform_6, window_bounds = array<i64: 1, 128>}, {transform_indices = @transform_7, window_bounds = array<i64: 2000, 128>}, {transform_indices = @transform_8, window_bounds = array<i64: 2000, 128>}]} {
    %get3A = arith.constant 0 : index
    %get3A_0 = arith.constant 0 : index
    %get3A_1 = arith.constant 0 : index
    %get3A_2 = vector.load %arg2[%get3A, %get3A_0, %get3A_1] : memref<1x1x2000xi32, #tpu.memory_space<vmem>>, vector<1x1x2000xi32>
    %reshape3A = vector.shape_cast %get3A_2 : vector<1x1x2000xi32> to vector<2000x1xi32>
    %iota3A = tpu.iota {dimensions = array<i32: 1>} : vector<2000x128xi32>
    %eq3A = vector.broadcast %reshape3A : vector<2000x1xi32> to vector<2000x128xi32>
    %eq3A_3 = arith.cmpi eq, %eq3A, %iota3A : vector<2000x128xi32>
    %convert_element_type3A = arith.extui %eq3A_3 : vector<2000x128xi1> to vector<2000x128xi32>
    %convert_element_type3A_4 = arith.sitofp %convert_element_type3A : vector<2000x128xi32> to vector<2000x128xf32>
    %get3A_5 = arith.constant 0 : index
    %get3A_6 = arith.constant 0 : index
    %get3A_7 = vector.load %arg3[%get3A_5, %get3A_6] : memref<128x128xf32, #tpu.memory_space<vmem>>, vector<128x128xf32>
    %get3A_8 = arith.constant 0 : index
    %get3A_9 = arith.constant 0 : index
    %get3A_10 = vector.load %arg6[%get3A_8, %get3A_9] : memref<128x128xf32, #tpu.memory_space<vmem>>, vector<128x128xf32>
    %dot_general3A = arith.constant dense<0.000000e+00> : vector<128x128xf32>
    %dot_general3A_11 = tpu.matmul %get3A_7, %get3A_10, %dot_general3A {dimension_numbers = #tpu.dot_dimension_numbers<[1], [0], [0], [1], [0, 0, 1, 1], [], []>, transpose_lhs_hint = false} : vector<128x128xf32>, vector<128x128xf32>, vector<128x128xf32> -> vector<128x128xf32>
    %get3A_12 = arith.constant 0 : index
    %get3A_13 = arith.constant 0 : index
    %get3A_14 = vector.load %arg1[%get3A_12, %get3A_13] : memref<2000x128xf32, #tpu.memory_space<vmem>>, vector<2000x128xf32>
    %get3A_15 = arith.constant 0 : index
    %get3A_16 = arith.constant 0 : index
    %get3A_17 = vector.load %arg4[%get3A_15, %get3A_16] : memref<128x128xf32, #tpu.memory_space<vmem>>, vector<128x128xf32>
    %dot_general3A_18 = arith.constant dense<0.000000e+00> : vector<2000x128xf32>
    %dot_general3A_19 = tpu.matmul %get3A_14, %get3A_17, %dot_general3A_18 {dimension_numbers = #tpu.dot_dimension_numbers<[1], [0], [0], [1], [0, 0, 1, 1], [], []>, transpose_lhs_hint = false} : vector<2000x128xf32>, vector<128x128xf32>, vector<2000x128xf32> -> vector<2000x128xf32>
    %dot_general3A_20 = arith.constant dense<0.000000e+00> : vector<2000x128xf32>
    %dot_general3A_21 = tpu.matmul %convert_element_type3A_4, %dot_general3A_11, %dot_general3A_20 {dimension_numbers = #tpu.dot_dimension_numbers<[1], [0], [0], [1], [0, 0, 1, 1], [], []>, transpose_lhs_hint = false} : vector<2000x128xf32>, vector<128x128xf32>, vector<2000x128xf32> -> vector<2000x128xf32>
    %add3A = arith.addf %dot_general3A_19, %dot_general3A_21 : vector<2000x128xf32>
    %get3A_22 = arith.constant 0 : index
    %get3A_23 = arith.constant 0 : index
    %get3A_24 = vector.load %arg7[%get3A_22, %get3A_23] : memref<1x128xf32, #tpu.memory_space<vmem>>, vector<1x128xf32>
    %add3A_25 = vector.broadcast %get3A_24 : vector<1x128xf32> to vector<2000x128xf32>
    %add3A_26 = arith.addf %add3A, %add3A_25 : vector<2000x128xf32>
    %swap3A = arith.constant 0 : index
    %swap3A_27 = arith.constant 0 : index
    %swap3A_28 = vector.load %arg8[%swap3A, %swap3A_27] : memref<2000x128xf32, #tpu.memory_space<vmem>>, vector<2000x128xf32>
    tpu.vector_store %arg8[%swap3A, %swap3A_27], %add3A_26 {strides = array<i32>} : memref<2000x128xf32, #tpu.memory_space<vmem>>, vector<2000x128xf32>,
    %get3A_29 = arith.constant 0 : index
    %get3A_30 = arith.constant 0 : index
    %get3A_31 = vector.load %arg1[%get3A_29, %get3A_30] : memref<2000x128xf32, #tpu.memory_space<vmem>>, vector<2000x128xf32>
    %get3A_32 = arith.constant 0 : index
    %get3A_33 = arith.constant 0 : index
    %get3A_34 = vector.load %arg5[%get3A_32, %get3A_33] : memref<128x128xf32, #tpu.memory_space<vmem>>, vector<128x128xf32>
    %dot_general3A_35 = arith.constant dense<0.000000e+00> : vector<2000x128xf32>
    %dot_general3A_36 = tpu.matmul %get3A_31, %get3A_34, %dot_general3A_35 {dimension_numbers = #tpu.dot_dimension_numbers<[1], [0], [0], [1], [0, 0, 1, 1], [], []>, transpose_lhs_hint = false} : vector<2000x128xf32>, vector<128x128xf32>, vector<2000x128xf32> -> vector<2000x128xf32>
    %swap3A_37 = arith.constant 0 : index
    %swap3A_38 = arith.constant 0 : index
    %swap3A_39 = vector.load %arg9[%swap3A_37, %swap3A_38] : memref<2000x128xf32, #tpu.memory_space<vmem>>, vector<2000x128xf32>
    tpu.vector_store %arg9[%swap3A_37, %swap3A_38], %dot_general3A_36 {strides = array<i32>} : memref<2000x128xf32, #tpu.memory_space<vmem>>, vector<2000x128xf32>,
    return
  }
  func.func @transform_0(%arg0: i32) -> (i32, i32) {
    %c0_i32 = arith.constant 0 : i32
    %c0_i32_0 = arith.constant 0 : i32
    return %arg0, %c0_i32 : i32, i32
  }
  func.func @transform_1(%arg0: i32) -> (i32, i32, i32) {
    %c0_i32 = arith.constant 0 : i32
    %c0_i32_0 = arith.constant 0 : i32
    %c0_i32_1 = arith.constant 0 : i32
    return %arg0, %c0_i32, %c0_i32_0 : i32, i32, i32
  }
  func.func @transform_2(%arg0: i32) -> (i32, i32) {
    %c0_i32 = arith.constant 0 : i32
    %c0_i32_0 = arith.constant 0 : i32
    %c0_i32_1 = arith.constant 0 : i32
    return %c0_i32, %c0_i32_0 : i32, i32
  }
  func.func @transform_3(%arg0: i32) -> (i32, i32) {
    %c0_i32 = arith.constant 0 : i32
    %c0_i32_0 = arith.constant 0 : i32
    %c0_i32_1 = arith.constant 0 : i32
    return %c0_i32, %c0_i32_0 : i32, i32
  }
  func.func @transform_4(%arg0: i32) -> (i32, i32) {
    %c0_i32 = arith.constant 0 : i32
    %c0_i32_0 = arith.constant 0 : i32
    %c0_i32_1 = arith.constant 0 : i32
    return %c0_i32, %c0_i32_0 : i32, i32
  }
  func.func @transform_5(%arg0: i32) -> (i32, i32) {
    %c0_i32 = arith.constant 0 : i32
    %c0_i32_0 = arith.constant 0 : i32
    %c0_i32_1 = arith.constant 0 : i32
    return %c0_i32, %c0_i32_0 : i32, i32
  }
  func.func @transform_6(%arg0: i32) -> (i32, i32) {
    %c0_i32 = arith.constant 0 : i32
    %c0_i32_0 = arith.constant 0 : i32
    %c0_i32_1 = arith.constant 0 : i32
    return %c0_i32, %c0_i32_0 : i32, i32
  }
  func.func @transform_7(%arg0: i32) -> (i32, i32) {
    %c0_i32 = arith.constant 0 : i32
    %c0_i32_0 = arith.constant 0 : i32
    return %arg0, %c0_i32 : i32, i32
  }
  func.func @transform_8(%arg0: i32) -> (i32, i32) {
    %c0_i32 = arith.constant 0 : i32
    %c0_i32_0 = arith.constant 0 : i32
    return %arg0, %c0_i32 : i32, i32
  }
}

module attributes {stable_mosaic.version = 14 : i64} {
  func.func @_mlp2_body(%arg0: i32, %arg1: memref<1600x13xf32, #tpu.memory_space<vmem>>, %arg2: memref<13x128xf32, #tpu.memory_space<vmem>>, %arg3: memref<1x128xf32, #tpu.memory_space<vmem>>, %arg4: memref<128x128xf32, #tpu.memory_space<vmem>>, %arg5: memref<1x128xf32, #tpu.memory_space<vmem>>, %arg6: memref<1600x128xf32, #tpu.memory_space<vmem>>) attributes {dimension_semantics = [#tpu.dimension_semantics<arbitrary>], iteration_bounds = array<i64: 100>, scalar_prefetch = 0 : i64, scratch_operands = 0 : i64, tpu.core_type = #tpu.core_type<tc>, window_params = [{transform_indices = @transform_0, window_bounds = array<i64: 1600, 13>}, {pipeline_mode = #tpu.pipeline_mode<synchronous>, transform_indices = @transform_1, window_bounds = array<i64: 13, 128>}, {pipeline_mode = #tpu.pipeline_mode<synchronous>, transform_indices = @transform_2, window_bounds = array<i64: 1, 128>}, {pipeline_mode = #tpu.pipeline_mode<synchronous>, transform_indices = @transform_3, window_bounds = array<i64: 128, 128>}, {pipeline_mode = #tpu.pipeline_mode<synchronous>, transform_indices = @transform_4, window_bounds = array<i64: 1, 128>}, {transform_indices = @transform_5, window_bounds = array<i64: 1600, 128>}]} {
    %get3A = arith.constant 0 : index
    %get3A_0 = arith.constant 0 : index
    %get3A_1 = vector.load %arg1[%get3A, %get3A_0] : memref<1600x13xf32, #tpu.memory_space<vmem>>, vector<1600x13xf32>
    %get3A_2 = arith.constant 0 : index
    %get3A_3 = arith.constant 0 : index
    %get3A_4 = vector.load %arg2[%get3A_2, %get3A_3] : memref<13x128xf32, #tpu.memory_space<vmem>>, vector<13x128xf32>
    %dot_general3A = arith.constant dense<0.000000e+00> : vector<1600x128xf32>
    %dot_general3A_5 = tpu.matmul %get3A_1, %get3A_4, %dot_general3A {dimension_numbers = #tpu.dot_dimension_numbers<[1], [0], [0], [1], [0, 0, 1, 1], [], []>, transpose_lhs_hint = false} : vector<1600x13xf32>, vector<13x128xf32>, vector<1600x128xf32> -> vector<1600x128xf32>
    %get3A_6 = arith.constant 0 : index
    %get3A_7 = arith.constant 0 : index
    %get3A_8 = vector.load %arg3[%get3A_6, %get3A_7] : memref<1x128xf32, #tpu.memory_space<vmem>>, vector<1x128xf32>
    %add3A = vector.broadcast %get3A_8 : vector<1x128xf32> to vector<1600x128xf32>
    %add3A_9 = arith.addf %dot_general3A_5, %add3A : vector<1600x128xf32>
    %max3A = arith.constant 0.000000e+00 : f32
    %max3A_10 = vector.broadcast %max3A : f32 to vector<1600x128xf32>
    %max3A_11 = arith.maximumf %add3A_9, %max3A_10 : vector<1600x128xf32>
    %get3A_12 = arith.constant 0 : index
    %get3A_13 = arith.constant 0 : index
    %get3A_14 = vector.load %arg4[%get3A_12, %get3A_13] : memref<128x128xf32, #tpu.memory_space<vmem>>, vector<128x128xf32>
    %dot_general3A_15 = arith.constant dense<0.000000e+00> : vector<1600x128xf32>
    %dot_general3A_16 = tpu.matmul %max3A_11, %get3A_14, %dot_general3A_15 {dimension_numbers = #tpu.dot_dimension_numbers<[1], [0], [0], [1], [0, 0, 1, 1], [], []>, transpose_lhs_hint = false} : vector<1600x128xf32>, vector<128x128xf32>, vector<1600x128xf32> -> vector<1600x128xf32>
    %get3A_17 = arith.constant 0 : index
    %get3A_18 = arith.constant 0 : index
    %get3A_19 = vector.load %arg5[%get3A_17, %get3A_18] : memref<1x128xf32, #tpu.memory_space<vmem>>, vector<1x128xf32>
    %add3A_20 = vector.broadcast %get3A_19 : vector<1x128xf32> to vector<1600x128xf32>
    %add3A_21 = arith.addf %dot_general3A_16, %add3A_20 : vector<1600x128xf32>
    %max3A_22 = arith.constant 0.000000e+00 : f32
    %max3A_23 = vector.broadcast %max3A_22 : f32 to vector<1600x128xf32>
    %max3A_24 = arith.maximumf %add3A_21, %max3A_23 : vector<1600x128xf32>
    %swap3A = arith.constant 0 : index
    %swap3A_25 = arith.constant 0 : index
    %swap3A_26 = vector.load %arg6[%swap3A, %swap3A_25] : memref<1600x128xf32, #tpu.memory_space<vmem>>, vector<1600x128xf32>
    tpu.vector_store %arg6[%swap3A, %swap3A_25], %max3A_24 {strides = array<i32>} : memref<1600x128xf32, #tpu.memory_space<vmem>>, vector<1600x128xf32>,
    return
  }
  func.func @transform_0(%arg0: i32) -> (i32, i32) {
    %c0_i32 = arith.constant 0 : i32
    %c0_i32_0 = arith.constant 0 : i32
    return %arg0, %c0_i32 : i32, i32
  }
  func.func @transform_1(%arg0: i32) -> (i32, i32) {
    %c0_i32 = arith.constant 0 : i32
    %c0_i32_0 = arith.constant 0 : i32
    %c0_i32_1 = arith.constant 0 : i32
    return %c0_i32, %c0_i32_0 : i32, i32
  }
  func.func @transform_2(%arg0: i32) -> (i32, i32) {
    %c0_i32 = arith.constant 0 : i32
    %c0_i32_0 = arith.constant 0 : i32
    %c0_i32_1 = arith.constant 0 : i32
    return %c0_i32, %c0_i32_0 : i32, i32
  }
  func.func @transform_3(%arg0: i32) -> (i32, i32) {
    %c0_i32 = arith.constant 0 : i32
    %c0_i32_0 = arith.constant 0 : i32
    %c0_i32_1 = arith.constant 0 : i32
    return %c0_i32, %c0_i32_0 : i32, i32
  }
  func.func @transform_4(%arg0: i32) -> (i32, i32) {
    %c0_i32 = arith.constant 0 : i32
    %c0_i32_0 = arith.constant 0 : i32
    %c0_i32_1 = arith.constant 0 : i32
    return %c0_i32, %c0_i32_0 : i32, i32
  }
  func.func @transform_5(%arg0: i32) -> (i32, i32) {
    %c0_i32 = arith.constant 0 : i32
    %c0_i32_0 = arith.constant 0 : i32
    return %arg0, %c0_i32 : i32, i32
  }
}

module attributes {stable_mosaic.version = 14 : i64} {
  func.func @_edge_body(%arg0: i32, %arg1: memref<1600x128xf32, #tpu.memory_space<vmem>>, %arg2: memref<1600x128xf32, #tpu.memory_space<vmem>>, %arg3: memref<1600x128xf32, #tpu.memory_space<vmem>>, %arg4: memref<128x128xf32, #tpu.memory_space<vmem>>, %arg5: memref<128x128xf32, #tpu.memory_space<vmem>>, %arg6: memref<1x128xf32, #tpu.memory_space<vmem>>, %arg7: memref<1600x128xf32, #tpu.memory_space<vmem>>) attributes {dimension_semantics = [#tpu.dimension_semantics<arbitrary>], iteration_bounds = array<i64: 100>, scalar_prefetch = 0 : i64, scratch_operands = 0 : i64, tpu.core_type = #tpu.core_type<tc>, window_params = [{transform_indices = @transform_0, window_bounds = array<i64: 1600, 128>}, {transform_indices = @transform_1, window_bounds = array<i64: 1600, 128>}, {transform_indices = @transform_2, window_bounds = array<i64: 1600, 128>}, {pipeline_mode = #tpu.pipeline_mode<synchronous>, transform_indices = @transform_3, window_bounds = array<i64: 128, 128>}, {pipeline_mode = #tpu.pipeline_mode<synchronous>, transform_indices = @transform_4, window_bounds = array<i64: 128, 128>}, {pipeline_mode = #tpu.pipeline_mode<synchronous>, transform_indices = @transform_5, window_bounds = array<i64: 1, 128>}, {transform_indices = @transform_6, window_bounds = array<i64: 1600, 128>}]} {
    %get3A = arith.constant 0 : index
    %get3A_0 = arith.constant 0 : index
    %get3A_1 = vector.load %arg1[%get3A, %get3A_0] : memref<1600x128xf32, #tpu.memory_space<vmem>>, vector<1600x128xf32>
    %get3A_2 = arith.constant 0 : index
    %get3A_3 = arith.constant 0 : index
    %get3A_4 = vector.load %arg2[%get3A_2, %get3A_3] : memref<1600x128xf32, #tpu.memory_space<vmem>>, vector<1600x128xf32>
    %add3A = arith.addf %get3A_1, %get3A_4 : vector<1600x128xf32>
    %get3A_5 = arith.constant 0 : index
    %get3A_6 = arith.constant 0 : index
    %get3A_7 = vector.load %arg3[%get3A_5, %get3A_6] : memref<1600x128xf32, #tpu.memory_space<vmem>>, vector<1600x128xf32>
    %get3A_8 = arith.constant 0 : index
    %get3A_9 = arith.constant 0 : index
    %get3A_10 = vector.load %arg4[%get3A_8, %get3A_9] : memref<128x128xf32, #tpu.memory_space<vmem>>, vector<128x128xf32>
    %dot_general3A = arith.constant dense<0.000000e+00> : vector<1600x128xf32>
    %dot_general3A_11 = tpu.matmul %get3A_7, %get3A_10, %dot_general3A {dimension_numbers = #tpu.dot_dimension_numbers<[1], [0], [0], [1], [0, 0, 1, 1], [], []>, transpose_lhs_hint = false} : vector<1600x128xf32>, vector<128x128xf32>, vector<1600x128xf32> -> vector<1600x128xf32>
    %add3A_12 = arith.addf %add3A, %dot_general3A_11 : vector<1600x128xf32>
    %max3A = arith.constant 0.000000e+00 : f32
    %max3A_13 = vector.broadcast %max3A : f32 to vector<1600x128xf32>
    %max3A_14 = arith.maximumf %add3A_12, %max3A_13 : vector<1600x128xf32>
    %get3A_15 = arith.constant 0 : index
    %get3A_16 = arith.constant 0 : index
    %get3A_17 = vector.load %arg5[%get3A_15, %get3A_16] : memref<128x128xf32, #tpu.memory_space<vmem>>, vector<128x128xf32>
    %dot_general3A_18 = arith.constant dense<0.000000e+00> : vector<1600x128xf32>
    %dot_general3A_19 = tpu.matmul %max3A_14, %get3A_17, %dot_general3A_18 {dimension_numbers = #tpu.dot_dimension_numbers<[1], [0], [0], [1], [0, 0, 1, 1], [], []>, transpose_lhs_hint = false} : vector<1600x128xf32>, vector<128x128xf32>, vector<1600x128xf32> -> vector<1600x128xf32>
    %get3A_20 = arith.constant 0 : index
    %get3A_21 = arith.constant 0 : index
    %get3A_22 = vector.load %arg6[%get3A_20, %get3A_21] : memref<1x128xf32, #tpu.memory_space<vmem>>, vector<1x128xf32>
    %add3A_23 = vector.broadcast %get3A_22 : vector<1x128xf32> to vector<1600x128xf32>
    %add3A_24 = arith.addf %dot_general3A_19, %add3A_23 : vector<1600x128xf32>
    %get3A_25 = arith.constant 0 : index
    %get3A_26 = arith.constant 0 : index
    %get3A_27 = vector.load %arg3[%get3A_25, %get3A_26] : memref<1600x128xf32, #tpu.memory_space<vmem>>, vector<1600x128xf32>
    %max3A_28 = arith.constant 0.000000e+00 : f32
    %max3A_29 = vector.broadcast %max3A_28 : f32 to vector<1600x128xf32>
    %max3A_30 = arith.maximumf %add3A_24, %max3A_29 : vector<1600x128xf32>
    %add3A_31 = arith.addf %get3A_27, %max3A_30 : vector<1600x128xf32>
    %swap3A = arith.constant 0 : index
    %swap3A_32 = arith.constant 0 : index
    %swap3A_33 = vector.load %arg7[%swap3A, %swap3A_32] : memref<1600x128xf32, #tpu.memory_space<vmem>>, vector<1600x128xf32>
    tpu.vector_store %arg7[%swap3A, %swap3A_32], %add3A_31 {strides = array<i32>} : memref<1600x128xf32, #tpu.memory_space<vmem>>, vector<1600x128xf32>,
    return
  }
  func.func @transform_0(%arg0: i32) -> (i32, i32) {
    %c0_i32 = arith.constant 0 : i32
    %c0_i32_0 = arith.constant 0 : i32
    return %arg0, %c0_i32 : i32, i32
  }
  func.func @transform_1(%arg0: i32) -> (i32, i32) {
    %c0_i32 = arith.constant 0 : i32
    %c0_i32_0 = arith.constant 0 : i32
    return %arg0, %c0_i32 : i32, i32
  }
  func.func @transform_2(%arg0: i32) -> (i32, i32) {
    %c0_i32 = arith.constant 0 : i32
    %c0_i32_0 = arith.constant 0 : i32
    return %arg0, %c0_i32 : i32, i32
  }
  func.func @transform_3(%arg0: i32) -> (i32, i32) {
    %c0_i32 = arith.constant 0 : i32
    %c0_i32_0 = arith.constant 0 : i32
    %c0_i32_1 = arith.constant 0 : i32
    return %c0_i32, %c0_i32_0 : i32, i32
  }
  func.func @transform_4(%arg0: i32) -> (i32, i32) {
    %c0_i32 = arith.constant 0 : i32
    %c0_i32_0 = arith.constant 0 : i32
    %c0_i32_1 = arith.constant 0 : i32
    return %c0_i32, %c0_i32_0 : i32, i32
  }
  func.func @transform_5(%arg0: i32) -> (i32, i32) {
    %c0_i32 = arith.constant 0 : i32
    %c0_i32_0 = arith.constant 0 : i32
    %c0_i32_1 = arith.constant 0 : i32
    return %c0_i32, %c0_i32_0 : i32, i32
  }
  func.func @transform_6(%arg0: i32) -> (i32, i32) {
    %c0_i32 = arith.constant 0 : i32
    %c0_i32_0 = arith.constant 0 : i32
    return %arg0, %c0_i32 : i32, i32
  }
}

module attributes {stable_mosaic.version = 14 : i64} {
  func.func @_node_body(%arg0: i32, %arg1: memref<2000x128xf32, #tpu.memory_space<vmem>>, %arg2: memref<2000x128xf32, #tpu.memory_space<vmem>>, %arg3: memref<2000x128xf32, #tpu.memory_space<vmem>>, %arg4: memref<1x1x2000xi32, #tpu.memory_space<vmem>>, %arg5: memref<128x128xf32, #tpu.memory_space<vmem>>, %arg6: memref<2000x3xf32, #tpu.memory_space<vmem>>, %arg7: memref<128x128xf32, #tpu.memory_space<vmem>>, %arg8: memref<128x128xf32, #tpu.memory_space<vmem>>, %arg9: memref<128x128xf32, #tpu.memory_space<vmem>>, %arg10: memref<128x128xf32, #tpu.memory_space<vmem>>, %arg11: memref<1x128xf32, #tpu.memory_space<vmem>>, %arg12: memref<128x128xf32, #tpu.memory_space<vmem>>, %arg13: memref<1x128xf32, #tpu.memory_space<vmem>>, %arg14: memref<128x128xf32, #tpu.memory_space<vmem>>, %arg15: memref<1x128xf32, #tpu.memory_space<vmem>>, %arg16: memref<128x3xf32, #tpu.memory_space<vmem>>, %arg17: memref<1x3xf32, #tpu.memory_space<vmem>>, %arg18: memref<2000x128xf32, #tpu.memory_space<vmem>>, %arg19: memref<2000x3xf32, #tpu.memory_space<vmem>>, %arg20: memref<128x128xf32, #tpu.memory_space<vmem>>, %arg21: memref<128x128xf32, #tpu.memory_space<vmem>>) attributes {dimension_semantics = [#tpu.dimension_semantics<arbitrary>], iteration_bounds = array<i64: 5>, scalar_prefetch = 0 : i64, scratch_operands = 0 : i64, tpu.core_type = #tpu.core_type<tc>, window_params = [{transform_indices = @transform_0, window_bounds = array<i64: 2000, 128>}, {transform_indices = @transform_1, window_bounds = array<i64: 2000, 128>}, {transform_indices = @transform_2, window_bounds = array<i64: 2000, 128>}, {transform_indices = @transform_3, window_bounds = array<i64: 1, 1, 2000>}, {pipeline_mode = #tpu.pipeline_mode<synchronous>, transform_indices = @transform_4, window_bounds = array<i64: 128, 128>}, {transform_indices = @transform_5, window_bounds = array<i64: 2000, 3>}, {pipeline_mode = #tpu.pipeline_mode<synchronous>, transform_indices = @transform_6, window_bounds = array<i64: 128, 128>}, {pipeline_mode = #tpu.pipeline_mode<synchronous>, transform_indices = @transform_7, window_bounds = array<i64: 128, 128>}, {pipeline_mode = #tpu.pipeline_mode<synchronous>, transform_indices = @transform_8, window_bounds = array<i64: 128, 128>}, {pipeline_mode = #tpu.pipeline_mode<synchronous>, transform_indices = @transform_9, window_bounds = array<i64: 128, 128>}, {pipeline_mode = #tpu.pipeline_mode<synchronous>, transform_indices = @transform_10, window_bounds = array<i64: 1, 128>}, {pipeline_mode = #tpu.pipeline_mode<synchronous>, transform_indices = @transform_11, window_bounds = array<i64: 128, 128>}, {pipeline_mode = #tpu.pipeline_mode<synchronous>, transform_indices = @transform_12, window_bounds = array<i64: 1, 128>}, {pipeline_mode = #tpu.pipeline_mode<synchronous>, transform_indices = @transform_13, window_bounds = array<i64: 128, 128>}, {pipeline_mode = #tpu.pipeline_mode<synchronous>, transform_indices = @transform_14, window_bounds = array<i64: 1, 128>}, {pipeline_mode = #tpu.pipeline_mode<synchronous>, transform_indices = @transform_15, window_bounds = array<i64: 128, 3>}, {pipeline_mode = #tpu.pipeline_mode<synchronous>, transform_indices = @transform_16, window_bounds = array<i64: 1, 3>}, {transform_indices = @transform_17, window_bounds = array<i64: 2000, 128>}, {transform_indices = @transform_18, window_bounds = array<i64: 2000, 3>}, {pipeline_mode = #tpu.pipeline_mode<synchronous>, transform_indices = @transform_19, window_bounds = array<i64: 128, 128>}, {pipeline_mode = #tpu.pipeline_mode<synchronous>, transform_indices = @transform_20, window_bounds = array<i64: 128, 128>}]} {
    %get3A = arith.constant 0 : index
    %get3A_0 = arith.constant 0 : index
    %get3A_1 = arith.constant 0 : index
    %get3A_2 = vector.load %arg4[%get3A, %get3A_0, %get3A_1] : memref<1x1x2000xi32, #tpu.memory_space<vmem>>, vector<1x1x2000xi32>
    %reshape3A = vector.shape_cast %get3A_2 : vector<1x1x2000xi32> to vector<2000x1xi32>
    %iota3A = tpu.iota {dimensions = array<i32: 1>} : vector<2000x128xi32>
    %eq3A = vector.broadcast %reshape3A : vector<2000x1xi32> to vector<2000x128xi32>
    %eq3A_3 = arith.cmpi eq, %eq3A, %iota3A : vector<2000x128xi32>
    %convert_element_type3A = arith.extui %eq3A_3 : vector<2000x128xi1> to vector<2000x128xi32>
    %convert_element_type3A_4 = arith.sitofp %convert_element_type3A : vector<2000x128xi32> to vector<2000x128xf32>
    %get3A_5 = arith.constant 0 : index
    %get3A_6 = arith.constant 0 : index
    %get3A_7 = vector.load %arg5[%get3A_5, %get3A_6] : memref<128x128xf32, #tpu.memory_space<vmem>>, vector<128x128xf32>
    %get3A_8 = arith.constant 0 : index
    %get3A_9 = arith.constant 0 : index
    %get3A_10 = vector.load %arg10[%get3A_8, %get3A_9] : memref<128x128xf32, #tpu.memory_space<vmem>>, vector<128x128xf32>
    %dot_general3A = arith.constant dense<0.000000e+00> : vector<128x128xf32>
    %dot_general3A_11 = tpu.matmul %get3A_7, %get3A_10, %dot_general3A {dimension_numbers = #tpu.dot_dimension_numbers<[1], [0], [0], [1], [0, 0, 1, 1], [], []>, transpose_lhs_hint = false} : vector<128x128xf32>, vector<128x128xf32>, vector<128x128xf32> -> vector<128x128xf32>
    %get3A_12 = arith.constant 0 : index
    %get3A_13 = arith.constant 0 : index
    %get3A_14 = vector.load %arg1[%get3A_12, %get3A_13] : memref<2000x128xf32, #tpu.memory_space<vmem>>, vector<2000x128xf32>
    %get3A_15 = arith.constant 0 : index
    %get3A_16 = arith.constant 0 : index
    %get3A_17 = vector.load %arg7[%get3A_15, %get3A_16] : memref<128x128xf32, #tpu.memory_space<vmem>>, vector<128x128xf32>
    %dot_general3A_18 = arith.constant dense<0.000000e+00> : vector<2000x128xf32>
    %dot_general3A_19 = tpu.matmul %get3A_14, %get3A_17, %dot_general3A_18 {dimension_numbers = #tpu.dot_dimension_numbers<[1], [0], [0], [1], [0, 0, 1, 1], [], []>, transpose_lhs_hint = false} : vector<2000x128xf32>, vector<128x128xf32>, vector<2000x128xf32> -> vector<2000x128xf32>
    %get3A_20 = arith.constant 0 : index
    %get3A_21 = arith.constant 0 : index
    %get3A_22 = vector.load %arg2[%get3A_20, %get3A_21] : memref<2000x128xf32, #tpu.memory_space<vmem>>, vector<2000x128xf32>
    %get3A_23 = arith.constant 0 : index
    %get3A_24 = arith.constant 0 : index
    %get3A_25 = vector.load %arg8[%get3A_23, %get3A_24] : memref<128x128xf32, #tpu.memory_space<vmem>>, vector<128x128xf32>
    %dot_general3A_26 = arith.constant dense<0.000000e+00> : vector<2000x128xf32>
    %dot_general3A_27 = tpu.matmul %get3A_22, %get3A_25, %dot_general3A_26 {dimension_numbers = #tpu.dot_dimension_numbers<[1], [0], [0], [1], [0, 0, 1, 1], [], []>, transpose_lhs_hint = false} : vector<2000x128xf32>, vector<128x128xf32>, vector<2000x128xf32> -> vector<2000x128xf32>
    %add3A = arith.addf %dot_general3A_19, %dot_general3A_27 : vector<2000x128xf32>
    %get3A_28 = arith.constant 0 : index
    %get3A_29 = arith.constant 0 : index
    %get3A_30 = vector.load %arg3[%get3A_28, %get3A_29] : memref<2000x128xf32, #tpu.memory_space<vmem>>, vector<2000x128xf32>
    %get3A_31 = arith.constant 0 : index
    %get3A_32 = arith.constant 0 : index
    %get3A_33 = vector.load %arg9[%get3A_31, %get3A_32] : memref<128x128xf32, #tpu.memory_space<vmem>>, vector<128x128xf32>
    %dot_general3A_34 = arith.constant dense<0.000000e+00> : vector<2000x128xf32>
    %dot_general3A_35 = tpu.matmul %get3A_30, %get3A_33, %dot_general3A_34 {dimension_numbers = #tpu.dot_dimension_numbers<[1], [0], [0], [1], [0, 0, 1, 1], [], []>, transpose_lhs_hint = false} : vector<2000x128xf32>, vector<128x128xf32>, vector<2000x128xf32> -> vector<2000x128xf32>
    %add3A_36 = arith.addf %add3A, %dot_general3A_35 : vector<2000x128xf32>
    %dot_general3A_37 = arith.constant dense<0.000000e+00> : vector<2000x128xf32>
    %dot_general3A_38 = tpu.matmul %convert_element_type3A_4, %dot_general3A_11, %dot_general3A_37 {dimension_numbers = #tpu.dot_dimension_numbers<[1], [0], [0], [1], [0, 0, 1, 1], [], []>, transpose_lhs_hint = false} : vector<2000x128xf32>, vector<128x128xf32>, vector<2000x128xf32> -> vector<2000x128xf32>
    %add3A_39 = arith.addf %add3A_36, %dot_general3A_38 : vector<2000x128xf32>
    %get3A_40 = arith.constant 0 : index
    %get3A_41 = arith.constant 0 : index
    %get3A_42 = vector.load %arg11[%get3A_40, %get3A_41] : memref<1x128xf32, #tpu.memory_space<vmem>>, vector<1x128xf32>
    %add3A_43 = vector.broadcast %get3A_42 : vector<1x128xf32> to vector<2000x128xf32>
    %add3A_44 = arith.addf %add3A_39, %add3A_43 : vector<2000x128xf32>
    %max3A = arith.constant 0.000000e+00 : f32
    %max3A_45 = vector.broadcast %max3A : f32 to vector<2000x128xf32>
    %max3A_46 = arith.maximumf %add3A_44, %max3A_45 : vector<2000x128xf32>
    %get3A_47 = arith.constant 0 : index
    %get3A_48 = arith.constant 0 : index
    %get3A_49 = vector.load %arg12[%get3A_47, %get3A_48] : memref<128x128xf32, #tpu.memory_space<vmem>>, vector<128x128xf32>
    %dot_general3A_50 = arith.constant dense<0.000000e+00> : vector<2000x128xf32>
    %dot_general3A_51 = tpu.matmul %max3A_46, %get3A_49, %dot_general3A_50 {dimension_numbers = #tpu.dot_dimension_numbers<[1], [0], [0], [1], [0, 0, 1, 1], [], []>, transpose_lhs_hint = false} : vector<2000x128xf32>, vector<128x128xf32>, vector<2000x128xf32> -> vector<2000x128xf32>
    %get3A_52 = arith.constant 0 : index
    %get3A_53 = arith.constant 0 : index
    %get3A_54 = vector.load %arg13[%get3A_52, %get3A_53] : memref<1x128xf32, #tpu.memory_space<vmem>>, vector<1x128xf32>
    %add3A_55 = vector.broadcast %get3A_54 : vector<1x128xf32> to vector<2000x128xf32>
    %add3A_56 = arith.addf %dot_general3A_51, %add3A_55 : vector<2000x128xf32>
    %get3A_57 = arith.constant 0 : index
    %get3A_58 = arith.constant 0 : index
    %get3A_59 = vector.load %arg1[%get3A_57, %get3A_58] : memref<2000x128xf32, #tpu.memory_space<vmem>>, vector<2000x128xf32>
    %max3A_60 = arith.constant 0.000000e+00 : f32
    %max3A_61 = vector.broadcast %max3A_60 : f32 to vector<2000x128xf32>
    %max3A_62 = arith.maximumf %add3A_56, %max3A_61 : vector<2000x128xf32>
    %add3A_63 = arith.addf %get3A_59, %max3A_62 : vector<2000x128xf32>
    %swap3A = arith.constant 0 : index
    %swap3A_64 = arith.constant 0 : index
    %swap3A_65 = vector.load %arg18[%swap3A, %swap3A_64] : memref<2000x128xf32, #tpu.memory_space<vmem>>, vector<2000x128xf32>
    tpu.vector_store %arg18[%swap3A, %swap3A_64], %add3A_63 {strides = array<i32>} : memref<2000x128xf32, #tpu.memory_space<vmem>>, vector<2000x128xf32>,
    %get3A_66 = arith.constant 0 : index
    %get3A_67 = arith.constant 0 : index
    %get3A_68 = vector.load %arg14[%get3A_66, %get3A_67] : memref<128x128xf32, #tpu.memory_space<vmem>>, vector<128x128xf32>
    %dot_general3A_69 = arith.constant dense<0.000000e+00> : vector<2000x128xf32>
    %dot_general3A_70 = tpu.matmul %add3A_63, %get3A_68, %dot_general3A_69 {dimension_numbers = #tpu.dot_dimension_numbers<[1], [0], [0], [1], [0, 0, 1, 1], [], []>, transpose_lhs_hint = false} : vector<2000x128xf32>, vector<128x128xf32>, vector<2000x128xf32> -> vector<2000x128xf32>
    %get3A_71 = arith.constant 0 : index
    %get3A_72 = arith.constant 0 : index
    %get3A_73 = vector.load %arg15[%get3A_71, %get3A_72] : memref<1x128xf32, #tpu.memory_space<vmem>>, vector<1x128xf32>
    %add3A_74 = vector.broadcast %get3A_73 : vector<1x128xf32> to vector<2000x128xf32>
    %add3A_75 = arith.addf %dot_general3A_70, %add3A_74 : vector<2000x128xf32>
    %max3A_76 = arith.constant 0.000000e+00 : f32
    %max3A_77 = vector.broadcast %max3A_76 : f32 to vector<2000x128xf32>
    %max3A_78 = arith.maximumf %add3A_75, %max3A_77 : vector<2000x128xf32>
    %get3A_79 = arith.constant 0 : index
    %get3A_80 = arith.constant 0 : index
    %get3A_81 = vector.load %arg6[%get3A_79, %get3A_80] : memref<2000x3xf32, #tpu.memory_space<vmem>>, vector<2000x3xf32>
    %get3A_82 = arith.constant 0 : index
    %get3A_83 = arith.constant 0 : index
    %get3A_84 = vector.load %arg16[%get3A_82, %get3A_83] : memref<128x3xf32, #tpu.memory_space<vmem>>, vector<128x3xf32>
    %dot_general3A_85 = arith.constant dense<0.000000e+00> : vector<2000x3xf32>
    %dot_general3A_86 = tpu.matmul %max3A_78, %get3A_84, %dot_general3A_85 {dimension_numbers = #tpu.dot_dimension_numbers<[1], [0], [0], [1], [0, 0, 1, 1], [], []>, transpose_lhs_hint = false} : vector<2000x128xf32>, vector<128x3xf32>, vector<2000x3xf32> -> vector<2000x3xf32>
    %add3A_87 = arith.addf %get3A_81, %dot_general3A_86 : vector<2000x3xf32>
    %get3A_88 = arith.constant 0 : index
    %get3A_89 = arith.constant 0 : index
    %get3A_90 = vector.load %arg17[%get3A_88, %get3A_89] : memref<1x3xf32, #tpu.memory_space<vmem>>, vector<1x3xf32>
    %add3A_91 = vector.broadcast %get3A_90 : vector<1x3xf32> to vector<2000x3xf32>
    %add3A_92 = arith.addf %add3A_87, %add3A_91 : vector<2000x3xf32>
    %swap3A_93 = arith.constant 0 : index
    %swap3A_94 = arith.constant 0 : index
    %swap3A_95 = vector.load %arg19[%swap3A_93, %swap3A_94] : memref<2000x3xf32, #tpu.memory_space<vmem>>, vector<2000x3xf32>
    tpu.vector_store %arg19[%swap3A_93, %swap3A_94], %add3A_92 {strides = array<i32>} : memref<2000x3xf32, #tpu.memory_space<vmem>>, vector<2000x3xf32>,
    %eq3A_96 = arith.constant 0 : i32
    %eq3A_97 = arith.cmpi eq, %arg0, %eq3A_96 : i32
    %convert_element_type3A_98 = arith.extui %eq3A_97 : i1 to i32
    %cond3A = arith.constant 0 : i32
    %cond3A_99 = arith.cmpi ne, %convert_element_type3A_98, %cond3A : i32
    scf.if %cond3A_99 {
      %broadcast_in_dim3A = arith.constant 0.000000e+00 : f32
      %broadcast_in_dim3A_121 = vector.broadcast %broadcast_in_dim3A : f32 to vector<128x128xf32>
      %swap3A_122 = arith.constant 0 : index
      %swap3A_123 = arith.constant 0 : index
      %swap3A_124 = vector.load %arg20[%swap3A_122, %swap3A_123] : memref<128x128xf32, #tpu.memory_space<vmem>>, vector<128x128xf32>
      tpu.vector_store %arg20[%swap3A_122, %swap3A_123], %broadcast_in_dim3A_121 {strides = array<i32>} : memref<128x128xf32, #tpu.memory_space<vmem>>, vector<128x128xf32>,
      %broadcast_in_dim3A_125 = arith.constant 0.000000e+00 : f32
      %broadcast_in_dim3A_126 = vector.broadcast %broadcast_in_dim3A_125 : f32 to vector<128x128xf32>
      %swap3A_127 = arith.constant 0 : index
      %swap3A_128 = arith.constant 0 : index
      %swap3A_129 = vector.load %arg21[%swap3A_127, %swap3A_128] : memref<128x128xf32, #tpu.memory_space<vmem>>, vector<128x128xf32>
      tpu.vector_store %arg21[%swap3A_127, %swap3A_128], %broadcast_in_dim3A_126 {strides = array<i32>} : memref<128x128xf32, #tpu.memory_space<vmem>>, vector<128x128xf32>,
    } else {
    }
    %dot_general3A_100 = arith.constant dense<0.000000e+00> : vector<128x128xf32>
    %dot_general3A_101 = tpu.matmul %convert_element_type3A_4, %add3A_63, %dot_general3A_100 {dimension_numbers = #tpu.dot_dimension_numbers<[0], [0], [1], [1], [0, 1, 1, 1], [], []>, transpose_lhs_hint = false} : vector<2000x128xf32>, vector<2000x128xf32>, vector<128x128xf32> -> vector<128x128xf32>
    %get3A_102 = arith.constant 0 : index
    %get3A_103 = arith.constant 0 : index
    %get3A_104 = vector.load %arg3[%get3A_102, %get3A_103] : memref<2000x128xf32, #tpu.memory_space<vmem>>, vector<2000x128xf32>
    %dot_general3A_105 = arith.constant dense<0.000000e+00> : vector<128x128xf32>
    %dot_general3A_106 = tpu.matmul %convert_element_type3A_4, %get3A_104, %dot_general3A_105 {dimension_numbers = #tpu.dot_dimension_numbers<[0], [0], [1], [1], [0, 1, 1, 1], [], []>, transpose_lhs_hint = false} : vector<2000x128xf32>, vector<2000x128xf32>, vector<128x128xf32> -> vector<128x128xf32>
    %get3A_107 = arith.constant 0 : index
    %get3A_108 = arith.constant 0 : index
    %get3A_109 = vector.load %arg20[%get3A_107, %get3A_108] : memref<128x128xf32, #tpu.memory_space<vmem>>, vector<128x128xf32>
    %add3A_110 = arith.addf %get3A_109, %dot_general3A_101 : vector<128x128xf32>
    %swap3A_111 = arith.constant 0 : index
    %swap3A_112 = arith.constant 0 : index
    %swap3A_113 = vector.load %arg20[%swap3A_111, %swap3A_112] : memref<128x128xf32, #tpu.memory_space<vmem>>, vector<128x128xf32>
    tpu.vector_store %arg20[%swap3A_111, %swap3A_112], %add3A_110 {strides = array<i32>} : memref<128x128xf32, #tpu.memory_space<vmem>>, vector<128x128xf32>,
    %get3A_114 = arith.constant 0 : index
    %get3A_115 = arith.constant 0 : index
    %get3A_116 = vector.load %arg21[%get3A_114, %get3A_115] : memref<128x128xf32, #tpu.memory_space<vmem>>, vector<128x128xf32>
    %add3A_117 = arith.addf %get3A_116, %dot_general3A_106 : vector<128x128xf32>
    %swap3A_118 = arith.constant 0 : index
    %swap3A_119 = arith.constant 0 : index
    %swap3A_120 = vector.load %arg21[%swap3A_118, %swap3A_119] : memref<128x128xf32, #tpu.memory_space<vmem>>, vector<128x128xf32>
    tpu.vector_store %arg21[%swap3A_118, %swap3A_119], %add3A_117 {strides = array<i32>} : memref<128x128xf32, #tpu.memory_space<vmem>>, vector<128x128xf32>,
    return
  }
  func.func @transform_0(%arg0: i32) -> (i32, i32) {
    %c0_i32 = arith.constant 0 : i32
    %c0_i32_0 = arith.constant 0 : i32
    return %arg0, %c0_i32 : i32, i32
  }
  func.func @transform_1(%arg0: i32) -> (i32, i32) {
    %c0_i32 = arith.constant 0 : i32
    %c0_i32_0 = arith.constant 0 : i32
    return %arg0, %c0_i32 : i32, i32
  }
  func.func @transform_2(%arg0: i32) -> (i32, i32) {
    %c0_i32 = arith.constant 0 : i32
    %c0_i32_0 = arith.constant 0 : i32
    return %arg0, %c0_i32 : i32, i32
  }
  func.func @transform_3(%arg0: i32) -> (i32, i32, i32) {
    %c0_i32 = arith.constant 0 : i32
    %c0_i32_0 = arith.constant 0 : i32
    %c0_i32_1 = arith.constant 0 : i32
    return %arg0, %c0_i32, %c0_i32_0 : i32, i32, i32
  }
  func.func @transform_4(%arg0: i32) -> (i32, i32) {
    %c0_i32 = arith.constant 0 : i32
    %c0_i32_0 = arith.constant 0 : i32
    %c0_i32_1 = arith.constant 0 : i32
    return %c0_i32, %c0_i32_0 : i32, i32
  }
  func.func @transform_5(%arg0: i32) -> (i32, i32) {
    %c0_i32 = arith.constant 0 : i32
    %c0_i32_0 = arith.constant 0 : i32
    return %arg0, %c0_i32 : i32, i32
  }
  func.func @transform_6(%arg0: i32) -> (i32, i32) {
    %c0_i32 = arith.constant 0 : i32
    %c0_i32_0 = arith.constant 0 : i32
    %c0_i32_1 = arith.constant 0 : i32
    return %c0_i32, %c0_i32_0 : i32, i32
  }
  func.func @transform_7(%arg0: i32) -> (i32, i32) {
    %c0_i32 = arith.constant 0 : i32
    %c0_i32_0 = arith.constant 0 : i32
    %c0_i32_1 = arith.constant 0 : i32
    return %c0_i32, %c0_i32_0 : i32, i32
  }
  func.func @transform_8(%arg0: i32) -> (i32, i32) {
    %c0_i32 = arith.constant 0 : i32
    %c0_i32_0 = arith.constant 0 : i32
    %c0_i32_1 = arith.constant 0 : i32
    return %c0_i32, %c0_i32_0 : i32, i32
  }
  func.func @transform_9(%arg0: i32) -> (i32, i32) {
    %c0_i32 = arith.constant 0 : i32
    %c0_i32_0 = arith.constant 0 : i32
    %c0_i32_1 = arith.constant 0 : i32
    return %c0_i32, %c0_i32_0 : i32, i32
  }
  func.func @transform_10(%arg0: i32) -> (i32, i32) {
    %c0_i32 = arith.constant 0 : i32
    %c0_i32_0 = arith.constant 0 : i32
    %c0_i32_1 = arith.constant 0 : i32
    return %c0_i32, %c0_i32_0 : i32, i32
  }
  func.func @transform_11(%arg0: i32) -> (i32, i32) {
    %c0_i32 = arith.constant 0 : i32
    %c0_i32_0 = arith.constant 0 : i32
    %c0_i32_1 = arith.constant 0 : i32
    return %c0_i32, %c0_i32_0 : i32, i32
  }
  func.func @transform_12(%arg0: i32) -> (i32, i32) {
    %c0_i32 = arith.constant 0 : i32
    %c0_i32_0 = arith.constant 0 : i32
    %c0_i32_1 = arith.constant 0 : i32
    return %c0_i32, %c0_i32_0 : i32, i32
  }
  func.func @transform_13(%arg0: i32) -> (i32, i32) {
    %c0_i32 = arith.constant 0 : i32
    %c0_i32_0 = arith.constant 0 : i32
    %c0_i32_1 = arith.constant 0 : i32
    return %c0_i32, %c0_i32_0 : i32, i32
  }
  func.func @transform_14(%arg0: i32) -> (i32, i32) {
    %c0_i32 = arith.constant 0 : i32
    %c0_i32_0 = arith.constant 0 : i32
    %c0_i32_1 = arith.constant 0 : i32
    return %c0_i32, %c0_i32_0 : i32, i32
  }
  func.func @transform_15(%arg0: i32) -> (i32, i32) {
    %c0_i32 = arith.constant 0 : i32
    %c0_i32_0 = arith.constant 0 : i32
    %c0_i32_1 = arith.constant 0 : i32
    return %c0_i32, %c0_i32_0 : i32, i32
  }
  func.func @transform_16(%arg0: i32) -> (i32, i32) {
    %c0_i32 = arith.constant 0 : i32
    %c0_i32_0 = arith.constant 0 : i32
    %c0_i32_1 = arith.constant 0 : i32
    return %c0_i32, %c0_i32_0 : i32, i32
  }
  func.func @transform_17(%arg0: i32) -> (i32, i32) {
    %c0_i32 = arith.constant 0 : i32
    %c0_i32_0 = arith.constant 0 : i32
    return %arg0, %c0_i32 : i32, i32
  }
  func.func @transform_18(%arg0: i32) -> (i32, i32) {
    %c0_i32 = arith.constant 0 : i32
    %c0_i32_0 = arith.constant 0 : i32
    return %arg0, %c0_i32 : i32, i32
  }
  func.func @transform_19(%arg0: i32) -> (i32, i32) {
    %c0_i32 = arith.constant 0 : i32
    %c0_i32_0 = arith.constant 0 : i32
    %c0_i32_1 = arith.constant 0 : i32
    return %c0_i32, %c0_i32_0 : i32, i32
  }
  func.func @transform_20(%arg0: i32) -> (i32, i32) {
    %c0_i32 = arith.constant 0 : i32
    %c0_i32_0 = arith.constant 0 : i32
    %c0_i32_1 = arith.constant 0 : i32
    return %c0_i32, %c0_i32_0 : i32, i32
  }
}

module attributes {stable_mosaic.version = 14 : i64} {
  func.func @_glob_body(%arg0: memref<128x128xf32, #tpu.memory_space<vmem>>, %arg1: memref<128x128xf32, #tpu.memory_space<vmem>>, %arg2: memref<128x128xf32, #tpu.memory_space<vmem>>, %arg3: memref<128x128xf32, #tpu.memory_space<vmem>>, %arg4: memref<128x128xf32, #tpu.memory_space<vmem>>, %arg5: memref<128x128xf32, #tpu.memory_space<vmem>>, %arg6: memref<1x128xf32, #tpu.memory_space<vmem>>, %arg7: memref<128x128xf32, #tpu.memory_space<vmem>>, %arg8: memref<1x128xf32, #tpu.memory_space<vmem>>, %arg9: memref<128x128xf32, #tpu.memory_space<vmem>>) attributes {dimension_semantics = [], scalar_prefetch = 0 : i64, scratch_operands = 0 : i64, tpu.core_type = #tpu.core_type<tc>} {
    %get3A = arith.constant 0 : index
    %get3A_0 = arith.constant 0 : index
    %get3A_1 = vector.load %arg0[%get3A, %get3A_0] : memref<128x128xf32, #tpu.memory_space<vmem>>, vector<128x128xf32>
    %get3A_2 = arith.constant 0 : index
    %get3A_3 = arith.constant 0 : index
    %get3A_4 = vector.load %arg3[%get3A_2, %get3A_3] : memref<128x128xf32, #tpu.memory_space<vmem>>, vector<128x128xf32>
    %dot_general3A = arith.constant dense<0.000000e+00> : vector<128x128xf32>
    %dot_general3A_5 = tpu.matmul %get3A_1, %get3A_4, %dot_general3A {dimension_numbers = #tpu.dot_dimension_numbers<[1], [0], [0], [1], [0, 0, 1, 1], [], []>, transpose_lhs_hint = false} : vector<128x128xf32>, vector<128x128xf32>, vector<128x128xf32> -> vector<128x128xf32>
    %get3A_6 = arith.constant 0 : index
    %get3A_7 = arith.constant 0 : index
    %get3A_8 = vector.load %arg1[%get3A_6, %get3A_7] : memref<128x128xf32, #tpu.memory_space<vmem>>, vector<128x128xf32>
    %get3A_9 = arith.constant 0 : index
    %get3A_10 = arith.constant 0 : index
    %get3A_11 = vector.load %arg4[%get3A_9, %get3A_10] : memref<128x128xf32, #tpu.memory_space<vmem>>, vector<128x128xf32>
    %dot_general3A_12 = arith.constant dense<0.000000e+00> : vector<128x128xf32>
    %dot_general3A_13 = tpu.matmul %get3A_8, %get3A_11, %dot_general3A_12 {dimension_numbers = #tpu.dot_dimension_numbers<[1], [0], [0], [1], [0, 0, 1, 1], [], []>, transpose_lhs_hint = false} : vector<128x128xf32>, vector<128x128xf32>, vector<128x128xf32> -> vector<128x128xf32>
    %add3A = arith.addf %dot_general3A_5, %dot_general3A_13 : vector<128x128xf32>
    %get3A_14 = arith.constant 0 : index
    %get3A_15 = arith.constant 0 : index
    %get3A_16 = vector.load %arg2[%get3A_14, %get3A_15] : memref<128x128xf32, #tpu.memory_space<vmem>>, vector<128x128xf32>
    %get3A_17 = arith.constant 0 : index
    %get3A_18 = arith.constant 0 : index
    %get3A_19 = vector.load %arg5[%get3A_17, %get3A_18] : memref<128x128xf32, #tpu.memory_space<vmem>>, vector<128x128xf32>
    %dot_general3A_20 = arith.constant dense<0.000000e+00> : vector<128x128xf32>
    %dot_general3A_21 = tpu.matmul %get3A_16, %get3A_19, %dot_general3A_20 {dimension_numbers = #tpu.dot_dimension_numbers<[1], [0], [0], [1], [0, 0, 1, 1], [], []>, transpose_lhs_hint = false} : vector<128x128xf32>, vector<128x128xf32>, vector<128x128xf32> -> vector<128x128xf32>
    %add3A_22 = arith.addf %add3A, %dot_general3A_21 : vector<128x128xf32>
    %get3A_23 = arith.constant 0 : index
    %get3A_24 = arith.constant 0 : index
    %get3A_25 = vector.load %arg6[%get3A_23, %get3A_24] : memref<1x128xf32, #tpu.memory_space<vmem>>, vector<1x128xf32>
    %add3A_26 = vector.broadcast %get3A_25 : vector<1x128xf32> to vector<128x128xf32>
    %add3A_27 = arith.addf %add3A_22, %add3A_26 : vector<128x128xf32>
    %max3A = arith.constant 0.000000e+00 : f32
    %max3A_28 = vector.broadcast %max3A : f32 to vector<128x128xf32>
    %max3A_29 = arith.maximumf %add3A_27, %max3A_28 : vector<128x128xf32>
    %get3A_30 = arith.constant 0 : index
    %get3A_31 = arith.constant 0 : index
    %get3A_32 = vector.load %arg7[%get3A_30, %get3A_31] : memref<128x128xf32, #tpu.memory_space<vmem>>, vector<128x128xf32>
    %dot_general3A_33 = arith.constant dense<0.000000e+00> : vector<128x128xf32>
    %dot_general3A_34 = tpu.matmul %max3A_29, %get3A_32, %dot_general3A_33 {dimension_numbers = #tpu.dot_dimension_numbers<[1], [0], [0], [1], [0, 0, 1, 1], [], []>, transpose_lhs_hint = false} : vector<128x128xf32>, vector<128x128xf32>, vector<128x128xf32> -> vector<128x128xf32>
    %get3A_35 = arith.constant 0 : index
    %get3A_36 = arith.constant 0 : index
    %get3A_37 = vector.load %arg8[%get3A_35, %get3A_36] : memref<1x128xf32, #tpu.memory_space<vmem>>, vector<1x128xf32>
    %add3A_38 = vector.broadcast %get3A_37 : vector<1x128xf32> to vector<128x128xf32>
    %add3A_39 = arith.addf %dot_general3A_34, %add3A_38 : vector<128x128xf32>
    %get3A_40 = arith.constant 0 : index
    %get3A_41 = arith.constant 0 : index
    %get3A_42 = vector.load %arg0[%get3A_40, %get3A_41] : memref<128x128xf32, #tpu.memory_space<vmem>>, vector<128x128xf32>
    %max3A_43 = arith.constant 0.000000e+00 : f32
    %max3A_44 = vector.broadcast %max3A_43 : f32 to vector<128x128xf32>
    %max3A_45 = arith.maximumf %add3A_39, %max3A_44 : vector<128x128xf32>
    %add3A_46 = arith.addf %get3A_42, %max3A_45 : vector<128x128xf32>
    %swap3A = arith.constant 0 : index
    %swap3A_47 = arith.constant 0 : index
    %swap3A_48 = vector.load %arg9[%swap3A, %swap3A_47] : memref<128x128xf32, #tpu.memory_space<vmem>>, vector<128x128xf32>
    tpu.vector_store %arg9[%swap3A, %swap3A_47], %add3A_46 {strides = array<i32>} : memref<128x128xf32, #tpu.memory_space<vmem>>, vector<128x128xf32>,
    return
  }
}

module attributes {stable_mosaic.version = 14 : i64} {
  func.func @_node_body(%arg0: i32, %arg1: memref<2000x128xf32, #tpu.memory_space<vmem>>, %arg2: memref<2000x128xf32, #tpu.memory_space<vmem>>, %arg3: memref<2000x128xf32, #tpu.memory_space<vmem>>, %arg4: memref<1x1x2000xi32, #tpu.memory_space<vmem>>, %arg5: memref<128x128xf32, #tpu.memory_space<vmem>>, %arg6: memref<2000x3xf32, #tpu.memory_space<vmem>>, %arg7: memref<128x128xf32, #tpu.memory_space<vmem>>, %arg8: memref<128x128xf32, #tpu.memory_space<vmem>>, %arg9: memref<128x128xf32, #tpu.memory_space<vmem>>, %arg10: memref<128x128xf32, #tpu.memory_space<vmem>>, %arg11: memref<1x128xf32, #tpu.memory_space<vmem>>, %arg12: memref<128x128xf32, #tpu.memory_space<vmem>>, %arg13: memref<1x128xf32, #tpu.memory_space<vmem>>, %arg14: memref<128x128xf32, #tpu.memory_space<vmem>>, %arg15: memref<1x128xf32, #tpu.memory_space<vmem>>, %arg16: memref<128x3xf32, #tpu.memory_space<vmem>>, %arg17: memref<1x3xf32, #tpu.memory_space<vmem>>, %arg18: memref<2000x128xf32, #tpu.memory_space<vmem>>, %arg19: memref<2000x3xf32, #tpu.memory_space<vmem>>, %arg20: memref<128x128xf32, #tpu.memory_space<vmem>>, %arg21: memref<128x128xf32, #tpu.memory_space<vmem>>) attributes {dimension_semantics = [#tpu.dimension_semantics<arbitrary>], iteration_bounds = array<i64: 5>, scalar_prefetch = 0 : i64, scratch_operands = 0 : i64, tpu.core_type = #tpu.core_type<tc>, window_params = [{transform_indices = @transform_0, window_bounds = array<i64: 2000, 128>}, {transform_indices = @transform_1, window_bounds = array<i64: 2000, 128>}, {transform_indices = @transform_2, window_bounds = array<i64: 2000, 128>}, {transform_indices = @transform_3, window_bounds = array<i64: 1, 1, 2000>}, {pipeline_mode = #tpu.pipeline_mode<synchronous>, transform_indices = @transform_4, window_bounds = array<i64: 128, 128>}, {transform_indices = @transform_5, window_bounds = array<i64: 2000, 3>}, {pipeline_mode = #tpu.pipeline_mode<synchronous>, transform_indices = @transform_6, window_bounds = array<i64: 128, 128>}, {pipeline_mode = #tpu.pipeline_mode<synchronous>, transform_indices = @transform_7, window_bounds = array<i64: 128, 128>}, {pipeline_mode = #tpu.pipeline_mode<synchronous>, transform_indices = @transform_8, window_bounds = array<i64: 128, 128>}, {pipeline_mode = #tpu.pipeline_mode<synchronous>, transform_indices = @transform_9, window_bounds = array<i64: 128, 128>}, {pipeline_mode = #tpu.pipeline_mode<synchronous>, transform_indices = @transform_10, window_bounds = array<i64: 1, 128>}, {pipeline_mode = #tpu.pipeline_mode<synchronous>, transform_indices = @transform_11, window_bounds = array<i64: 128, 128>}, {pipeline_mode = #tpu.pipeline_mode<synchronous>, transform_indices = @transform_12, window_bounds = array<i64: 1, 128>}, {pipeline_mode = #tpu.pipeline_mode<synchronous>, transform_indices = @transform_13, window_bounds = array<i64: 128, 128>}, {pipeline_mode = #tpu.pipeline_mode<synchronous>, transform_indices = @transform_14, window_bounds = array<i64: 1, 128>}, {pipeline_mode = #tpu.pipeline_mode<synchronous>, transform_indices = @transform_15, window_bounds = array<i64: 128, 3>}, {pipeline_mode = #tpu.pipeline_mode<synchronous>, transform_indices = @transform_16, window_bounds = array<i64: 1, 3>}, {transform_indices = @transform_17, window_bounds = array<i64: 2000, 128>}, {transform_indices = @transform_18, window_bounds = array<i64: 2000, 3>}, {pipeline_mode = #tpu.pipeline_mode<synchronous>, transform_indices = @transform_19, window_bounds = array<i64: 128, 128>}, {pipeline_mode = #tpu.pipeline_mode<synchronous>, transform_indices = @transform_20, window_bounds = array<i64: 128, 128>}]} {
    %get3A = arith.constant 0 : index
    %get3A_0 = arith.constant 0 : index
    %get3A_1 = arith.constant 0 : index
    %get3A_2 = vector.load %arg4[%get3A, %get3A_0, %get3A_1] : memref<1x1x2000xi32, #tpu.memory_space<vmem>>, vector<1x1x2000xi32>
    %reshape3A = vector.shape_cast %get3A_2 : vector<1x1x2000xi32> to vector<2000x1xi32>
    %iota3A = tpu.iota {dimensions = array<i32: 1>} : vector<2000x128xi32>
    %eq3A = vector.broadcast %reshape3A : vector<2000x1xi32> to vector<2000x128xi32>
    %eq3A_3 = arith.cmpi eq, %eq3A, %iota3A : vector<2000x128xi32>
    %convert_element_type3A = arith.extui %eq3A_3 : vector<2000x128xi1> to vector<2000x128xi32>
    %convert_element_type3A_4 = arith.sitofp %convert_element_type3A : vector<2000x128xi32> to vector<2000x128xf32>
    %get3A_5 = arith.constant 0 : index
    %get3A_6 = arith.constant 0 : index
    %get3A_7 = vector.load %arg5[%get3A_5, %get3A_6] : memref<128x128xf32, #tpu.memory_space<vmem>>, vector<128x128xf32>
    %get3A_8 = arith.constant 0 : index
    %get3A_9 = arith.constant 0 : index
    %get3A_10 = vector.load %arg10[%get3A_8, %get3A_9] : memref<128x128xf32, #tpu.memory_space<vmem>>, vector<128x128xf32>
    %dot_general3A = arith.constant dense<0.000000e+00> : vector<128x128xf32>
    %dot_general3A_11 = tpu.matmul %get3A_7, %get3A_10, %dot_general3A {dimension_numbers = #tpu.dot_dimension_numbers<[1], [0], [0], [1], [0, 0, 1, 1], [], []>, transpose_lhs_hint = false} : vector<128x128xf32>, vector<128x128xf32>, vector<128x128xf32> -> vector<128x128xf32>
    %get3A_12 = arith.constant 0 : index
    %get3A_13 = arith.constant 0 : index
    %get3A_14 = vector.load %arg1[%get3A_12, %get3A_13] : memref<2000x128xf32, #tpu.memory_space<vmem>>, vector<2000x128xf32>
    %get3A_15 = arith.constant 0 : index
    %get3A_16 = arith.constant 0 : index
    %get3A_17 = vector.load %arg7[%get3A_15, %get3A_16] : memref<128x128xf32, #tpu.memory_space<vmem>>, vector<128x128xf32>
    %dot_general3A_18 = arith.constant dense<0.000000e+00> : vector<2000x128xf32>
    %dot_general3A_19 = tpu.matmul %get3A_14, %get3A_17, %dot_general3A_18 {dimension_numbers = #tpu.dot_dimension_numbers<[1], [0], [0], [1], [0, 0, 1, 1], [], []>, transpose_lhs_hint = false} : vector<2000x128xf32>, vector<128x128xf32>, vector<2000x128xf32> -> vector<2000x128xf32>
    %get3A_20 = arith.constant 0 : index
    %get3A_21 = arith.constant 0 : index
    %get3A_22 = vector.load %arg2[%get3A_20, %get3A_21] : memref<2000x128xf32, #tpu.memory_space<vmem>>, vector<2000x128xf32>
    %get3A_23 = arith.constant 0 : index
    %get3A_24 = arith.constant 0 : index
    %get3A_25 = vector.load %arg8[%get3A_23, %get3A_24] : memref<128x128xf32, #tpu.memory_space<vmem>>, vector<128x128xf32>
    %dot_general3A_26 = arith.constant dense<0.000000e+00> : vector<2000x128xf32>
    %dot_general3A_27 = tpu.matmul %get3A_22, %get3A_25, %dot_general3A_26 {dimension_numbers = #tpu.dot_dimension_numbers<[1], [0], [0], [1], [0, 0, 1, 1], [], []>, transpose_lhs_hint = false} : vector<2000x128xf32>, vector<128x128xf32>, vector<2000x128xf32> -> vector<2000x128xf32>
    %add3A = arith.addf %dot_general3A_19, %dot_general3A_27 : vector<2000x128xf32>
    %get3A_28 = arith.constant 0 : index
    %get3A_29 = arith.constant 0 : index
    %get3A_30 = vector.load %arg3[%get3A_28, %get3A_29] : memref<2000x128xf32, #tpu.memory_space<vmem>>, vector<2000x128xf32>
    %get3A_31 = arith.constant 0 : index
    %get3A_32 = arith.constant 0 : index
    %get3A_33 = vector.load %arg9[%get3A_31, %get3A_32] : memref<128x128xf32, #tpu.memory_space<vmem>>, vector<128x128xf32>
    %dot_general3A_34 = arith.constant dense<0.000000e+00> : vector<2000x128xf32>
    %dot_general3A_35 = tpu.matmul %get3A_30, %get3A_33, %dot_general3A_34 {dimension_numbers = #tpu.dot_dimension_numbers<[1], [0], [0], [1], [0, 0, 1, 1], [], []>, transpose_lhs_hint = false} : vector<2000x128xf32>, vector<128x128xf32>, vector<2000x128xf32> -> vector<2000x128xf32>
    %add3A_36 = arith.addf %add3A, %dot_general3A_35 : vector<2000x128xf32>
    %dot_general3A_37 = arith.constant dense<0.000000e+00> : vector<2000x128xf32>
    %dot_general3A_38 = tpu.matmul %convert_element_type3A_4, %dot_general3A_11, %dot_general3A_37 {dimension_numbers = #tpu.dot_dimension_numbers<[1], [0], [0], [1], [0, 0, 1, 1], [], []>, transpose_lhs_hint = false} : vector<2000x128xf32>, vector<128x128xf32>, vector<2000x128xf32> -> vector<2000x128xf32>
    %add3A_39 = arith.addf %add3A_36, %dot_general3A_38 : vector<2000x128xf32>
    %get3A_40 = arith.constant 0 : index
    %get3A_41 = arith.constant 0 : index
    %get3A_42 = vector.load %arg11[%get3A_40, %get3A_41] : memref<1x128xf32, #tpu.memory_space<vmem>>, vector<1x128xf32>
    %add3A_43 = vector.broadcast %get3A_42 : vector<1x128xf32> to vector<2000x128xf32>
    %add3A_44 = arith.addf %add3A_39, %add3A_43 : vector<2000x128xf32>
    %max3A = arith.constant 0.000000e+00 : f32
    %max3A_45 = vector.broadcast %max3A : f32 to vector<2000x128xf32>
    %max3A_46 = arith.maximumf %add3A_44, %max3A_45 : vector<2000x128xf32>
    %get3A_47 = arith.constant 0 : index
    %get3A_48 = arith.constant 0 : index
    %get3A_49 = vector.load %arg12[%get3A_47, %get3A_48] : memref<128x128xf32, #tpu.memory_space<vmem>>, vector<128x128xf32>
    %dot_general3A_50 = arith.constant dense<0.000000e+00> : vector<2000x128xf32>
    %dot_general3A_51 = tpu.matmul %max3A_46, %get3A_49, %dot_general3A_50 {dimension_numbers = #tpu.dot_dimension_numbers<[1], [0], [0], [1], [0, 0, 1, 1], [], []>, transpose_lhs_hint = false} : vector<2000x128xf32>, vector<128x128xf32>, vector<2000x128xf32> -> vector<2000x128xf32>
    %get3A_52 = arith.constant 0 : index
    %get3A_53 = arith.constant 0 : index
    %get3A_54 = vector.load %arg13[%get3A_52, %get3A_53] : memref<1x128xf32, #tpu.memory_space<vmem>>, vector<1x128xf32>
    %add3A_55 = vector.broadcast %get3A_54 : vector<1x128xf32> to vector<2000x128xf32>
    %add3A_56 = arith.addf %dot_general3A_51, %add3A_55 : vector<2000x128xf32>
    %get3A_57 = arith.constant 0 : index
    %get3A_58 = arith.constant 0 : index
    %get3A_59 = vector.load %arg1[%get3A_57, %get3A_58] : memref<2000x128xf32, #tpu.memory_space<vmem>>, vector<2000x128xf32>
    %max3A_60 = arith.constant 0.000000e+00 : f32
    %max3A_61 = vector.broadcast %max3A_60 : f32 to vector<2000x128xf32>
    %max3A_62 = arith.maximumf %add3A_56, %max3A_61 : vector<2000x128xf32>
    %add3A_63 = arith.addf %get3A_59, %max3A_62 : vector<2000x128xf32>
    %swap3A = arith.constant 0 : index
    %swap3A_64 = arith.constant 0 : index
    %swap3A_65 = vector.load %arg18[%swap3A, %swap3A_64] : memref<2000x128xf32, #tpu.memory_space<vmem>>, vector<2000x128xf32>
    tpu.vector_store %arg18[%swap3A, %swap3A_64], %add3A_63 {strides = array<i32>} : memref<2000x128xf32, #tpu.memory_space<vmem>>, vector<2000x128xf32>,
    %get3A_66 = arith.constant 0 : index
    %get3A_67 = arith.constant 0 : index
    %get3A_68 = vector.load %arg14[%get3A_66, %get3A_67] : memref<128x128xf32, #tpu.memory_space<vmem>>, vector<128x128xf32>
    %dot_general3A_69 = arith.constant dense<0.000000e+00> : vector<2000x128xf32>
    %dot_general3A_70 = tpu.matmul %add3A_63, %get3A_68, %dot_general3A_69 {dimension_numbers = #tpu.dot_dimension_numbers<[1], [0], [0], [1], [0, 0, 1, 1], [], []>, transpose_lhs_hint = false} : vector<2000x128xf32>, vector<128x128xf32>, vector<2000x128xf32> -> vector<2000x128xf32>
    %get3A_71 = arith.constant 0 : index
    %get3A_72 = arith.constant 0 : index
    %get3A_73 = vector.load %arg15[%get3A_71, %get3A_72] : memref<1x128xf32, #tpu.memory_space<vmem>>, vector<1x128xf32>
    %add3A_74 = vector.broadcast %get3A_73 : vector<1x128xf32> to vector<2000x128xf32>
    %add3A_75 = arith.addf %dot_general3A_70, %add3A_74 : vector<2000x128xf32>
    %max3A_76 = arith.constant 0.000000e+00 : f32
    %max3A_77 = vector.broadcast %max3A_76 : f32 to vector<2000x128xf32>
    %max3A_78 = arith.maximumf %add3A_75, %max3A_77 : vector<2000x128xf32>
    %get3A_79 = arith.constant 0 : index
    %get3A_80 = arith.constant 0 : index
    %get3A_81 = vector.load %arg6[%get3A_79, %get3A_80] : memref<2000x3xf32, #tpu.memory_space<vmem>>, vector<2000x3xf32>
    %get3A_82 = arith.constant 0 : index
    %get3A_83 = arith.constant 0 : index
    %get3A_84 = vector.load %arg16[%get3A_82, %get3A_83] : memref<128x3xf32, #tpu.memory_space<vmem>>, vector<128x3xf32>
    %dot_general3A_85 = arith.constant dense<0.000000e+00> : vector<2000x3xf32>
    %dot_general3A_86 = tpu.matmul %max3A_78, %get3A_84, %dot_general3A_85 {dimension_numbers = #tpu.dot_dimension_numbers<[1], [0], [0], [1], [0, 0, 1, 1], [], []>, transpose_lhs_hint = false} : vector<2000x128xf32>, vector<128x3xf32>, vector<2000x3xf32> -> vector<2000x3xf32>
    %add3A_87 = arith.addf %get3A_81, %dot_general3A_86 : vector<2000x3xf32>
    %get3A_88 = arith.constant 0 : index
    %get3A_89 = arith.constant 0 : index
    %get3A_90 = vector.load %arg17[%get3A_88, %get3A_89] : memref<1x3xf32, #tpu.memory_space<vmem>>, vector<1x3xf32>
    %add3A_91 = vector.broadcast %get3A_90 : vector<1x3xf32> to vector<2000x3xf32>
    %add3A_92 = arith.addf %add3A_87, %add3A_91 : vector<2000x3xf32>
    %swap3A_93 = arith.constant 0 : index
    %swap3A_94 = arith.constant 0 : index
    %swap3A_95 = vector.load %arg19[%swap3A_93, %swap3A_94] : memref<2000x3xf32, #tpu.memory_space<vmem>>, vector<2000x3xf32>
    tpu.vector_store %arg19[%swap3A_93, %swap3A_94], %add3A_92 {strides = array<i32>} : memref<2000x3xf32, #tpu.memory_space<vmem>>, vector<2000x3xf32>,
    %eq3A_96 = arith.constant 0 : i32
    %eq3A_97 = arith.cmpi eq, %arg0, %eq3A_96 : i32
    %convert_element_type3A_98 = arith.extui %eq3A_97 : i1 to i32
    %cond3A = arith.constant 0 : i32
    %cond3A_99 = arith.cmpi ne, %convert_element_type3A_98, %cond3A : i32
    scf.if %cond3A_99 {
      %broadcast_in_dim3A = arith.constant 0.000000e+00 : f32
      %broadcast_in_dim3A_121 = vector.broadcast %broadcast_in_dim3A : f32 to vector<128x128xf32>
      %swap3A_122 = arith.constant 0 : index
      %swap3A_123 = arith.constant 0 : index
      %swap3A_124 = vector.load %arg20[%swap3A_122, %swap3A_123] : memref<128x128xf32, #tpu.memory_space<vmem>>, vector<128x128xf32>
      tpu.vector_store %arg20[%swap3A_122, %swap3A_123], %broadcast_in_dim3A_121 {strides = array<i32>} : memref<128x128xf32, #tpu.memory_space<vmem>>, vector<128x128xf32>,
      %broadcast_in_dim3A_125 = arith.constant 0.000000e+00 : f32
      %broadcast_in_dim3A_126 = vector.broadcast %broadcast_in_dim3A_125 : f32 to vector<128x128xf32>
      %swap3A_127 = arith.constant 0 : index
      %swap3A_128 = arith.constant 0 : index
      %swap3A_129 = vector.load %arg21[%swap3A_127, %swap3A_128] : memref<128x128xf32, #tpu.memory_space<vmem>>, vector<128x128xf32>
      tpu.vector_store %arg21[%swap3A_127, %swap3A_128], %broadcast_in_dim3A_126 {strides = array<i32>} : memref<128x128xf32, #tpu.memory_space<vmem>>, vector<128x128xf32>,
    } else {
    }
    %dot_general3A_100 = arith.constant dense<0.000000e+00> : vector<128x128xf32>
    %dot_general3A_101 = tpu.matmul %convert_element_type3A_4, %add3A_63, %dot_general3A_100 {dimension_numbers = #tpu.dot_dimension_numbers<[0], [0], [1], [1], [0, 1, 1, 1], [], []>, transpose_lhs_hint = false} : vector<2000x128xf32>, vector<2000x128xf32>, vector<128x128xf32> -> vector<128x128xf32>
    %get3A_102 = arith.constant 0 : index
    %get3A_103 = arith.constant 0 : index
    %get3A_104 = vector.load %arg3[%get3A_102, %get3A_103] : memref<2000x128xf32, #tpu.memory_space<vmem>>, vector<2000x128xf32>
    %dot_general3A_105 = arith.constant dense<0.000000e+00> : vector<128x128xf32>
    %dot_general3A_106 = tpu.matmul %convert_element_type3A_4, %get3A_104, %dot_general3A_105 {dimension_numbers = #tpu.dot_dimension_numbers<[0], [0], [1], [1], [0, 1, 1, 1], [], []>, transpose_lhs_hint = false} : vector<2000x128xf32>, vector<2000x128xf32>, vector<128x128xf32> -> vector<128x128xf32>
    %get3A_107 = arith.constant 0 : index
    %get3A_108 = arith.constant 0 : index
    %get3A_109 = vector.load %arg20[%get3A_107, %get3A_108] : memref<128x128xf32, #tpu.memory_space<vmem>>, vector<128x128xf32>
    %add3A_110 = arith.addf %get3A_109, %dot_general3A_101 : vector<128x128xf32>
    %swap3A_111 = arith.constant 0 : index
    %swap3A_112 = arith.constant 0 : index
    %swap3A_113 = vector.load %arg20[%swap3A_111, %swap3A_112] : memref<128x128xf32, #tpu.memory_space<vmem>>, vector<128x128xf32>
    tpu.vector_store %arg20[%swap3A_111, %swap3A_112], %add3A_110 {strides = array<i32>} : memref<128x128xf32, #tpu.memory_space<vmem>>, vector<128x128xf32>,
    %get3A_114 = arith.constant 0 : index
    %get3A_115 = arith.constant 0 : index
    %get3A_116 = vector.load %arg21[%get3A_114, %get3A_115] : memref<128x128xf32, #tpu.memory_space<vmem>>, vector<128x128xf32>
    %add3A_117 = arith.addf %get3A_116, %dot_general3A_106 : vector<128x128xf32>
    %swap3A_118 = arith.constant 0 : index
    %swap3A_119 = arith.constant 0 : index
    %swap3A_120 = vector.load %arg21[%swap3A_118, %swap3A_119] : memref<128x128xf32, #tpu.memory_space<vmem>>, vector<128x128xf32>
    tpu.vector_store %arg21[%swap3A_118, %swap3A_119], %add3A_117 {strides = array<i32>} : memref<128x128xf32, #tpu.memory_space<vmem>>, vector<128x128xf32>,
    return
  }
  func.func @transform_0(%arg0: i32) -> (i32, i32) {
    %c0_i32 = arith.constant 0 : i32
    %c0_i32_0 = arith.constant 0 : i32
    return %arg0, %c0_i32 : i32, i32
  }
  func.func @transform_1(%arg0: i32) -> (i32, i32) {
    %c0_i32 = arith.constant 0 : i32
    %c0_i32_0 = arith.constant 0 : i32
    return %arg0, %c0_i32 : i32, i32
  }
  func.func @transform_2(%arg0: i32) -> (i32, i32) {
    %c0_i32 = arith.constant 0 : i32
    %c0_i32_0 = arith.constant 0 : i32
    return %arg0, %c0_i32 : i32, i32
  }
  func.func @transform_3(%arg0: i32) -> (i32, i32, i32) {
    %c0_i32 = arith.constant 0 : i32
    %c0_i32_0 = arith.constant 0 : i32
    %c0_i32_1 = arith.constant 0 : i32
    return %arg0, %c0_i32, %c0_i32_0 : i32, i32, i32
  }
  func.func @transform_4(%arg0: i32) -> (i32, i32) {
    %c0_i32 = arith.constant 0 : i32
    %c0_i32_0 = arith.constant 0 : i32
    %c0_i32_1 = arith.constant 0 : i32
    return %c0_i32, %c0_i32_0 : i32, i32
  }
  func.func @transform_5(%arg0: i32) -> (i32, i32) {
    %c0_i32 = arith.constant 0 : i32
    %c0_i32_0 = arith.constant 0 : i32
    return %arg0, %c0_i32 : i32, i32
  }
  func.func @transform_6(%arg0: i32) -> (i32, i32) {
    %c0_i32 = arith.constant 0 : i32
    %c0_i32_0 = arith.constant 0 : i32
    %c0_i32_1 = arith.constant 0 : i32
    return %c0_i32, %c0_i32_0 : i32, i32
  }
  func.func @transform_7(%arg0: i32) -> (i32, i32) {
    %c0_i32 = arith.constant 0 : i32
    %c0_i32_0 = arith.constant 0 : i32
    %c0_i32_1 = arith.constant 0 : i32
    return %c0_i32, %c0_i32_0 : i32, i32
  }
  func.func @transform_8(%arg0: i32) -> (i32, i32) {
    %c0_i32 = arith.constant 0 : i32
    %c0_i32_0 = arith.constant 0 : i32
    %c0_i32_1 = arith.constant 0 : i32
    return %c0_i32, %c0_i32_0 : i32, i32
  }
  func.func @transform_9(%arg0: i32) -> (i32, i32) {
    %c0_i32 = arith.constant 0 : i32
    %c0_i32_0 = arith.constant 0 : i32
    %c0_i32_1 = arith.constant 0 : i32
    return %c0_i32, %c0_i32_0 : i32, i32
  }
  func.func @transform_10(%arg0: i32) -> (i32, i32) {
    %c0_i32 = arith.constant 0 : i32
    %c0_i32_0 = arith.constant 0 : i32
    %c0_i32_1 = arith.constant 0 : i32
    return %c0_i32, %c0_i32_0 : i32, i32
  }
  func.func @transform_11(%arg0: i32) -> (i32, i32) {
    %c0_i32 = arith.constant 0 : i32
    %c0_i32_0 = arith.constant 0 : i32
    %c0_i32_1 = arith.constant 0 : i32
    return %c0_i32, %c0_i32_0 : i32, i32
  }
  func.func @transform_12(%arg0: i32) -> (i32, i32) {
    %c0_i32 = arith.constant 0 : i32
    %c0_i32_0 = arith.constant 0 : i32
    %c0_i32_1 = arith.constant 0 : i32
    return %c0_i32, %c0_i32_0 : i32, i32
  }
  func.func @transform_13(%arg0: i32) -> (i32, i32) {
    %c0_i32 = arith.constant 0 : i32
    %c0_i32_0 = arith.constant 0 : i32
    %c0_i32_1 = arith.constant 0 : i32
    return %c0_i32, %c0_i32_0 : i32, i32
  }
  func.func @transform_14(%arg0: i32) -> (i32, i32) {
    %c0_i32 = arith.constant 0 : i32
    %c0_i32_0 = arith.constant 0 : i32
    %c0_i32_1 = arith.constant 0 : i32
    return %c0_i32, %c0_i32_0 : i32, i32
  }
  func.func @transform_15(%arg0: i32) -> (i32, i32) {
    %c0_i32 = arith.constant 0 : i32
    %c0_i32_0 = arith.constant 0 : i32
    %c0_i32_1 = arith.constant 0 : i32
    return %c0_i32, %c0_i32_0 : i32, i32
  }
  func.func @transform_16(%arg0: i32) -> (i32, i32) {
    %c0_i32 = arith.constant 0 : i32
    %c0_i32_0 = arith.constant 0 : i32
    %c0_i32_1 = arith.constant 0 : i32
    return %c0_i32, %c0_i32_0 : i32, i32
  }
  func.func @transform_17(%arg0: i32) -> (i32, i32) {
    %c0_i32 = arith.constant 0 : i32
    %c0_i32_0 = arith.constant 0 : i32
    return %arg0, %c0_i32 : i32, i32
  }
  func.func @transform_18(%arg0: i32) -> (i32, i32) {
    %c0_i32 = arith.constant 0 : i32
    %c0_i32_0 = arith.constant 0 : i32
    return %arg0, %c0_i32 : i32, i32
  }
  func.func @transform_19(%arg0: i32) -> (i32, i32) {
    %c0_i32 = arith.constant 0 : i32
    %c0_i32_0 = arith.constant 0 : i32
    %c0_i32_1 = arith.constant 0 : i32
    return %c0_i32, %c0_i32_0 : i32, i32
  }
  func.func @transform_20(%arg0: i32) -> (i32, i32) {
    %c0_i32 = arith.constant 0 : i32
    %c0_i32_0 = arith.constant 0 : i32
    %c0_i32_1 = arith.constant 0 : i32
    return %c0_i32, %c0_i32_0 : i32, i32
  }
}

</mosaic_0001>

<sc_bundles>
// kernel: kernel.15.cloned.1.call-start
scs
__scs_entry_jumppad:
0x0: {  	(pc) =	sbr.rel $0x88, $3  }
0x1: {  	(tag) =	ssettag $0x0;
	lr =	simm.s32 $0x1  }
0x2: {  	[smem:$0x3F84] =	sst lr;
	_ =	strace $0xD0000000  }
0x3: {  	_ = 	snop  }
0x4: {  	_ = 	snop  }
0x5: {  	_ = 	snop  }
0x6: {  	_ = 	snop  }
0x7: {  	_ = 	snop  }
__scs_overlays_trampoline_lowered:
0x8: {  	[smem:$0x3F93] =	sst s0  }
0x9: {  	[smem:$0x3F94] =	sst s1  }
0xa: {  	[smem:$0x3F95] =	sst s2  }
0xb: {  	[smem:$0x3F96] =	sst s3  }
0xc: {  	[smem:$0x3F97] =	sst s4  }
0xd: {  	[smem:$0x3F98] =	sst s5  }
0xe: {  	[smem:$0x3F99] =	sst s6  }
0xf: {  	[smem:$0x3F9A] =	sst s7  }
0x10: {  	[smem:$0x3F9B] =	sst s8  }
0x11: {  	[smem:$0x3F9C] =	sst s9;
	s0 =	simm.s32 @!p0 $0x0  }
0x12: {  	s1 =	sld [smem:$0x3F82];
	s0 =	simm.s32 @p0 $0x1  }
0x13: {  	[smem:$0x3F9D] =	sst s0;
	s0 =	simm.s32 @!p1 $0x0  }
0x14: {  	s2 =	sld [smem:$0x3F81];
	s0 =	simm.s32 @p1 $0x1  }
0x15: {  	[smem:$0x3F9E] =	sst s0;
	s0 =	simm.s32 @!p2 $0x0  }
0x16: {  	s3 =	sld [smem:$0x3FDB];
	s0 =	simm.s32 @p2 $0x1  }
0x17: {  	s4 =	simm.s32 $0x1BF5;
	[smem:$0x3FA0] =	sst s0  }
0x18: {  	s0 =	sld [smem:$0x3F83];
	_ =	swait.ge [sflag:s4], $0x0  }
0x19: {  	s7 =	sld [smem:$0x3F84]  }
0x1a: {  	s8 =	sadd.s32 $0xFFFFE003, lr  }
0x1b: {  	s9 =	sadd.s32 $0xFFFFFEF7, lr;
	s5 =	simm.s32 $0xFFFFFFFF;
	p2 =	slt.u32 s8, $0xFFFFF086  }
0x1c: {  	p1 =	slt.u32 s9, $0xF7A;
	s5 =	simm.s32 @!p2 $0x0  }
0x1d: {  	s5 =	simm.s32 @p1 $0x1;
	p0 =	seq.s32 s7, s2  }
0x1e: {  	s7 =	smul.u32 @!p0 $0xF7A, s2;
	p2 =	seq.s32 @!p0 s5, $0x0  }
0x1f: {  	s9 =	smul.u32 $0xF7A, s1;
	s8 =	simm.s32 @!p0 $0x1BF5;
	p2 =	por !p2, p0  }
0x20: {  	[sflag:s8] =	ssyncset.s32 @!p0 $0xFFFFF086;
	s6 =	sadd.s32 @!p0 s3, s7;
	s7 =	simm.s32 @!p0 $0x108  }
0x21: {  	s3 =	sadd.s32 s3, s9;
	s6 =	sadd.s32 @!p0 $0x88, s6;
	s7 =	simm.s32 @p2 $0x1082  }
0x22: {  	[simem:s7], [sflag:s8] =	dma.local @!p0 [hbm:s6], $0xF7A  }
0x23: {  	s9 =	sor.u32 $0xD0000000, s2;
	s6 =	simm.s32 $0x108;
	_ =	swait.ge @!p0 [sflag:s8], $0x0  }
0x24: {  	s3 =	sadd.s32 $0x88, s3;
	s6 =	simm.s32 @!p1 $0x1082;
	[sflag:s4] =	ssyncset.s32 $0xFFFFF086  }
0x25: {  	[simem:s6], [sflag:s4] =	dma.local [hbm:s3], $0xF7A  }
0x26: {  	[smem:$0x3F84] =	sst s1;
	(tag) =	ssettag s2;
	_ =	strace s9  }
0x27: {  	s1 =	sld [smem:$0x3F94]  }
0x28: {  	s2 =	sld [smem:$0x3F95]  }
0x29: {  	s4 =	sld [smem:$0x3F97]  }
0x2a: {  	p0 =	seq.s32 s5, $0x0;
	s5 =	sld [smem:$0x3F98]  }
0x2b: {  	s6 =	sld [smem:$0x3F99]  }
0x2c: {  	s7 =	sld [smem:$0x3F9A]  }
0x2d: {  	s3 =	simm.s32 $0x108;
	s8 =	sld [smem:$0x3F9B]  }
0x2e: {  	s3 =	simm.s32 @!p0 $0x1082;
	s9 =	sld [smem:$0x3F9C]  }
0x2f: {  	lr =	sadd.s32 s0, s3;
	s0 =	sld [smem:$0x3F93]  }
0x30: {  	s3 =	sld [smem:$0x3F96]  }
0x31: {  	[smem:$0x3F9F] =	sst s10  }
0x32: {  	s10 =	sld [smem:$0x3F9D];
	_ =	sdelay $0x3  }
0x33: {  	p0 =	seq.s32 s10, $0x1;
	s10 =	sld [smem:$0x3F9F];
	_ =	sdelay $0x3  }
0x34: {  	[smem:$0x3F9F] =	sst s10  }
0x35: {  	s10 =	sld [smem:$0x3F9E];
	_ =	sdelay $0x3  }
0x36: {  	p1 =	seq.s32 s10, $0x1;
	s10 =	sld [smem:$0x3F9F];
	_ =	sdelay $0x3  }
0x37: {  	[smem:$0x3F9F] =	sst s10  }
0x38: {  	s10 =	sld [smem:$0x3FA0]  }
0x39: {  	_ = 	snop;
	(pc) =	sbr.ind lr, $3  }
0x3a: {  	_ = 	snop  }
0x3b: {  	_ = 	snop  }
0x3c: {  	p2 =	seq.s32 s10, $0x1;
	s10 =	sld [smem:$0x3F9F]  }
0x3d: {  	_ =	shalt  }
0x3e: {  	_ =	shalt  }
0x3f: {  	_ =	shalt  }
0x40: {  	_ =	shalt  }
0x41: {  	_ =	shalt  }
0x42: {  	_ =	shalt  }
0x43: {  	_ =	shalt  }
0x44: {  	_ =	shalt  }
0x45: {  	_ =	shalt  }
0x46: {  	_ =	shalt  }
0x47: {  	_ =	shalt  }
0x48: {  	_ =	shalt  }
0x49: {  	_ =	shalt  }
0x4a: {  	_ =	shalt  }
0x4b: {  	_ =	shalt  }
0x4c: {  	_ =	shalt  }
0x4d: {  	_ =	shalt  }
0x4e: {  	_ =	shalt  }
0x4f: {  	_ =	shalt  }
0x50: {  	_ =	shalt  }
0x51: {  	_ =	shalt  }
0x52: {  	_ =	shalt  }
0x53: {  	_ =	shalt  }
0x54: {  	_ =	shalt  }
0x55: {  	_ =	shalt  }
0x56: {  	_ =	shalt  }
0x57: {  	_ =	shalt  }
0x58: {  	_ =	shalt  }
0x59: {  	_ =	shalt  }
0x5a: {  	_ =	shalt  }
0x5b: {  	_ =	shalt  }
0x5c: {  	_ =	shalt  }
0x5d: {  	_ =	shalt  }
0x5e: {  	_ =	shalt  }
0x5f: {  	_ =	shalt  }
0x60: {  	_ =	shalt  }
0x61: {  	_ =	shalt  }
0x62: {  	_ =	shalt  }
0x63: {  	_ =	shalt  }
0x64: {  	_ =	shalt  }
0x65: {  	_ =	shalt  }
0x66: {  	_ =	shalt  }
0x67: {  	_ =	shalt  }
0x68: {  	_ =	shalt  }
0x69: {  	_ =	shalt  }
0x6a: {  	_ =	shalt  }
0x6b: {  	_ =	shalt  }
0x6c: {  	_ =	shalt  }
0x6d: {  	_ =	shalt  }
0x6e: {  	_ =	shalt  }
0x6f: {  	_ =	shalt  }
0x70: {  	_ =	shalt  }
0x71: {  	_ =	shalt  }
0x72: {  	_ =	shalt  }
0x73: {  	_ =	shalt  }
0x74: {  	_ =	shalt  }
0x75: {  	_ =	shalt  }
0x76: {  	_ =	shalt  }
0x77: {  	_ =	shalt  }
0x78: {  	_ =	shalt  }
0x79: {  	_ =	shalt  }
0x7a: {  	_ =	shalt  }
0x7b: {  	_ =	shalt  }
0x7c: {  	_ =	shalt  }
0x7d: {  	_ =	shalt  }
0x7e: {  	_ =	shalt  }
0x7f: {  	_ =	shalt  }
0x80: {  	_ =	shalt  }
0x81: {  	_ =	shalt  }
0x82: {  	_ =	shalt  }
0x83: {  	_ =	shalt  }
0x84: {  	_ =	shalt  }
0x85: {  	_ =	shalt  }
0x86: {  	_ =	shalt  }
0x87: {  	_ =	shalt  }
.Lfunc_end0:
.L_simem_size_0:
called_computation_lowered:
.L_overlay_start_0:
0x88: {  	s2 =	sld [smem:$0x3FD9]  }
0x89: {  	s3 =	sld [smem:$0x3FFE];
	_ =	sdelay $0x1  }
0x8a: {  	s1 =	srdreg.scid  }
0x8b: {  	s0 =	sand.u32 $0x1, s1  }
0x8c: {  	s16 =	sshll.u32 s0, $0xA;
	s2 =	sadd.s32 s3, s2  }
0x8d: {  	s2 =	sadd.s32 s2, s16  }
0x8e: {  	[smem:$0x3FAB] =	sst s2  }
0x8f: {  	_ = 	snop  }
0x90: {  	(tm) =	ssettm $0x1  }
0x91: {  	s17 =	sld [smem:$0x3FFB];
	_ =	sdelay $0x3  }
0x92: {  	_ =	strace s17  }
0x93: {  	s2 =	sld [smem:$0x3FFC];
	_ =	sdelay $0x3  }
0x94: {  	_ =	strace s2  }
0x95: {  	s2 =	sld [smem:$0x3FFD];
	_ =	sdelay $0x3  }
0x96: {  	_ =	strace s2  }
0x97: {  	_ =	strace $0x8FFFFFFF  }
0x98: {  	s18 =	sld [smem:$0x3FDB];
	_ =	sdelay $0x1  }
0x99: {  	s19 =	simm.s32 $_scs_section_size  }
0x9a: {  	s4 =	simm.s32 $_size__tile_overlayer_lowered;
	s5 =	simm.s32 $_tile_overlayer_lowered  }
0x9b: {  	s22 =	simm.s32 $0x1BFF;
	s21 =	sshll.u32 s5, $0x1;
	s2 =	sadd.s32 s19, s18  }
0x9c: {  	s6 =	simm.s32 $0x0;
	s20 =	sshll.u32 s4, $0x1;
	s4 =	sadd.s32 s21, s2  }
0x9d: {  	[timem:s6], [sflag:s22] =	dma.local [hbm:s4], s20  }
0x9e: {  	_ =	swait.ge [sflag:s22], s20  }
0x9f: {  	s3 =	ssub.s32 $0x0, s20;
	[sflag:s22] =	ssyncset.done $0x0  }
0xa0: {  	[sflag:s22] =	ssyncadd.s32 s3;
	_ =	sdelay $0x1  }
0xa1: {  	s23 =	simm.s32 $0x1B8B  }
0xa2: {  	_ =	swait.ge [sflag:s23], $0x1  }
0xa3: {  	[sflag:s23] =	ssyncset.done $0x0  }
0xa4: {  	s25 =	simm.s32 $0x1B8E;
	s24 =	sld [smem:$0x3FFE];
	[sflag:s23] =	ssyncadd.s32 $0xFFFFFFFF  }
0xa5: {  	s26 =	simm.s32 $execute0_lowered;
	[smem:$0x3FD2] =	sst s25  }
0xa6: {  	s4 =	sshll.u32 s26, $0x1;
	_ =	strace $0x80000046;
	[dreg:$0x1] =	wrdreg $0xFFFFFFFF  }
0xa7: {  	s28 =	simm.s32 $_size_execute0_lowered;
	s2 =	sadd.s32 s2, s4;
	[dreg:$0x0] =	wrdreg $0x0  }
0xa8: {  	s4 =	sshll.u32 s28, $0x1;
	[dreg:$0x2] =	wrdreg s2  }
0xa9: {  	[dreg:$0x3] =	wrdreg s4  }
0xaa: {  	[dreg:$0x4] =	wrdreg $0xC0  }
0xab: {  	_ =	task [dreg:s6], $0x5FFFF  }
0xac: {  	[dreg:$0x1] =	wrdreg $0xFFFFFFFF  }
0xad: {  	[dreg:$0x0] =	wrdreg $0x60  }
0xae: {  	[dreg:$0x2] =	wrdreg s24  }
0xaf: {  	[dreg:$0x3] =	wrdreg $0x9  }
0xb0: {  	_ =	task.clear_ibuf [dreg:s6], $0x4FFFF;
	_ =	strace $0x90000046  }
0xb1: {  	s29 =	simm.s32 $0x9;
	_ =	strace $0x80000048  }
0xb2: {  	_ =	swait.ge [sflag:s29], $0x1  }
0xb3: {  	[sflag:s29] =	ssyncadd.s32 $0xFFFFFFFF  }
0xb4: {  	_ =	strace $0x90000048  }
0xb5: {  	_ =	sfence  }
0xb6: {  	s30 =	sld [smem:$0x0];
	_ =	sdelay $0x2  }
0xb7: {  	s31 =	sshll.u32 s1, $0xD;
	s1 =	sshrl.u32 s1, $0x2  }
0xb8: {  	s3 =	sand.u32 $0x4000, s31;
	s1 =	sadd.s32 s1, s30  }
0xb9: {  	s0 =	sor.u32 s3, s0;
	s1 =	sshll.u32 s1, $0x11  }
0xba: {  	s0 =	sor.u32 s1, s0  }
0xbb: {  	s0 =	sadd.s32 $0x8F2B, s0  }
0xbc: {  	[sflag:s0] =	ssyncadd.remote.s32 $0x1  }
0xbd: {  	_ =	sfence.sel $0xFFFF  }
0xbe: {  	[dreg:$0x0] =	wrdreg $0xFFFFFFFF;
	(pc) =	sbr.abs _section_cstart, $3  }
0xbf: {  	[dreg:$0x1] =	wrdreg $0xFFFFFFFF  }
0xc0: {  	_ =	task.clear_ibuf [dreg:s6], $0x2FFFF;
	_ =	strace $0x9FFFFFFF  }
0xc1: {  	(tm) =	ssettm $0x7FFFFFFF  }
tec
execute0_lowered:
.L_overlay_start_1:
0x0: {  	(tag) =	ssettag $0x1  }
0x1: {  	s5 =	rddreg [dreg:$0x0]  }
0x2: {  	s0 =	rddreg [dreg:$0x1];
	s2 =	simm.s32 $0x0;
	s3 =	srdreg.scid  }
0x3: {  	s1 =	stileid.u32;
	s12 =	simm.s32 $0x80;
	s13 =	simm.s32 $0x100  }
0x4: {  	s14 =	simm.s32 $0x4100;
	s15 =	simm.s32 $0x1;
	s16 =	simm.s32 $0x2  }
0x5: {  	s17 =	simm.s32 $0x0;
	[smem:$0x7FF] =	sst s2;
	s7 =	sand.u32 $0x1, s3  }
0x6: {  	s6 =	sshll.u32 s1, $0x8;
	s3 =	sadd.s32 $0x40400, s5;
	s4 =	sadd.s32 $0x67600, s5  }
0x7: {  	s26 =	sshll.u32 s1, $0xC;
	p0 =	seq.s32 s1, $0x0;
	_ =	strace $0x80000047  }
0x8: {  	s8 =	sshll.u32 s7, $0x7;
	s9 =	ssub.s32 $0x2, s7;
	s11 =	sadd.s32 s26, s5  }
0x9: {  	s30 =	sshll.u32 s7, $0xB;
	s6 =	sor.u32 s8, s6;
	s28 =	sshrl.u32 s9, $0x1  }
0xa: {  	s31 =	sadd.s32 s30, s11;
	s11 =	simm.s32 $0x3;
	s6 =	sshrl.u32 s6, $0x3  }
0xb: {  	s29 =	ssub.s32 s9, s28;
	s10 =	sadd.s32 s6, s5;
	s5 =	simm.s32 $0x28  }
0xc: {  	s9 =	sadd.s32 $0x8E800, s31;
	s6 =	smax.u32 s29, $0x1;
	s5 =	simm.s32 @!p0 $0x27  }
0xd: {  	s7 =	sadd.s32 $0xCA00, s10;
	s8 =	sadd.s32 $0x11A00, s10;
	s10 =	sadd.s32 $0x2FF800, s31  }
.LBB2_1:
0xe: {  	[tilespmem:s2], [sflag:$0x3] =	stream.linear.gather [hbm4b:s8+s2], $0x80, $0x38;
	[tilespmem:$0x8100] =	vst v63  }
0xf: {  	_ =	swait.ge [sflag:s11], $0x80  }
0x10: {  	[sflag:s11] =	ssyncset.done $0x0  }
0x11: {  	[sflag:s11] =	ssyncadd.s32 $0xFFFFFF80  }
0x12: {  	[tilespmem:s12], [sflag:$0x3] =	stream.linear.gather [hbm4b:s7+s2], $0x80, $0x38;
	[tilespmem:$0x8100] =	vst v63  }
0x13: {  	_ =	swait.ge [sflag:s11], $0x80  }
0x14: {  	[sflag:s11] =	ssyncset.done $0x0  }
0x15: {  	[sflag:s11] =	ssyncadd.s32 $0xFFFFFF80  }
0x16: {  	[tilespmem:s13], [sflag:$0x1] =	stream.indirect.gather [hbm4b:s3+s12], $0x80, s2, s12, $0xb8;
	[tilespmem:$0x8100] =	vst v63  }
0x17: {  	_ = 	snop  }
0x18: {  	[tilespmem:s14], [sflag:$0x2] =	stream.indirect.gather [hbm4b:s4+s12], $0x80, s12, s12, $0xb8;
	[tilespmem:$0x8100] =	vst v63  }
0x19: {  	_ =	swait.ge [sflag:s15], $0x4000  }
0x1a: {  	[sflag:s15] =	ssyncset.done $0x0  }
0x1b: {  	[sflag:s15] =	ssyncadd.s32 $0xFFFFC000  }
0x1c: {  	[hbm4b:s9+s2] =	stream.linear.scatter [tilespmem:s13], [sflag:$0x3], $0x4000, $0x38;
	[tilespmem:$0x8100] =	vst v63  }
0x1d: {  	_ =	swait.ge [sflag:s11], $0x4000  }
0x1e: {  	[sflag:s11] =	ssyncset.done $0x0  }
0x1f: {  	[sflag:s11] =	ssyncadd.s32 $0xFFFFC000  }
0x20: {  	p0 =	sne.s32 s5, $0x1;
	_ =	swait.ge [sflag:s16], $0x4000  }
.Ltmp0:
0x21: {  	[sflag:s16] =	ssyncset.done $0x0;
	(pc) =	sbr.rel @!p0 .LBB2_3-.Ltmp0, $4  }
0x22: {  	s18 =	sadd.s32 $0xFFFFFFFF, s5;
	[sflag:s16] =	ssyncadd.s32 $0xFFFFC000  }
0x23: {  	[hbm4b:s10+s2] =	stream.linear.scatter [tilespmem:s14], [sflag:$0x3], $0x4000, $0x38;
	[tilespmem:$0x8100] =	vst v63  }
0x24: {  	s19 =	sadd.s32 $0x10000, s9;
	s20 =	sadd.s32 $0x10000, s10;
	_ =	swait.ge [sflag:s11], $0x4000  }
0x25: {  	s21 =	smov.u32 s7;
	s22 =	smov.u32 s8;
	[sflag:s11] =	ssyncset.done $0x0  }
.LBB2_2:
0x26: {  	[sflag:s11] =	ssyncadd.s32 $0xFFFFC000;
	s21 =	sadd.s32 $0x200, s21;
	s22 =	sadd.s32 $0x200, s22  }
0x27: {  	[tilespmem:s2], [sflag:$0x3] =	stream.linear.gather [hbm4b:s22+s2], $0x80, $0x38;
	[tilespmem:$0x8100] =	vst v63  }
0x28: {  	p0 =	sne.s32 s18, $0x1;
	s18 =	sadd.s32 $0xFFFFFFFF, s18;
	_ =	swait.ge [sflag:s11], $0x80  }
0x29: {  	[sflag:s11] =	ssyncset.done $0x0  }
0x2a: {  	[sflag:s11] =	ssyncadd.s32 $0xFFFFFF80  }
0x2b: {  	[tilespmem:s12], [sflag:$0x3] =	stream.linear.gather [hbm4b:s21+s2], $0x80, $0x38;
	[tilespmem:$0x8100] =	vst v63  }
0x2c: {  	_ =	swait.ge [sflag:s11], $0x80  }
0x2d: {  	[sflag:s11] =	ssyncset.done $0x0  }
0x2e: {  	[sflag:s11] =	ssyncadd.s32 $0xFFFFFF80  }
0x2f: {  	[tilespmem:s13], [sflag:$0x1] =	stream.indirect.gather [hbm4b:s3+s12], $0x80, s2, s12, $0xb8;
	[tilespmem:$0x8100] =	vst v63  }
0x30: {  	_ = 	snop  }
0x31: {  	[tilespmem:s14], [sflag:$0x2] =	stream.indirect.gather [hbm4b:s4+s12], $0x80, s12, s12, $0xb8;
	[tilespmem:$0x8100] =	vst v63  }
0x32: {  	_ =	swait.ge [sflag:s15], $0x4000  }
0x33: {  	[sflag:s15] =	ssyncset.done $0x0  }
0x34: {  	[sflag:s15] =	ssyncadd.s32 $0xFFFFC000  }
0x35: {  	[hbm4b:s19+s2] =	stream.linear.scatter [tilespmem:s13], [sflag:$0x3], $0x4000, $0x38;
	[tilespmem:$0x8100] =	vst v63  }
0x36: {  	_ =	swait.ge [sflag:s11], $0x4000  }
0x37: {  	[sflag:s11] =	ssyncset.done $0x0  }
0x38: {  	[sflag:s11] =	ssyncadd.s32 $0xFFFFC000  }
0x39: {  	_ =	swait.ge [sflag:s16], $0x4000  }
.Ltmp1:
0x3a: {  	[sflag:s16] =	ssyncset.done $0x0;
	(pc) =	sbr.rel @p0 .LBB2_2-.Ltmp1, $4  }
0x3b: {  	[sflag:s16] =	ssyncadd.s32 $0xFFFFC000  }
0x3c: {  	[hbm4b:s20+s2] =	stream.linear.scatter [tilespmem:s14], [sflag:$0x3], $0x4000, $0x38;
	[tilespmem:$0x8100] =	vst v63  }
0x3d: {  	_ =	swait.ge [sflag:s11], $0x4000  }
0x3e: {  	s19 =	sadd.s32 $0x10000, s19;
	s20 =	sadd.s32 $0x10000, s20;
	[sflag:s11] =	ssyncset.done $0x0  }
.LBB2_3:
0x3f: {  	s17 =	sadd.s32 $0x1, s17  }
0x40: {  	p0 =	sne.s32 s17, s6  }
.Ltmp2:
0x41: {  	_ = 	snop;
	(pc) =	sbr.rel @p0 .LBB2_1-.Ltmp2, $2  }
0x42: {  	_ =	sdelay $0x2  }
0x43: {  	[sflag:s11] =	ssyncadd.s32 $0xFFFFC000  }
0x44: {  	_ =	sfence.sel $0x180000  }
0x45: {  	[bflag:$0x0] =	sbarrier.arrive $0xFFFF  }
0x46: {  	p0 =	sne.s32 s1, $0x0;
	_ =	strace $0x90000047  }
0x47: {  	s0 =	sadd.s32 @!p0 $0x100000, s0;
	[bflag:$0x2] =	sbarrier.arrive $0xFFFF  }
0x48: {  	[sflag:s0] =	ssyncadd.tile.s32 @!p0 $0x1;
	_ =	shalt  }
.Lfunc_end2:
_tile_overlayer_lowered:
.L_overlay_start_2:
0x49: {  	(tag) =	ssettag $0x2  }
0x4a: {  	s0 =	rddreg [dreg:$0x0];
	s2 =	stileid.u32  }
0x4b: {  	s1 =	rddreg [dreg:$0x1];
	p0 =	sne.s32 s2, $0x0  }
0x4c: {  	s3 =	rddreg [dreg:$0x2];
	[bflag:$0x3] =	sbarrier.arrive $0xFFFF;
	s2 =	simm.s32 @!p0 $0x1C03  }
0x4d: {  	[timem:s3], [sflag:s2] =	dma.local @!p0 [hbm:s0], s1  }
0x4e: {  	s0 =	simm.s32 @!p0 $0x3  }
0x4f: {  	_ =	swait.ge @!p0 [sflag:s0], s1  }
0x50: {  	s1 =	ssub.s32 @!p0 $0x0, s1;
	[sflag:s0] =	ssyncset.done @!p0 $0x0  }
0x51: {  	[sflag:s0] =	ssyncadd.s32 @!p0 s1  }
0x52: {  	[bflag:$0x3] =	sbarrier.arrive $0xFFFF  }
0x53: {  	_ =	shalt  }

// kernel: kernel.18.cloned.1.call-start
scs
__scs_entry_jumppad:
0x0: {  	(pc) =	sbr.rel $0x88, $3  }
0x1: {  	(tag) =	ssettag $0x0;
	lr =	simm.s32 $0x1  }
0x2: {  	[smem:$0x3F84] =	sst lr;
	_ =	strace $0xD0000000  }
0x3: {  	_ = 	snop  }
0x4: {  	_ = 	snop  }
0x5: {  	_ = 	snop  }
0x6: {  	_ = 	snop  }
0x7: {  	_ = 	snop  }
__scs_overlays_trampoline_lowered:
0x8: {  	[smem:$0x3F93] =	sst s0  }
0x9: {  	[smem:$0x3F94] =	sst s1  }
0xa: {  	[smem:$0x3F95] =	sst s2  }
0xb: {  	[smem:$0x3F96] =	sst s3  }
0xc: {  	[smem:$0x3F97] =	sst s4  }
0xd: {  	[smem:$0x3F98] =	sst s5  }
0xe: {  	[smem:$0x3F99] =	sst s6  }
0xf: {  	[smem:$0x3F9A] =	sst s7  }
0x10: {  	[smem:$0x3F9B] =	sst s8  }
0x11: {  	[smem:$0x3F9C] =	sst s9;
	s0 =	simm.s32 @!p0 $0x0  }
0x12: {  	s1 =	sld [smem:$0x3F82];
	s0 =	simm.s32 @p0 $0x1  }
0x13: {  	[smem:$0x3F9D] =	sst s0;
	s0 =	simm.s32 @!p1 $0x0  }
0x14: {  	s2 =	sld [smem:$0x3F81];
	s0 =	simm.s32 @p1 $0x1  }
0x15: {  	[smem:$0x3F9E] =	sst s0;
	s0 =	simm.s32 @!p2 $0x0  }
0x16: {  	s3 =	sld [smem:$0x3FDB];
	s0 =	simm.s32 @p2 $0x1  }
0x17: {  	s4 =	simm.s32 $0x1BF5;
	[smem:$0x3FA0] =	sst s0  }
0x18: {  	s0 =	sld [smem:$0x3F83];
	_ =	swait.ge [sflag:s4], $0x0  }
0x19: {  	s7 =	sld [smem:$0x3F84]  }
0x1a: {  	s8 =	sadd.s32 $0xFFFFE003, lr  }
0x1b: {  	s9 =	sadd.s32 $0xFFFFFEF7, lr;
	s5 =	simm.s32 $0xFFFFFFFF;
	p2 =	slt.u32 s8, $0xFFFFF086  }
0x1c: {  	p1 =	slt.u32 s9, $0xF7A;
	s5 =	simm.s32 @!p2 $0x0  }
0x1d: {  	s5 =	simm.s32 @p1 $0x1;
	p0 =	seq.s32 s7, s2  }
0x1e: {  	s7 =	smul.u32 @!p0 $0xF7A, s2;
	p2 =	seq.s32 @!p0 s5, $0x0  }
0x1f: {  	s9 =	smul.u32 $0xF7A, s1;
	s8 =	simm.s32 @!p0 $0x1BF5;
	p2 =	por !p2, p0  }
0x20: {  	[sflag:s8] =	ssyncset.s32 @!p0 $0xFFFFF086;
	s6 =	sadd.s32 @!p0 s3, s7;
	s7 =	simm.s32 @!p0 $0x108  }
0x21: {  	s3 =	sadd.s32 s3, s9;
	s6 =	sadd.s32 @!p0 $0x88, s6;
	s7 =	simm.s32 @p2 $0x1082  }
0x22: {  	[simem:s7], [sflag:s8] =	dma.local @!p0 [hbm:s6], $0xF7A  }
0x23: {  	s9 =	sor.u32 $0xD0000000, s2;
	s6 =	simm.s32 $0x108;
	_ =	swait.ge @!p0 [sflag:s8], $0x0  }
0x24: {  	s3 =	sadd.s32 $0x88, s3;
	s6 =	simm.s32 @!p1 $0x1082;
	[sflag:s4] =	ssyncset.s32 $0xFFFFF086  }
0x25: {  	[simem:s6], [sflag:s4] =	dma.local [hbm:s3], $0xF7A  }
0x26: {  	[smem:$0x3F84] =	sst s1;
	(tag) =	ssettag s2;
	_ =	strace s9  }
0x27: {  	s1 =	sld [smem:$0x3F94]  }
0x28: {  	s2 =	sld [smem:$0x3F95]  }
0x29: {  	s4 =	sld [smem:$0x3F97]  }
0x2a: {  	p0 =	seq.s32 s5, $0x0;
	s5 =	sld [smem:$0x3F98]  }
0x2b: {  	s6 =	sld [smem:$0x3F99]  }
0x2c: {  	s7 =	sld [smem:$0x3F9A]  }
0x2d: {  	s3 =	simm.s32 $0x108;
	s8 =	sld [smem:$0x3F9B]  }
0x2e: {  	s3 =	simm.s32 @!p0 $0x1082;
	s9 =	sld [smem:$0x3F9C]  }
0x2f: {  	lr =	sadd.s32 s0, s3;
	s0 =	sld [smem:$0x3F93]  }
0x30: {  	s3 =	sld [smem:$0x3F96]  }
0x31: {  	[smem:$0x3F9F] =	sst s10  }
0x32: {  	s10 =	sld [smem:$0x3F9D];
	_ =	sdelay $0x3  }
0x33: {  	p0 =	seq.s32 s10, $0x1;
	s10 =	sld [smem:$0x3F9F];
	_ =	sdelay $0x3  }
0x34: {  	[smem:$0x3F9F] =	sst s10  }
0x35: {  	s10 =	sld [smem:$0x3F9E];
	_ =	sdelay $0x3  }
0x36: {  	p1 =	seq.s32 s10, $0x1;
	s10 =	sld [smem:$0x3F9F];
	_ =	sdelay $0x3  }
0x37: {  	[smem:$0x3F9F] =	sst s10  }
0x38: {  	s10 =	sld [smem:$0x3FA0]  }
0x39: {  	_ = 	snop;
	(pc) =	sbr.ind lr, $3  }
0x3a: {  	_ = 	snop  }
0x3b: {  	_ = 	snop  }
0x3c: {  	p2 =	seq.s32 s10, $0x1;
	s10 =	sld [smem:$0x3F9F]  }
0x3d: {  	_ =	shalt  }
0x3e: {  	_ =	shalt  }
0x3f: {  	_ =	shalt  }
0x40: {  	_ =	shalt  }
0x41: {  	_ =	shalt  }
0x42: {  	_ =	shalt  }
0x43: {  	_ =	shalt  }
0x44: {  	_ =	shalt  }
0x45: {  	_ =	shalt  }
0x46: {  	_ =	shalt  }
0x47: {  	_ =	shalt  }
0x48: {  	_ =	shalt  }
0x49: {  	_ =	shalt  }
0x4a: {  	_ =	shalt  }
0x4b: {  	_ =	shalt  }
0x4c: {  	_ =	shalt  }
0x4d: {  	_ =	shalt  }
0x4e: {  	_ =	shalt  }
0x4f: {  	_ =	shalt  }
0x50: {  	_ =	shalt  }
0x51: {  	_ =	shalt  }
0x52: {  	_ =	shalt  }
0x53: {  	_ =	shalt  }
0x54: {  	_ =	shalt  }
0x55: {  	_ =	shalt  }
0x56: {  	_ =	shalt  }
0x57: {  	_ =	shalt  }
0x58: {  	_ =	shalt  }
0x59: {  	_ =	shalt  }
0x5a: {  	_ =	shalt  }
0x5b: {  	_ =	shalt  }
0x5c: {  	_ =	shalt  }
0x5d: {  	_ =	shalt  }
0x5e: {  	_ =	shalt  }
0x5f: {  	_ =	shalt  }
0x60: {  	_ =	shalt  }
0x61: {  	_ =	shalt  }
0x62: {  	_ =	shalt  }
0x63: {  	_ =	shalt  }
0x64: {  	_ =	shalt  }
0x65: {  	_ =	shalt  }
0x66: {  	_ =	shalt  }
0x67: {  	_ =	shalt  }
0x68: {  	_ =	shalt  }
0x69: {  	_ =	shalt  }
0x6a: {  	_ =	shalt  }
0x6b: {  	_ =	shalt  }
0x6c: {  	_ =	shalt  }
0x6d: {  	_ =	shalt  }
0x6e: {  	_ =	shalt  }
0x6f: {  	_ =	shalt  }
0x70: {  	_ =	shalt  }
0x71: {  	_ =	shalt  }
0x72: {  	_ =	shalt  }
0x73: {  	_ =	shalt  }
0x74: {  	_ =	shalt  }
0x75: {  	_ =	shalt  }
0x76: {  	_ =	shalt  }
0x77: {  	_ =	shalt  }
0x78: {  	_ =	shalt  }
0x79: {  	_ =	shalt  }
0x7a: {  	_ =	shalt  }
0x7b: {  	_ =	shalt  }
0x7c: {  	_ =	shalt  }
0x7d: {  	_ =	shalt  }
0x7e: {  	_ =	shalt  }
0x7f: {  	_ =	shalt  }
0x80: {  	_ =	shalt  }
0x81: {  	_ =	shalt  }
0x82: {  	_ =	shalt  }
0x83: {  	_ =	shalt  }
0x84: {  	_ =	shalt  }
0x85: {  	_ =	shalt  }
0x86: {  	_ =	shalt  }
0x87: {  	_ =	shalt  }
.Lfunc_end0:
.L_simem_size_0:
called_computation.1_lowered:
.L_overlay_start_0:
0x88: {  	s2 =	sld [smem:$0x3FD9]  }
0x89: {  	s3 =	sld [smem:$0x3FFE];
	_ =	sdelay $0x1  }
0x8a: {  	s1 =	srdreg.scid  }
0x8b: {  	s0 =	sand.u32 $0x1, s1  }
0x8c: {  	s16 =	sshll.u32 s0, $0xA;
	s2 =	sadd.s32 s3, s2  }
0x8d: {  	s2 =	sadd.s32 s2, s16  }
0x8e: {  	[smem:$0x3FAB] =	sst s2  }
0x8f: {  	_ = 	snop  }
0x90: {  	(tm) =	ssettm $0x1  }
0x91: {  	s17 =	sld [smem:$0x3FFB];
	_ =	sdelay $0x3  }
0x92: {  	_ =	strace s17  }
0x93: {  	s2 =	sld [smem:$0x3FFC];
	_ =	sdelay $0x3  }
0x94: {  	_ =	strace s2  }
0x95: {  	s2 =	sld [smem:$0x3FFD];
	_ =	sdelay $0x3  }
0x96: {  	_ =	strace s2  }
0x97: {  	_ =	strace $0x8FFFFFFF  }
0x98: {  	s18 =	sld [smem:$0x3FDB];
	_ =	sdelay $0x1  }
0x99: {  	s19 =	simm.s32 $_scs_section_size  }
0x9a: {  	s4 =	simm.s32 $_size__tile_overlayer_lowered;
	s5 =	simm.s32 $_tile_overlayer_lowered  }
0x9b: {  	s22 =	simm.s32 $0x1BFF;
	s21 =	sshll.u32 s5, $0x1;
	s2 =	sadd.s32 s19, s18  }
0x9c: {  	s6 =	simm.s32 $0x0;
	s20 =	sshll.u32 s4, $0x1;
	s4 =	sadd.s32 s21, s2  }
0x9d: {  	[timem:s6], [sflag:s22] =	dma.local [hbm:s4], s20  }
0x9e: {  	_ =	swait.ge [sflag:s22], s20  }
0x9f: {  	s3 =	ssub.s32 $0x0, s20;
	[sflag:s22] =	ssyncset.done $0x0  }
0xa0: {  	[sflag:s22] =	ssyncadd.s32 s3;
	_ =	sdelay $0x1  }
0xa1: {  	s23 =	simm.s32 $0x1B8B  }
0xa2: {  	_ =	swait.ge [sflag:s23], $0x1  }
0xa3: {  	[sflag:s23] =	ssyncset.done $0x0  }
0xa4: {  	s25 =	simm.s32 $0x1B8E;
	s24 =	sld [smem:$0x3FFE];
	[sflag:s23] =	ssyncadd.s32 $0xFFFFFFFF  }
0xa5: {  	s26 =	simm.s32 $execute0_lowered;
	[smem:$0x3FD2] =	sst s25  }
0xa6: {  	s4 =	sshll.u32 s26, $0x1;
	_ =	strace $0x80000049;
	[dreg:$0x1] =	wrdreg $0xFFFFFFFF  }
0xa7: {  	s28 =	simm.s32 $_size_execute0_lowered;
	s2 =	sadd.s32 s2, s4;
	[dreg:$0x0] =	wrdreg $0x0  }
0xa8: {  	s4 =	sshll.u32 s28, $0x1;
	[dreg:$0x2] =	wrdreg s2  }
0xa9: {  	[dreg:$0x3] =	wrdreg s4  }
0xaa: {  	[dreg:$0x4] =	wrdreg $0xC0  }
0xab: {  	_ =	task [dreg:s6], $0x5FFFF  }
0xac: {  	[dreg:$0x1] =	wrdreg $0xFFFFFFFF  }
0xad: {  	[dreg:$0x0] =	wrdreg $0x60  }
0xae: {  	[dreg:$0x2] =	wrdreg s24  }
0xaf: {  	[dreg:$0x3] =	wrdreg $0x68800  }
0xb0: {  	[dreg:$0x4] =	wrdreg $0x9  }
0xb1: {  	_ =	task.clear_ibuf [dreg:s6], $0x5FFFF;
	_ =	strace $0x90000049  }
0xb2: {  	s29 =	simm.s32 $0x9;
	_ =	strace $0x8000004B  }
0xb3: {  	_ =	swait.ge [sflag:s29], $0x1  }
0xb4: {  	[sflag:s29] =	ssyncadd.s32 $0xFFFFFFFF  }
0xb5: {  	_ =	strace $0x9000004B  }
0xb6: {  	_ =	sfence  }
0xb7: {  	s30 =	sld [smem:$0x0];
	_ =	sdelay $0x2  }
0xb8: {  	s31 =	sshll.u32 s1, $0xD;
	s1 =	sshrl.u32 s1, $0x2  }
0xb9: {  	s3 =	sand.u32 $0x4000, s31;
	s1 =	sadd.s32 s1, s30  }
0xba: {  	s0 =	sor.u32 s3, s0;
	s1 =	sshll.u32 s1, $0x11  }
0xbb: {  	s0 =	sor.u32 s1, s0  }
0xbc: {  	s0 =	sadd.s32 $0x8F2B, s0  }
0xbd: {  	[sflag:s0] =	ssyncadd.remote.s32 $0x1  }
0xbe: {  	_ =	sfence.sel $0xFFFF  }
0xbf: {  	[dreg:$0x0] =	wrdreg $0xFFFFFFFF;
	(pc) =	sbr.abs _section_cstart, $3  }
0xc0: {  	[dreg:$0x1] =	wrdreg $0xFFFFFFFF  }
0xc1: {  	_ =	task.clear_ibuf [dreg:s6], $0x2FFFF;
	_ =	strace $0x9FFFFFFF  }
0xc2: {  	(tm) =	ssettm $0x7FFFFFFF  }
0xc3: {  	_ =	shalt  }
tec
execute0_lowered:
.L_overlay_start_1:
0x0: {  	(tag) =	ssettag $0x1  }
0x1: {  	s4 =	rddreg [dreg:$0x0]  }
0x2: {  	s1 =	rddreg [dreg:$0x1]  }
0x3: {  	s0 =	rddreg [dreg:$0x2]  }
0x4: {  	s3 =	simm.s32 $0x0;
	s2 =	stileid.u32;
	s5 =	srdreg.scid  }
0x5: {  	s13 =	simm.s32 $0x4080;
	s14 =	simm.s32 $0x1;
	s15 =	simm.s32 $0x80  }
0x6: {  	s16 =	simm.s32 $0x0;
	[smem:$0x7FF] =	sst s3;
	s6 =	sshll.u32 s2, $0xB  }
0x7: {  	s7 =	smul.u32 $0x500, s2;
	s8 =	sand.u32 $0x1, s5;
	s26 =	sshll.u32 s2, $0x4  }
0x8: {  	p0 =	slt.u32 s2, $0xD;
	p1 =	slt.u32 s2, $0x2;
	s5 =	simm.s32 $0x4F  }
0x9: {  	s30 =	smul.u32 $0xA000, s2;
	_ =	strace $0x8000004A;
	s9 =	sadd.s32 s6, s4  }
0xa: {  	s28 =	ssub.s32 $0x2, s8;
	s11 =	sadd.s32 s26, s4;
	s5 =	simm.s32 @!p1 $0x4E  }
.Ltmp0:
0xb: {  	s12 =	sadd.s32 s7, s4;
	s29 =	sshrl.u32 s28, $0x1;
	(pc) =	sbr.rel .LBB2_1-.Ltmp0, $4  }
0xc: {  	s4 =	simm.s32 $0x8;
	s31 =	sshrl.u32 s30, $0x2;
	s7 =	sadd.s32 $0xA52800, s9  }
0xd: {  	s9 =	sadd.s32 $0xCA00, s11;
	s11 =	sadd.s32 $0x11A00, s11;
	s6 =	ssub.s32 s28, s29  }
0xe: {  	s4 =	simm.s32 @!p0 $0x7;
	p0 =	seq.s32 s8, $0x1;
	s8 =	sadd.s32 s31, s1  }
0xf: {  	v0 =	vimm.f32 $0.0e+00;
	s10 =	sadd.s32 $0x570A00, s12;
	s12 =	sadd.s32 $0x597C00, s12;
	s6 =	smax.u32 s6, $0x1  }
.LBB2_17:
0x10: {  	[sflag:s14] =	ssyncset.done $0x0  }
0x11: {  	[sflag:s14] =	ssyncadd.s32 $0xFFFFFB00  }
.LBB2_18:
0x12: {  	s16 =	sadd.s32 $0x1, s16  }
0x13: {  	p1 =	sne.s32 s16, s6  }
.Ltmp1:
0x14: {  	_ = 	snop;
	(pc) =	sbr.rel @!p1 .LBB2_19-.Ltmp1, $1  }
0x15: {  	_ =	sdelay $0x3  }
.LBB2_1:
.Ltmp2:
0x16: {  	(pc) =	sbr.rel @!p0 .LBB2_2-.Ltmp2, $4  }
0x17: {  	_ = 	snop  }
0x18: {  	s17 =	sand.u32 $0xFE00, s3  }
0x19: {  	s18 =	sand.u32 $0x70, s3;
	s19 =	sshrl.u32 s17, $0x2  }
0x1a: {  	s17 =	simm.s32 $0x40;
	s19 =	sor.u32 s18, s19;
	s18 =	simm.s32 $0x0  }
.LBB2_10:
0x1b: {  	p1 =	sne.s32 s17, $0x9FC0  }
0x1c: {  	[tilespmem:s19+$0x4080] =	vst v0;
	s18 =	sadd.s32 $0x10, s18;
	s19 =	smov.u32 s17;
	s17 =	sadd.s32 $0x40, s17  }
.Ltmp3:
0x1d: {  	(pc) =	sbr.rel @p1 .LBB2_10-.Ltmp3, $4  }
0x1e: {  	_ = 	snop  }
0x1f: {  	s19 =	sand.u32 $0xFE00, s19  }
0x20: {  	s20 =	sand.u32 $0x70, s18;
	s19 =	sshrl.u32 s19, $0x2  }
0x21: {  	s19 =	sor.u32 s20, s19  }
0x22: {  	p1 =	sne.s32 s4, $0x1  }
.Ltmp4:
0x23: {  	_ = 	snop;
	(pc) =	sbr.rel @!p1 .LBB2_13-.Ltmp4, $4  }
0x24: {  	[tilespmem:s19+$0x4080] =	vst v0  }
0x25: {  	[spmem:s8] =	stream.linear.scatter [tilespmem:s13], [sflag:$0x1], $0x2800, $0x38;
	[tilespmem:$0x1A100] =	vst v63  }
0x26: {  	_ =	swait.ge [sflag:s14], $0x2800  }
0x27: {  	s17 =	sadd.s32 $0xFFFFFFFF, s4;
	s18 =	smov.u32 s8;
	[sflag:s14] =	ssyncset.done $0x0  }
.LBB2_12:
0x28: {  	p2 =	sne.s32 s17, $0x1;
	[sflag:s14] =	ssyncadd.s32 $0xFFFFD800;
	s18 =	sadd.s32 $0x28000, s18  }
.Ltmp5:
0x29: {  	s17 =	sadd.s32 $0xFFFFFFFF, s17;
	(pc) =	sbr.rel @p2 .LBB2_12-.Ltmp5, $4  }
0x2a: {  	_ = 	snop  }
0x2b: {  	[spmem:s18] =	stream.linear.scatter [tilespmem:s13], [sflag:$0x1], $0x2800, $0x38;
	[tilespmem:$0x1A100] =	vst v63  }
0x2c: {  	_ =	swait.ge [sflag:s14], $0x2800  }
0x2d: {  	[sflag:s14] =	ssyncset.done $0x0  }
.LBB2_13:
0x2e: {  	[sflag:s14] =	ssyncadd.s32 $0xFFFFD800  }
0x2f: {  	[bflag:$0x0] =	sbarrier.arrive $0xFFFF  }
0x30: {  	[tilespmem:s3], [sflag:$0x1] =	stream.linear.gather [hbm4b:s11+s3], $0x80, $0x38;
	[tilespmem:$0x1A100] =	vst v63  }
0x31: {  	_ =	swait.ge [sflag:s14], $0x80  }
0x32: {  	[sflag:s14] =	ssyncset.done $0x0  }
0x33: {  	[sflag:s14] =	ssyncadd.s32 $0xFFFFFF80  }
0x34: {  	[tilespmem:s15], [sflag:$0x1] =	stream.linear.gather [hbm4b:s7+s3], $0x4000, $0x38;
	[tilespmem:$0x1A100] =	vst v63  }
0x35: {  	p2 =	sne.s32 s5, $0x1;
	_ =	swait.ge [sflag:s14], $0x4000  }
.Ltmp6:
0x36: {  	[sflag:s14] =	ssyncset.done $0x0;
	(pc) =	sbr.rel @!p2 .LBB2_15-.Ltmp6, $4  }
0x37: {  	[sflag:s14] =	ssyncadd.s32 $0xFFFFC000  }
0x38: {  	[spmem:s1] =	stream.indirect.scatter.add.f32 [tilespmem:s15], [sflag:$0x1], $0x80, s3, s15, $0xb8;
	[tilespmem:$0x1A100] =	vst v63  }
0x39: {  	s17 =	sadd.s32 $0xFFFFFFFF, s5;
	_ =	swait.ge [sflag:s14], $0x4000  }
0x3a: {  	s18 =	smov.u32 s7;
	s19 =	smov.u32 s11;
	[sflag:s14] =	ssyncset.done $0x0  }
.LBB2_14:
0x3b: {  	[sflag:s14] =	ssyncadd.s32 $0xFFFFC000;
	s18 =	sadd.s32 $0x8000, s18;
	s19 =	sadd.s32 $0x100, s19  }
0x3c: {  	[tilespmem:s3], [sflag:$0x1] =	stream.linear.gather [hbm4b:s19+s3], $0x80, $0x38;
	[tilespmem:$0x1A100] =	vst v63  }
0x3d: {  	p2 =	sne.s32 s17, $0x1;
	s17 =	sadd.s32 $0xFFFFFFFF, s17;
	_ =	swait.ge [sflag:s14], $0x80  }
0x3e: {  	[sflag:s14] =	ssyncset.done $0x0  }
0x3f: {  	[sflag:s14] =	ssyncadd.s32 $0xFFFFFF80  }
0x40: {  	[tilespmem:s15], [sflag:$0x1] =	stream.linear.gather [hbm4b:s18+s3], $0x4000, $0x38;
	[tilespmem:$0x1A100] =	vst v63  }
0x41: {  	_ =	swait.ge [sflag:s14], $0x4000  }
.Ltmp7:
0x42: {  	[sflag:s14] =	ssyncset.done $0x0;
	(pc) =	sbr.rel @p2 .LBB2_14-.Ltmp7, $4  }
0x43: {  	[sflag:s14] =	ssyncadd.s32 $0xFFFFC000  }
0x44: {  	[spmem:s1] =	stream.indirect.scatter.add.f32 [tilespmem:s15], [sflag:$0x1], $0x80, s3, s15, $0xb8;
	[tilespmem:$0x1A100] =	vst v63  }
0x45: {  	_ =	swait.ge [sflag:s14], $0x4000  }
0x46: {  	[sflag:s14] =	ssyncset.done $0x0  }
.LBB2_15:
.Ltmp8:
0x47: {  	(pc) =	sbr.rel @!p1 .LBB2_17-.Ltmp8, $4  }
0x48: {  	[sflag:s14] =	ssyncadd.s32 $0xFFFFC000;
	s17 =	sshll.u32 s2, $0x6;
	s18 =	sshrl.u32 s8, $0x3  }
0x49: {  	s19 =	sadd.s32 $0x5000, s12;
	[bflag:$0x0] =	sbarrier.arrive $0xFFFF;
	s17 =	sor.u32 $0x1C01, s17  }
0x4a: {  	[hbm:s12], [sflag:s17] =	dma.local [spmem:s18], $0x500  }
0x4b: {  	s20 =	smov.u32 s8;
	s18 =	sadd.s32 $0xFFFFFFFF, s4;
	_ =	swait.ge [sflag:s14], $0x500  }
.LBB2_16:
0x4c: {  	[sflag:s14] =	ssyncset.done $0x0;
	s20 =	sadd.s32 $0x28000, s20;
	p1 =	sne.s32 s18, $0x1  }
.Ltmp9:
0x4d: {  	s21 =	sshrl.u32 s20, $0x3;
	[sflag:s14] =	ssyncadd.s32 $0xFFFFFB00;
	(pc) =	sbr.rel @p1 .LBB2_16-.Ltmp9, $3  }
0x4e: {  	[hbm:s19], [sflag:s17] =	dma.local [spmem:s21], $0x500  }
0x4f: {  	s18 =	sadd.s32 $0xFFFFFFFF, s18;
	_ =	sdelay $0x1  }
0x50: {  	s19 =	sadd.s32 $0x5000, s19;
	_ =	swait.ge [sflag:s14], $0x500  }
.Ltmp10:
0x51: {  	_ = 	snop;
	(pc) =	sbr.rel .LBB2_17-.Ltmp10, $1  }
0x52: {  	_ =	sdelay $0x3  }
.LBB2_2:
0x53: {  	p1 =	sne.s32 s17, $0x9FC0  }
0x54: {  	[tilespmem:s19+$0x4080] =	vst v0;
	s18 =	sadd.s32 $0x10, s18;
	s19 =	smov.u32 s17;
	s17 =	sadd.s32 $0x40, s17  }
.Ltmp11:
0x55: {  	(pc) =	sbr.rel @p1 .LBB2_2-.Ltmp11, $4  }
0x56: {  	_ = 	snop  }
0x57: {  	s19 =	sand.u32 $0xFE00, s19  }
0x58: {  	s20 =	sand.u32 $0x70, s18;
	s19 =	sshrl.u32 s19, $0x2  }
0x59: {  	s19 =	sor.u32 s20, s19  }
0x5a: {  	p1 =	sne.s32 s4, $0x1  }
.Ltmp12:
0x5b: {  	_ = 	snop;
	(pc) =	sbr.rel @!p1 .LBB2_5-.Ltmp12, $4  }
0x5c: {  	[tilespmem:s19+$0x4080] =	vst v0  }
0x5d: {  	[spmem:s8] =	stream.linear.scatter [tilespmem:s13], [sflag:$0x1], $0x2800, $0x38;
	[tilespmem:$0x1A100] =	vst v63  }
0x5e: {  	_ =	swait.ge [sflag:s14], $0x2800  }
0x5f: {  	s17 =	sadd.s32 $0xFFFFFFFF, s4;
	s18 =	smov.u32 s8;
	[sflag:s14] =	ssyncset.done $0x0  }
.LBB2_4:
0x60: {  	p1 =	sne.s32 s17, $0x1;
	[sflag:s14] =	ssyncadd.s32 $0xFFFFD800;
	s18 =	sadd.s32 $0x28000, s18  }
.Ltmp13:
0x61: {  	s17 =	sadd.s32 $0xFFFFFFFF, s17;
	(pc) =	sbr.rel @p1 .LBB2_4-.Ltmp13, $4  }
0x62: {  	_ = 	snop  }
0x63: {  	[spmem:s18] =	stream.linear.scatter [tilespmem:s13], [sflag:$0x1], $0x2800, $0x38;
	[tilespmem:$0x1A100] =	vst v63  }
0x64: {  	_ =	swait.ge [sflag:s14], $0x2800  }
0x65: {  	[sflag:s14] =	ssyncset.done $0x0  }
.LBB2_5:
0x66: {  	[sflag:s14] =	ssyncadd.s32 $0xFFFFD800  }
0x67: {  	[bflag:$0x0] =	sbarrier.arrive $0xFFFF  }
0x68: {  	[tilespmem:s3], [sflag:$0x1] =	stream.linear.gather [hbm4b:s9+s3], $0x80, $0x38;
	[tilespmem:$0x1A100] =	vst v63  }
0x69: {  	_ =	swait.ge [sflag:s14], $0x80  }
0x6a: {  	[sflag:s14] =	ssyncset.done $0x0  }
0x6b: {  	[sflag:s14] =	ssyncadd.s32 $0xFFFFFF80  }
0x6c: {  	[tilespmem:s15], [sflag:$0x1] =	stream.linear.gather [hbm4b:s7+s3], $0x4000, $0x38;
	[tilespmem:$0x1A100] =	vst v63  }
0x6d: {  	p1 =	sne.s32 s5, $0x1;
	_ =	swait.ge [sflag:s14], $0x4000  }
.Ltmp14:
0x6e: {  	[sflag:s14] =	ssyncset.done $0x0;
	(pc) =	sbr.rel @!p1 .LBB2_7-.Ltmp14, $4  }
0x6f: {  	[sflag:s14] =	ssyncadd.s32 $0xFFFFC000  }
0x70: {  	[spmem:s1] =	stream.indirect.scatter.add.f32 [tilespmem:s15], [sflag:$0x1], $0x80, s3, s15, $0xb8;
	[tilespmem:$0x1A100] =	vst v63  }
0x71: {  	s17 =	sadd.s32 $0xFFFFFFFF, s5;
	_ =	swait.ge [sflag:s14], $0x4000  }
0x72: {  	s18 =	smov.u32 s7;
	s19 =	smov.u32 s9;
	[sflag:s14] =	ssyncset.done $0x0  }
.LBB2_6:
0x73: {  	[sflag:s14] =	ssyncadd.s32 $0xFFFFC000;
	s18 =	sadd.s32 $0x8000, s18;
	s19 =	sadd.s32 $0x100, s19  }
0x74: {  	[tilespmem:s3], [sflag:$0x1] =	stream.linear.gather [hbm4b:s19+s3], $0x80, $0x38;
	[tilespmem:$0x1A100] =	vst v63  }
0x75: {  	p1 =	sne.s32 s17, $0x1;
	s17 =	sadd.s32 $0xFFFFFFFF, s17;
	_ =	swait.ge [sflag:s14], $0x80  }
0x76: {  	[sflag:s14] =	ssyncset.done $0x0  }
0x77: {  	[sflag:s14] =	ssyncadd.s32 $0xFFFFFF80  }
0x78: {  	[tilespmem:s15], [sflag:$0x1] =	stream.linear.gather [hbm4b:s18+s3], $0x4000, $0x38;
	[tilespmem:$0x1A100] =	vst v63  }
0x79: {  	_ =	swait.ge [sflag:s14], $0x4000  }
.Ltmp15:
0x7a: {  	[sflag:s14] =	ssyncset.done $0x0;
	(pc) =	sbr.rel @p1 .LBB2_6-.Ltmp15, $4  }
0x7b: {  	[sflag:s14] =	ssyncadd.s32 $0xFFFFC000  }
0x7c: {  	[spmem:s1] =	stream.indirect.scatter.add.f32 [tilespmem:s15], [sflag:$0x1], $0x80, s3, s15, $0xb8;
	[tilespmem:$0x1A100] =	vst v63  }
0x7d: {  	_ =	swait.ge [sflag:s14], $0x4000  }
0x7e: {  	[sflag:s14] =	ssyncset.done $0x0  }
.LBB2_7:
0x7f: {  	p1 =	seq.s32 s4, $0x1  }
.Ltmp16:
0x80: {  	_ = 	snop;
	(pc) =	sbr.rel @p1 .LBB2_9-.Ltmp16, $4  }
0x81: {  	[sflag:s14] =	ssyncadd.s32 $0xFFFFC000;
	s17 =	sshll.u32 s2, $0x6;
	s18 =	sshrl.u32 s8, $0x3  }
0x82: {  	s19 =	sadd.s32 $0x5000, s10;
	[bflag:$0x0] =	sbarrier.arrive $0xFFFF;
	s17 =	sor.u32 $0x1C01, s17  }
0x83: {  	[hbm:s10], [sflag:s17] =	dma.local [spmem:s18], $0x500  }
0x84: {  	s20 =	smov.u32 s8;
	s18 =	sadd.s32 $0xFFFFFFFF, s4;
	_ =	swait.ge [sflag:s14], $0x500  }
.LBB2_8:
0x85: {  	[sflag:s14] =	ssyncset.done $0x0;
	s20 =	sadd.s32 $0x28000, s20;
	p1 =	seq.s32 s18, $0x1  }
.Ltmp17:
0x86: {  	s21 =	sshrl.u32 s20, $0x3;
	[sflag:s14] =	ssyncadd.s32 $0xFFFFFB00;
	(pc) =	sbr.rel @!p1 .LBB2_8-.Ltmp17, $3  }
0x87: {  	[hbm:s19], [sflag:s17] =	dma.local [spmem:s21], $0x500  }
0x88: {  	s18 =	sadd.s32 $0xFFFFFFFF, s18;
	_ =	sdelay $0x1  }
0x89: {  	s19 =	sadd.s32 $0x5000, s19;
	_ =	swait.ge [sflag:s14], $0x500  }
.LBB2_9:
.Ltmp18:
0x8a: {  	(pc) =	sbr.rel .LBB2_18-.Ltmp18, $3  }
0x8b: {  	_ =	sdelay $0x1  }
0x8c: {  	[sflag:s14] =	ssyncset.done $0x0  }
0x8d: {  	[sflag:s14] =	ssyncadd.s32 $0xFFFFFB00  }
.LBB2_19:
0x8e: {  	_ =	sfence.sel $0x180000  }
0x8f: {  	[bflag:$0x0] =	sbarrier.arrive $0xFFFF  }
0x90: {  	p0 =	sne.s32 s2, $0x0;
	_ =	strace $0x9000004A  }
0x91: {  	s0 =	sadd.s32 @!p0 $0x100000, s0;
	[bflag:$0x2] =	sbarrier.arrive $0xFFFF  }
0x92: {  	[sflag:s0] =	ssyncadd.tile.s32 @!p0 $0x1;
	_ =	shalt  }
.Lfunc_end2:
_tile_overlayer_lowered:
.L_overlay_start_2:
0x93: {  	(tag) =	ssettag $0x2  }
0x94: {  	s0 =	rddreg [dreg:$0x0];
	s2 =	stileid.u32  }
0x95: {  	s1 =	rddreg [dreg:$0x1];
	p0 =	sne.s32 s2, $0x0  }
0x96: {  	s3 =	rddreg [dreg:$0x2];
	[bflag:$0x3] =	sbarrier.arrive $0xFFFF;
	s2 =	simm.s32 @!p0 $0x1C01  }
0x97: {  	[timem:s3], [sflag:s2] =	dma.local @!p0 [hbm:s0], s1  }
0x98: {  	s0 =	simm.s32 @!p0 $0x1  }
0x99: {  	_ =	swait.ge @!p0 [sflag:s0], s1  }
0x9a: {  	s1 =	ssub.s32 @!p0 $0x0, s1;
	[sflag:s0] =	ssyncset.done @!p0 $0x0  }
0x9b: {  	[sflag:s0] =	ssyncadd.s32 @!p0 s1  }
0x9c: {  	[bflag:$0x3] =	sbarrier.arrive $0xFFFF  }
0x9d: {  	_ =	shalt  }

// kernel: kernel.21.cloned.1.call-start
scs
__scs_entry_jumppad:
0x0: {  	(pc) =	sbr.rel $0x88, $3  }
0x1: {  	(tag) =	ssettag $0x0;
	lr =	simm.s32 $0x1  }
0x2: {  	[smem:$0x3F84] =	sst lr;
	_ =	strace $0xD0000000  }
0x3: {  	_ = 	snop  }
0x4: {  	_ = 	snop  }
0x5: {  	_ = 	snop  }
0x6: {  	_ = 	snop  }
0x7: {  	_ = 	snop  }
__scs_overlays_trampoline_lowered:
0x8: {  	[smem:$0x3F93] =	sst s0  }
0x9: {  	[smem:$0x3F94] =	sst s1  }
0xa: {  	[smem:$0x3F95] =	sst s2  }
0xb: {  	[smem:$0x3F96] =	sst s3  }
0xc: {  	[smem:$0x3F97] =	sst s4  }
0xd: {  	[smem:$0x3F98] =	sst s5  }
0xe: {  	[smem:$0x3F99] =	sst s6  }
0xf: {  	[smem:$0x3F9A] =	sst s7  }
0x10: {  	[smem:$0x3F9B] =	sst s8  }
0x11: {  	[smem:$0x3F9C] =	sst s9;
	s0 =	simm.s32 @!p0 $0x0  }
0x12: {  	s1 =	sld [smem:$0x3F82];
	s0 =	simm.s32 @p0 $0x1  }
0x13: {  	[smem:$0x3F9D] =	sst s0;
	s0 =	simm.s32 @!p1 $0x0  }
0x14: {  	s2 =	sld [smem:$0x3F81];
	s0 =	simm.s32 @p1 $0x1  }
0x15: {  	[smem:$0x3F9E] =	sst s0;
	s0 =	simm.s32 @!p2 $0x0  }
0x16: {  	s3 =	sld [smem:$0x3FDB];
	s0 =	simm.s32 @p2 $0x1  }
0x17: {  	s4 =	simm.s32 $0x1BF5;
	[smem:$0x3FA0] =	sst s0  }
0x18: {  	s0 =	sld [smem:$0x3F83];
	_ =	swait.ge [sflag:s4], $0x0  }
0x19: {  	s7 =	sld [smem:$0x3F84]  }
0x1a: {  	s8 =	sadd.s32 $0xFFFFE003, lr  }
0x1b: {  	s9 =	sadd.s32 $0xFFFFFEF7, lr;
	s5 =	simm.s32 $0xFFFFFFFF;
	p2 =	slt.u32 s8, $0xFFFFF086  }
0x1c: {  	p1 =	slt.u32 s9, $0xF7A;
	s5 =	simm.s32 @!p2 $0x0  }
0x1d: {  	s5 =	simm.s32 @p1 $0x1;
	p0 =	seq.s32 s7, s2  }
0x1e: {  	s7 =	smul.u32 @!p0 $0xF7A, s2;
	p2 =	seq.s32 @!p0 s5, $0x0  }
0x1f: {  	s9 =	smul.u32 $0xF7A, s1;
	s8 =	simm.s32 @!p0 $0x1BF5;
	p2 =	por !p2, p0  }
0x20: {  	[sflag:s8] =	ssyncset.s32 @!p0 $0xFFFFF086;
	s6 =	sadd.s32 @!p0 s3, s7;
	s7 =	simm.s32 @!p0 $0x108  }
0x21: {  	s3 =	sadd.s32 s3, s9;
	s6 =	sadd.s32 @!p0 $0x88, s6;
	s7 =	simm.s32 @p2 $0x1082  }
0x22: {  	[simem:s7], [sflag:s8] =	dma.local @!p0 [hbm:s6], $0xF7A  }
0x23: {  	s9 =	sor.u32 $0xD0000000, s2;
	s6 =	simm.s32 $0x108;
	_ =	swait.ge @!p0 [sflag:s8], $0x0  }
0x24: {  	s3 =	sadd.s32 $0x88, s3;
	s6 =	simm.s32 @!p1 $0x1082;
	[sflag:s4] =	ssyncset.s32 $0xFFFFF086  }
0x25: {  	[simem:s6], [sflag:s4] =	dma.local [hbm:s3], $0xF7A  }
0x26: {  	[smem:$0x3F84] =	sst s1;
	(tag) =	ssettag s2;
	_ =	strace s9  }
0x27: {  	s1 =	sld [smem:$0x3F94]  }
0x28: {  	s2 =	sld [smem:$0x3F95]  }
0x29: {  	s4 =	sld [smem:$0x3F97]  }
0x2a: {  	p0 =	seq.s32 s5, $0x0;
	s5 =	sld [smem:$0x3F98]  }
0x2b: {  	s6 =	sld [smem:$0x3F99]  }
0x2c: {  	s7 =	sld [smem:$0x3F9A]  }
0x2d: {  	s3 =	simm.s32 $0x108;
	s8 =	sld [smem:$0x3F9B]  }
0x2e: {  	s3 =	simm.s32 @!p0 $0x1082;
	s9 =	sld [smem:$0x3F9C]  }
0x2f: {  	lr =	sadd.s32 s0, s3;
	s0 =	sld [smem:$0x3F93]  }
0x30: {  	s3 =	sld [smem:$0x3F96]  }
0x31: {  	[smem:$0x3F9F] =	sst s10  }
0x32: {  	s10 =	sld [smem:$0x3F9D];
	_ =	sdelay $0x3  }
0x33: {  	p0 =	seq.s32 s10, $0x1;
	s10 =	sld [smem:$0x3F9F];
	_ =	sdelay $0x3  }
0x34: {  	[smem:$0x3F9F] =	sst s10  }
0x35: {  	s10 =	sld [smem:$0x3F9E];
	_ =	sdelay $0x3  }
0x36: {  	p1 =	seq.s32 s10, $0x1;
	s10 =	sld [smem:$0x3F9F];
	_ =	sdelay $0x3  }
0x37: {  	[smem:$0x3F9F] =	sst s10  }
0x38: {  	s10 =	sld [smem:$0x3FA0]  }
0x39: {  	_ = 	snop;
	(pc) =	sbr.ind lr, $3  }
0x3a: {  	_ = 	snop  }
0x3b: {  	_ = 	snop  }
0x3c: {  	p2 =	seq.s32 s10, $0x1;
	s10 =	sld [smem:$0x3F9F]  }
0x3d: {  	_ =	shalt  }
0x3e: {  	_ =	shalt  }
0x3f: {  	_ =	shalt  }
0x40: {  	_ =	shalt  }
0x41: {  	_ =	shalt  }
0x42: {  	_ =	shalt  }
0x43: {  	_ =	shalt  }
0x44: {  	_ =	shalt  }
0x45: {  	_ =	shalt  }
0x46: {  	_ =	shalt  }
0x47: {  	_ =	shalt  }
0x48: {  	_ =	shalt  }
0x49: {  	_ =	shalt  }
0x4a: {  	_ =	shalt  }
0x4b: {  	_ =	shalt  }
0x4c: {  	_ =	shalt  }
0x4d: {  	_ =	shalt  }
0x4e: {  	_ =	shalt  }
0x4f: {  	_ =	shalt  }
0x50: {  	_ =	shalt  }
0x51: {  	_ =	shalt  }
0x52: {  	_ =	shalt  }
0x53: {  	_ =	shalt  }
0x54: {  	_ =	shalt  }
0x55: {  	_ =	shalt  }
0x56: {  	_ =	shalt  }
0x57: {  	_ =	shalt  }
0x58: {  	_ =	shalt  }
0x59: {  	_ =	shalt  }
0x5a: {  	_ =	shalt  }
0x5b: {  	_ =	shalt  }
0x5c: {  	_ =	shalt  }
0x5d: {  	_ =	shalt  }
0x5e: {  	_ =	shalt  }
0x5f: {  	_ =	shalt  }
0x60: {  	_ =	shalt  }
0x61: {  	_ =	shalt  }
0x62: {  	_ =	shalt  }
0x63: {  	_ =	shalt  }
0x64: {  	_ =	shalt  }
0x65: {  	_ =	shalt  }
0x66: {  	_ =	shalt  }
0x67: {  	_ =	shalt  }
0x68: {  	_ =	shalt  }
0x69: {  	_ =	shalt  }
0x6a: {  	_ =	shalt  }
0x6b: {  	_ =	shalt  }
0x6c: {  	_ =	shalt  }
0x6d: {  	_ =	shalt  }
0x6e: {  	_ =	shalt  }
0x6f: {  	_ =	shalt  }
0x70: {  	_ =	shalt  }
0x71: {  	_ =	shalt  }
0x72: {  	_ =	shalt  }
0x73: {  	_ =	shalt  }
0x74: {  	_ =	shalt  }
0x75: {  	_ =	shalt  }
0x76: {  	_ =	shalt  }
0x77: {  	_ =	shalt  }
0x78: {  	_ =	shalt  }
0x79: {  	_ =	shalt  }
0x7a: {  	_ =	shalt  }
0x7b: {  	_ =	shalt  }
0x7c: {  	_ =	shalt  }
0x7d: {  	_ =	shalt  }
0x7e: {  	_ =	shalt  }
0x7f: {  	_ =	shalt  }
0x80: {  	_ =	shalt  }
0x81: {  	_ =	shalt  }
0x82: {  	_ =	shalt  }
0x83: {  	_ =	shalt  }
0x84: {  	_ =	shalt  }
0x85: {  	_ =	shalt  }
0x86: {  	_ =	shalt  }
0x87: {  	_ =	shalt  }
.Lfunc_end0:
.L_simem_size_0:
called_computation.2_lowered:
.L_overlay_start_0:
0x88: {  	s2 =	sld [smem:$0x3FD9]  }
0x89: {  	s3 =	sld [smem:$0x3FFE];
	_ =	sdelay $0x1  }
0x8a: {  	s1 =	srdreg.scid  }
0x8b: {  	s0 =	sand.u32 $0x1, s1  }
0x8c: {  	s16 =	sshll.u32 s0, $0xA;
	s2 =	sadd.s32 s3, s2  }
0x8d: {  	s2 =	sadd.s32 s2, s16  }
0x8e: {  	[smem:$0x3FAB] =	sst s2  }
0x8f: {  	_ = 	snop  }
0x90: {  	(tm) =	ssettm $0x1  }
0x91: {  	s17 =	sld [smem:$0x3FFB];
	_ =	sdelay $0x3  }
0x92: {  	_ =	strace s17  }
0x93: {  	s2 =	sld [smem:$0x3FFC];
	_ =	sdelay $0x3  }
0x94: {  	_ =	strace s2  }
0x95: {  	s2 =	sld [smem:$0x3FFD];
	_ =	sdelay $0x3  }
0x96: {  	_ =	strace s2  }
0x97: {  	_ =	strace $0x8FFFFFFF  }
0x98: {  	s18 =	sld [smem:$0x3FDB];
	_ =	sdelay $0x1  }
0x99: {  	s19 =	simm.s32 $_scs_section_size  }
0x9a: {  	s4 =	simm.s32 $_size__tile_overlayer_lowered;
	s5 =	simm.s32 $_tile_overlayer_lowered  }
0x9b: {  	s22 =	simm.s32 $0x1BFF;
	s21 =	sshll.u32 s5, $0x1;
	s2 =	sadd.s32 s19, s18  }
0x9c: {  	s6 =	simm.s32 $0x0;
	s20 =	sshll.u32 s4, $0x1;
	s4 =	sadd.s32 s21, s2  }
0x9d: {  	[timem:s6], [sflag:s22] =	dma.local [hbm:s4], s20  }
0x9e: {  	_ =	swait.ge [sflag:s22], s20  }
0x9f: {  	s3 =	ssub.s32 $0x0, s20;
	[sflag:s22] =	ssyncset.done $0x0  }
0xa0: {  	[sflag:s22] =	ssyncadd.s32 s3;
	_ =	sdelay $0x1  }
0xa1: {  	s23 =	simm.s32 $0x1B8B  }
0xa2: {  	_ =	swait.ge [sflag:s23], $0x1  }
0xa3: {  	[sflag:s23] =	ssyncset.done $0x0  }
0xa4: {  	s25 =	simm.s32 $0x1B8E;
	s24 =	sld [smem:$0x3FFE];
	[sflag:s23] =	ssyncadd.s32 $0xFFFFFFFF  }
0xa5: {  	s26 =	simm.s32 $execute0_lowered;
	[smem:$0x3FD2] =	sst s25  }
0xa6: {  	s4 =	sshll.u32 s26, $0x1;
	_ =	strace $0x8000004C;
	[dreg:$0x1] =	wrdreg $0xFFFFFFFF  }
0xa7: {  	s28 =	simm.s32 $_size_execute0_lowered;
	s2 =	sadd.s32 s2, s4;
	[dreg:$0x0] =	wrdreg $0x0  }
0xa8: {  	s4 =	sshll.u32 s28, $0x1;
	[dreg:$0x2] =	wrdreg s2  }
0xa9: {  	[dreg:$0x3] =	wrdreg s4  }
0xaa: {  	[dreg:$0x4] =	wrdreg $0xC0  }
0xab: {  	_ =	task [dreg:s6], $0x5FFFF  }
0xac: {  	[dreg:$0x1] =	wrdreg $0xFFFFFFFF  }
0xad: {  	[dreg:$0x0] =	wrdreg $0x60  }
0xae: {  	[dreg:$0x2] =	wrdreg s24  }
0xaf: {  	[dreg:$0x3] =	wrdreg $0x9  }
0xb0: {  	_ =	task.clear_ibuf [dreg:s6], $0x4FFFF;
	_ =	strace $0x9000004C  }
0xb1: {  	s29 =	simm.s32 $0x9;
	_ =	strace $0x8000004E  }
0xb2: {  	_ =	swait.ge [sflag:s29], $0x1  }
0xb3: {  	[sflag:s29] =	ssyncadd.s32 $0xFFFFFFFF  }
0xb4: {  	_ =	strace $0x9000004E  }
0xb5: {  	_ =	sfence  }
0xb6: {  	s30 =	sld [smem:$0x0];
	_ =	sdelay $0x2  }
0xb7: {  	s31 =	sshll.u32 s1, $0xD;
	s1 =	sshrl.u32 s1, $0x2  }
0xb8: {  	s3 =	sand.u32 $0x4000, s31;
	s1 =	sadd.s32 s1, s30  }
0xb9: {  	s0 =	sor.u32 s3, s0;
	s1 =	sshll.u32 s1, $0x11  }
0xba: {  	s0 =	sor.u32 s1, s0  }
0xbb: {  	s0 =	sadd.s32 $0x8F2B, s0  }
0xbc: {  	[sflag:s0] =	ssyncadd.remote.s32 $0x1  }
0xbd: {  	_ =	sfence.sel $0xFFFF  }
0xbe: {  	[dreg:$0x0] =	wrdreg $0xFFFFFFFF;
	(pc) =	sbr.abs _section_cstart, $3  }
0xbf: {  	[dreg:$0x1] =	wrdreg $0xFFFFFFFF  }
0xc0: {  	_ =	task.clear_ibuf [dreg:s6], $0x2FFFF;
	_ =	strace $0x9FFFFFFF  }
0xc1: {  	(tm) =	ssettm $0x7FFFFFFF  }
tec
execute0_lowered:
.L_overlay_start_1:
0x0: {  	(tag) =	ssettag $0x1  }
0x1: {  	s5 =	rddreg [dreg:$0x0]  }
0x2: {  	s0 =	rddreg [dreg:$0x1];
	s2 =	simm.s32 $0x0;
	s3 =	srdreg.scid  }
0x3: {  	s1 =	stileid.u32;
	s12 =	simm.s32 $0x80;
	s13 =	simm.s32 $0x100  }
0x4: {  	s14 =	simm.s32 $0x4100;
	s15 =	simm.s32 $0x1;
	s16 =	simm.s32 $0x2  }
0x5: {  	s17 =	simm.s32 $0x0;
	[smem:$0x7FF] =	sst s2;
	s7 =	sand.u32 $0x1, s3  }
0x6: {  	s6 =	sshll.u32 s1, $0x8;
	s3 =	sadd.s32 $0x5C3000, s5;
	s4 =	sadd.s32 $0x5EA200, s5  }
0x7: {  	s26 =	sshll.u32 s1, $0xC;
	p0 =	seq.s32 s1, $0x0;
	_ =	strace $0x8000004D  }
0x8: {  	s8 =	sshll.u32 s7, $0x7;
	s9 =	ssub.s32 $0x2, s7;
	s11 =	sadd.s32 s26, s5  }
0x9: {  	s30 =	sshll.u32 s7, $0xB;
	s6 =	sor.u32 s8, s6;
	s28 =	sshrl.u32 s9, $0x1  }
0xa: {  	s31 =	sadd.s32 s30, s11;
	s11 =	simm.s32 $0x3;
	s6 =	sshrl.u32 s6, $0x3  }
0xb: {  	s29 =	ssub.s32 s9, s28;
	s10 =	sadd.s32 s6, s5;
	s5 =	simm.s32 $0x28  }
0xc: {  	s9 =	sadd.s32 $0x611400, s31;
	s6 =	smax.u32 s29, $0x1;
	s5 =	simm.s32 @!p0 $0x27  }
0xd: {  	s7 =	sadd.s32 $0xCA00, s10;
	s8 =	sadd.s32 $0x11A00, s10;
	s10 =	sadd.s32 $0x18A00, s31  }
.LBB2_1:
0xe: {  	[tilespmem:s2], [sflag:$0x3] =	stream.linear.gather [hbm4b:s8+s2], $0x80, $0x38;
	[tilespmem:$0x8100] =	vst v63  }
0xf: {  	_ =	swait.ge [sflag:s11], $0x80  }
0x10: {  	[sflag:s11] =	ssyncset.done $0x0  }
0x11: {  	[sflag:s11] =	ssyncadd.s32 $0xFFFFFF80  }
0x12: {  	[tilespmem:s12], [sflag:$0x3] =	stream.linear.gather [hbm4b:s7+s2], $0x80, $0x38;
	[tilespmem:$0x8100] =	vst v63  }
0x13: {  	_ =	swait.ge [sflag:s11], $0x80  }
0x14: {  	[sflag:s11] =	ssyncset.done $0x0  }
0x15: {  	[sflag:s11] =	ssyncadd.s32 $0xFFFFFF80  }
0x16: {  	[tilespmem:s13], [sflag:$0x1] =	stream.indirect.gather [hbm4b:s3+s12], $0x80, s2, s12, $0xb8;
	[tilespmem:$0x8100] =	vst v63  }
0x17: {  	_ = 	snop  }
0x18: {  	[tilespmem:s14], [sflag:$0x2] =	stream.indirect.gather [hbm4b:s4+s12], $0x80, s12, s12, $0xb8;
	[tilespmem:$0x8100] =	vst v63  }
0x19: {  	_ =	swait.ge [sflag:s15], $0x4000  }
0x1a: {  	[sflag:s15] =	ssyncset.done $0x0  }
0x1b: {  	[sflag:s15] =	ssyncadd.s32 $0xFFFFC000  }
0x1c: {  	[hbm4b:s9+s2] =	stream.linear.scatter [tilespmem:s13], [sflag:$0x3], $0x4000, $0x38;
	[tilespmem:$0x8100] =	vst v63  }
0x1d: {  	_ =	swait.ge [sflag:s11], $0x4000  }
0x1e: {  	[sflag:s11] =	ssyncset.done $0x0  }
0x1f: {  	[sflag:s11] =	ssyncadd.s32 $0xFFFFC000  }
0x20: {  	p0 =	sne.s32 s5, $0x1;
	_ =	swait.ge [sflag:s16], $0x4000  }
.Ltmp0:
0x21: {  	[sflag:s16] =	ssyncset.done $0x0;
	(pc) =	sbr.rel @!p0 .LBB2_3-.Ltmp0, $4  }
0x22: {  	s18 =	sadd.s32 $0xFFFFFFFF, s5;
	[sflag:s16] =	ssyncadd.s32 $0xFFFFC000  }
0x23: {  	[hbm4b:s10+s2] =	stream.linear.scatter [tilespmem:s14], [sflag:$0x3], $0x4000, $0x38;
	[tilespmem:$0x8100] =	vst v63  }
0x24: {  	s19 =	sadd.s32 $0x10000, s9;
	s20 =	sadd.s32 $0x10000, s10;
	_ =	swait.ge [sflag:s11], $0x4000  }
0x25: {  	s21 =	smov.u32 s7;
	s22 =	smov.u32 s8;
	[sflag:s11] =	ssyncset.done $0x0  }
.LBB2_2:
0x26: {  	[sflag:s11] =	ssyncadd.s32 $0xFFFFC000;
	s21 =	sadd.s32 $0x200, s21;
	s22 =	sadd.s32 $0x200, s22  }
0x27: {  	[tilespmem:s2], [sflag:$0x3] =	stream.linear.gather [hbm4b:s22+s2], $0x80, $0x38;
	[tilespmem:$0x8100] =	vst v63  }
0x28: {  	p0 =	sne.s32 s18, $0x1;
	s18 =	sadd.s32 $0xFFFFFFFF, s18;
	_ =	swait.ge [sflag:s11], $0x80  }
0x29: {  	[sflag:s11] =	ssyncset.done $0x0  }
0x2a: {  	[sflag:s11] =	ssyncadd.s32 $0xFFFFFF80  }
0x2b: {  	[tilespmem:s12], [sflag:$0x3] =	stream.linear.gather [hbm4b:s21+s2], $0x80, $0x38;
	[tilespmem:$0x8100] =	vst v63  }
0x2c: {  	_ =	swait.ge [sflag:s11], $0x80  }
0x2d: {  	[sflag:s11] =	ssyncset.done $0x0  }
0x2e: {  	[sflag:s11] =	ssyncadd.s32 $0xFFFFFF80  }
0x2f: {  	[tilespmem:s13], [sflag:$0x1] =	stream.indirect.gather [hbm4b:s3+s12], $0x80, s2, s12, $0xb8;
	[tilespmem:$0x8100] =	vst v63  }
0x30: {  	_ = 	snop  }
0x31: {  	[tilespmem:s14], [sflag:$0x2] =	stream.indirect.gather [hbm4b:s4+s12], $0x80, s12, s12, $0xb8;
	[tilespmem:$0x8100] =	vst v63  }
0x32: {  	_ =	swait.ge [sflag:s15], $0x4000  }
0x33: {  	[sflag:s15] =	ssyncset.done $0x0  }
0x34: {  	[sflag:s15] =	ssyncadd.s32 $0xFFFFC000  }
0x35: {  	[hbm4b:s19+s2] =	stream.linear.scatter [tilespmem:s13], [sflag:$0x3], $0x4000, $0x38;
	[tilespmem:$0x8100] =	vst v63  }
0x36: {  	_ =	swait.ge [sflag:s11], $0x4000  }
0x37: {  	[sflag:s11] =	ssyncset.done $0x0  }
0x38: {  	[sflag:s11] =	ssyncadd.s32 $0xFFFFC000  }
0x39: {  	_ =	swait.ge [sflag:s16], $0x4000  }
.Ltmp1:
0x3a: {  	[sflag:s16] =	ssyncset.done $0x0;
	(pc) =	sbr.rel @p0 .LBB2_2-.Ltmp1, $4  }
0x3b: {  	[sflag:s16] =	ssyncadd.s32 $0xFFFFC000  }
0x3c: {  	[hbm4b:s20+s2] =	stream.linear.scatter [tilespmem:s14], [sflag:$0x3], $0x4000, $0x38;
	[tilespmem:$0x8100] =	vst v63  }
0x3d: {  	_ =	swait.ge [sflag:s11], $0x4000  }
0x3e: {  	s19 =	sadd.s32 $0x10000, s19;
	s20 =	sadd.s32 $0x10000, s20;
	[sflag:s11] =	ssyncset.done $0x0  }
.LBB2_3:
0x3f: {  	s17 =	sadd.s32 $0x1, s17  }
0x40: {  	p0 =	sne.s32 s17, s6  }
.Ltmp2:
0x41: {  	_ = 	snop;
	(pc) =	sbr.rel @p0 .LBB2_1-.Ltmp2, $2  }
0x42: {  	_ =	sdelay $0x2  }
0x43: {  	[sflag:s11] =	ssyncadd.s32 $0xFFFFC000  }
0x44: {  	_ =	sfence.sel $0x180000  }
0x45: {  	[bflag:$0x0] =	sbarrier.arrive $0xFFFF  }
0x46: {  	p0 =	sne.s32 s1, $0x0;
	_ =	strace $0x9000004D  }
0x47: {  	s0 =	sadd.s32 @!p0 $0x100000, s0;
	[bflag:$0x2] =	sbarrier.arrive $0xFFFF  }
0x48: {  	[sflag:s0] =	ssyncadd.tile.s32 @!p0 $0x1;
	_ =	shalt  }
.Lfunc_end2:
_tile_overlayer_lowered:
.L_overlay_start_2:
0x49: {  	(tag) =	ssettag $0x2  }
0x4a: {  	s0 =	rddreg [dreg:$0x0];
	s2 =	stileid.u32  }
0x4b: {  	s1 =	rddreg [dreg:$0x1];
	p0 =	sne.s32 s2, $0x0  }
0x4c: {  	s3 =	rddreg [dreg:$0x2];
	[bflag:$0x3] =	sbarrier.arrive $0xFFFF;
	s2 =	simm.s32 @!p0 $0x1C03  }
0x4d: {  	[timem:s3], [sflag:s2] =	dma.local @!p0 [hbm:s0], s1  }
0x4e: {  	s0 =	simm.s32 @!p0 $0x3  }
0x4f: {  	_ =	swait.ge @!p0 [sflag:s0], s1  }
0x50: {  	s1 =	ssub.s32 @!p0 $0x0, s1;
	[sflag:s0] =	ssyncset.done @!p0 $0x0  }
0x51: {  	[sflag:s0] =	ssyncadd.s32 @!p0 s1  }
0x52: {  	[bflag:$0x3] =	sbarrier.arrive $0xFFFF  }
0x53: {  	_ =	shalt  }

// kernel: kernel.24.cloned.1.call-start
scs
__scs_entry_jumppad:
0x0: {  	(pc) =	sbr.rel $0x88, $3  }
0x1: {  	(tag) =	ssettag $0x0;
	lr =	simm.s32 $0x1  }
0x2: {  	[smem:$0x3F84] =	sst lr;
	_ =	strace $0xD0000000  }
0x3: {  	_ = 	snop  }
0x4: {  	_ = 	snop  }
0x5: {  	_ = 	snop  }
0x6: {  	_ = 	snop  }
0x7: {  	_ = 	snop  }
__scs_overlays_trampoline_lowered:
0x8: {  	[smem:$0x3F93] =	sst s0  }
0x9: {  	[smem:$0x3F94] =	sst s1  }
0xa: {  	[smem:$0x3F95] =	sst s2  }
0xb: {  	[smem:$0x3F96] =	sst s3  }
0xc: {  	[smem:$0x3F97] =	sst s4  }
0xd: {  	[smem:$0x3F98] =	sst s5  }
0xe: {  	[smem:$0x3F99] =	sst s6  }
0xf: {  	[smem:$0x3F9A] =	sst s7  }
0x10: {  	[smem:$0x3F9B] =	sst s8  }
0x11: {  	[smem:$0x3F9C] =	sst s9;
	s0 =	simm.s32 @!p0 $0x0  }
0x12: {  	s1 =	sld [smem:$0x3F82];
	s0 =	simm.s32 @p0 $0x1  }
0x13: {  	[smem:$0x3F9D] =	sst s0;
	s0 =	simm.s32 @!p1 $0x0  }
0x14: {  	s2 =	sld [smem:$0x3F81];
	s0 =	simm.s32 @p1 $0x1  }
0x15: {  	[smem:$0x3F9E] =	sst s0;
	s0 =	simm.s32 @!p2 $0x0  }
0x16: {  	s3 =	sld [smem:$0x3FDB];
	s0 =	simm.s32 @p2 $0x1  }
0x17: {  	s4 =	simm.s32 $0x1BF5;
	[smem:$0x3FA0] =	sst s0  }
0x18: {  	s0 =	sld [smem:$0x3F83];
	_ =	swait.ge [sflag:s4], $0x0  }
0x19: {  	s7 =	sld [smem:$0x3F84]  }
0x1a: {  	s8 =	sadd.s32 $0xFFFFE003, lr  }
0x1b: {  	s9 =	sadd.s32 $0xFFFFFEF7, lr;
	s5 =	simm.s32 $0xFFFFFFFF;
	p2 =	slt.u32 s8, $0xFFFFF086  }
0x1c: {  	p1 =	slt.u32 s9, $0xF7A;
	s5 =	simm.s32 @!p2 $0x0  }
0x1d: {  	s5 =	simm.s32 @p1 $0x1;
	p0 =	seq.s32 s7, s2  }
0x1e: {  	s7 =	smul.u32 @!p0 $0xF7A, s2;
	p2 =	seq.s32 @!p0 s5, $0x0  }
0x1f: {  	s9 =	smul.u32 $0xF7A, s1;
	s8 =	simm.s32 @!p0 $0x1BF5;
	p2 =	por !p2, p0  }
0x20: {  	[sflag:s8] =	ssyncset.s32 @!p0 $0xFFFFF086;
	s6 =	sadd.s32 @!p0 s3, s7;
	s7 =	simm.s32 @!p0 $0x108  }
0x21: {  	s3 =	sadd.s32 s3, s9;
	s6 =	sadd.s32 @!p0 $0x88, s6;
	s7 =	simm.s32 @p2 $0x1082  }
0x22: {  	[simem:s7], [sflag:s8] =	dma.local @!p0 [hbm:s6], $0xF7A  }
0x23: {  	s9 =	sor.u32 $0xD0000000, s2;
	s6 =	simm.s32 $0x108;
	_ =	swait.ge @!p0 [sflag:s8], $0x0  }
0x24: {  	s3 =	sadd.s32 $0x88, s3;
	s6 =	simm.s32 @!p1 $0x1082;
	[sflag:s4] =	ssyncset.s32 $0xFFFFF086  }
0x25: {  	[simem:s6], [sflag:s4] =	dma.local [hbm:s3], $0xF7A  }
0x26: {  	[smem:$0x3F84] =	sst s1;
	(tag) =	ssettag s2;
	_ =	strace s9  }
0x27: {  	s1 =	sld [smem:$0x3F94]  }
0x28: {  	s2 =	sld [smem:$0x3F95]  }
0x29: {  	s4 =	sld [smem:$0x3F97]  }
0x2a: {  	p0 =	seq.s32 s5, $0x0;
	s5 =	sld [smem:$0x3F98]  }
0x2b: {  	s6 =	sld [smem:$0x3F99]  }
0x2c: {  	s7 =	sld [smem:$0x3F9A]  }
0x2d: {  	s3 =	simm.s32 $0x108;
	s8 =	sld [smem:$0x3F9B]  }
0x2e: {  	s3 =	simm.s32 @!p0 $0x1082;
	s9 =	sld [smem:$0x3F9C]  }
0x2f: {  	lr =	sadd.s32 s0, s3;
	s0 =	sld [smem:$0x3F93]  }
0x30: {  	s3 =	sld [smem:$0x3F96]  }
0x31: {  	[smem:$0x3F9F] =	sst s10  }
0x32: {  	s10 =	sld [smem:$0x3F9D];
	_ =	sdelay $0x3  }
0x33: {  	p0 =	seq.s32 s10, $0x1;
	s10 =	sld [smem:$0x3F9F];
	_ =	sdelay $0x3  }
0x34: {  	[smem:$0x3F9F] =	sst s10  }
0x35: {  	s10 =	sld [smem:$0x3F9E];
	_ =	sdelay $0x3  }
0x36: {  	p1 =	seq.s32 s10, $0x1;
	s10 =	sld [smem:$0x3F9F];
	_ =	sdelay $0x3  }
0x37: {  	[smem:$0x3F9F] =	sst s10  }
0x38: {  	s10 =	sld [smem:$0x3FA0]  }
0x39: {  	_ = 	snop;
	(pc) =	sbr.ind lr, $3  }
0x3a: {  	_ = 	snop  }
0x3b: {  	_ = 	snop  }
0x3c: {  	p2 =	seq.s32 s10, $0x1;
	s10 =	sld [smem:$0x3F9F]  }
0x3d: {  	_ =	shalt  }
0x3e: {  	_ =	shalt  }
0x3f: {  	_ =	shalt  }
0x40: {  	_ =	shalt  }
0x41: {  	_ =	shalt  }
0x42: {  	_ =	shalt  }
0x43: {  	_ =	shalt  }
0x44: {  	_ =	shalt  }
0x45: {  	_ =	shalt  }
0x46: {  	_ =	shalt  }
0x47: {  	_ =	shalt  }
0x48: {  	_ =	shalt  }
0x49: {  	_ =	shalt  }
0x4a: {  	_ =	shalt  }
0x4b: {  	_ =	shalt  }
0x4c: {  	_ =	shalt  }
0x4d: {  	_ =	shalt  }
0x4e: {  	_ =	shalt  }
0x4f: {  	_ =	shalt  }
0x50: {  	_ =	shalt  }
0x51: {  	_ =	shalt  }
0x52: {  	_ =	shalt  }
0x53: {  	_ =	shalt  }
0x54: {  	_ =	shalt  }
0x55: {  	_ =	shalt  }
0x56: {  	_ =	shalt  }
0x57: {  	_ =	shalt  }
0x58: {  	_ =	shalt  }
0x59: {  	_ =	shalt  }
0x5a: {  	_ =	shalt  }
0x5b: {  	_ =	shalt  }
0x5c: {  	_ =	shalt  }
0x5d: {  	_ =	shalt  }
0x5e: {  	_ =	shalt  }
0x5f: {  	_ =	shalt  }
0x60: {  	_ =	shalt  }
0x61: {  	_ =	shalt  }
0x62: {  	_ =	shalt  }
0x63: {  	_ =	shalt  }
0x64: {  	_ =	shalt  }
0x65: {  	_ =	shalt  }
0x66: {  	_ =	shalt  }
0x67: {  	_ =	shalt  }
0x68: {  	_ =	shalt  }
0x69: {  	_ =	shalt  }
0x6a: {  	_ =	shalt  }
0x6b: {  	_ =	shalt  }
0x6c: {  	_ =	shalt  }
0x6d: {  	_ =	shalt  }
0x6e: {  	_ =	shalt  }
0x6f: {  	_ =	shalt  }
0x70: {  	_ =	shalt  }
0x71: {  	_ =	shalt  }
0x72: {  	_ =	shalt  }
0x73: {  	_ =	shalt  }
0x74: {  	_ =	shalt  }
0x75: {  	_ =	shalt  }
0x76: {  	_ =	shalt  }
0x77: {  	_ =	shalt  }
0x78: {  	_ =	shalt  }
0x79: {  	_ =	shalt  }
0x7a: {  	_ =	shalt  }
0x7b: {  	_ =	shalt  }
0x7c: {  	_ =	shalt  }
0x7d: {  	_ =	shalt  }
0x7e: {  	_ =	shalt  }
0x7f: {  	_ =	shalt  }
0x80: {  	_ =	shalt  }
0x81: {  	_ =	shalt  }
0x82: {  	_ =	shalt  }
0x83: {  	_ =	shalt  }
0x84: {  	_ =	shalt  }
0x85: {  	_ =	shalt  }
0x86: {  	_ =	shalt  }
0x87: {  	_ =	shalt  }
.Lfunc_end0:
.L_simem_size_0:
called_computation.3_lowered:
.L_overlay_start_0:
0x88: {  	s2 =	sld [smem:$0x3FD9]  }
0x89: {  	s3 =	sld [smem:$0x3FFE];
	_ =	sdelay $0x1  }
0x8a: {  	s1 =	srdreg.scid  }
0x8b: {  	s0 =	sand.u32 $0x1, s1  }
0x8c: {  	s16 =	sshll.u32 s0, $0xA;
	s2 =	sadd.s32 s3, s2  }
0x8d: {  	s2 =	sadd.s32 s2, s16  }
0x8e: {  	[smem:$0x3FAB] =	sst s2  }
0x8f: {  	_ = 	snop  }
0x90: {  	(tm) =	ssettm $0x1  }
0x91: {  	s17 =	sld [smem:$0x3FFB];
	_ =	sdelay $0x3  }
0x92: {  	_ =	strace s17  }
0x93: {  	s2 =	sld [smem:$0x3FFC];
	_ =	sdelay $0x3  }
0x94: {  	_ =	strace s2  }
0x95: {  	s2 =	sld [smem:$0x3FFD];
	_ =	sdelay $0x3  }
0x96: {  	_ =	strace s2  }
0x97: {  	_ =	strace $0x8FFFFFFF  }
0x98: {  	s18 =	sld [smem:$0x3FDB];
	_ =	sdelay $0x1  }
0x99: {  	s19 =	simm.s32 $_scs_section_size  }
0x9a: {  	s4 =	simm.s32 $_size__tile_overlayer_lowered;
	s5 =	simm.s32 $_tile_overlayer_lowered  }
0x9b: {  	s22 =	simm.s32 $0x1BFF;
	s21 =	sshll.u32 s5, $0x1;
	s2 =	sadd.s32 s19, s18  }
0x9c: {  	s6 =	simm.s32 $0x0;
	s20 =	sshll.u32 s4, $0x1;
	s4 =	sadd.s32 s21, s2  }
0x9d: {  	[timem:s6], [sflag:s22] =	dma.local [hbm:s4], s20  }
0x9e: {  	_ =	swait.ge [sflag:s22], s20  }
0x9f: {  	s3 =	ssub.s32 $0x0, s20;
	[sflag:s22] =	ssyncset.done $0x0  }
0xa0: {  	[sflag:s22] =	ssyncadd.s32 s3;
	_ =	sdelay $0x1  }
0xa1: {  	s23 =	simm.s32 $0x1B8B  }
0xa2: {  	_ =	swait.ge [sflag:s23], $0x1  }
0xa3: {  	[sflag:s23] =	ssyncset.done $0x0  }
0xa4: {  	s25 =	simm.s32 $0x1B8E;
	s24 =	sld [smem:$0x3FFE];
	[sflag:s23] =	ssyncadd.s32 $0xFFFFFFFF  }
0xa5: {  	s26 =	simm.s32 $execute0_lowered;
	[smem:$0x3FD2] =	sst s25  }
0xa6: {  	s4 =	sshll.u32 s26, $0x1;
	_ =	strace $0x8000004F;
	[dreg:$0x1] =	wrdreg $0xFFFFFFFF  }
0xa7: {  	s28 =	simm.s32 $_size_execute0_lowered;
	s2 =	sadd.s32 s2, s4;
	[dreg:$0x0] =	wrdreg $0x0  }
0xa8: {  	s4 =	sshll.u32 s28, $0x1;
	[dreg:$0x2] =	wrdreg s2  }
0xa9: {  	[dreg:$0x3] =	wrdreg s4  }
0xaa: {  	[dreg:$0x4] =	wrdreg $0xC0  }
0xab: {  	_ =	task [dreg:s6], $0x5FFFF  }
0xac: {  	[dreg:$0x1] =	wrdreg $0xFFFFFFFF  }
0xad: {  	[dreg:$0x0] =	wrdreg $0x60  }
0xae: {  	[dreg:$0x2] =	wrdreg s24  }
0xaf: {  	[dreg:$0x3] =	wrdreg $0x68800  }
0xb0: {  	[dreg:$0x4] =	wrdreg $0x9  }
0xb1: {  	_ =	task.clear_ibuf [dreg:s6], $0x5FFFF;
	_ =	strace $0x9000004F  }
0xb2: {  	s29 =	simm.s32 $0x9;
	_ =	strace $0x80000051  }
0xb3: {  	_ =	swait.ge [sflag:s29], $0x1  }
0xb4: {  	[sflag:s29] =	ssyncadd.s32 $0xFFFFFFFF  }
0xb5: {  	_ =	strace $0x90000051  }
0xb6: {  	_ =	sfence  }
0xb7: {  	s30 =	sld [smem:$0x0];
	_ =	sdelay $0x2  }
0xb8: {  	s31 =	sshll.u32 s1, $0xD;
	s1 =	sshrl.u32 s1, $0x2  }
0xb9: {  	s3 =	sand.u32 $0x4000, s31;
	s1 =	sadd.s32 s1, s30  }
0xba: {  	s0 =	sor.u32 s3, s0;
	s1 =	sshll.u32 s1, $0x11  }
0xbb: {  	s0 =	sor.u32 s1, s0  }
0xbc: {  	s0 =	sadd.s32 $0x8F2B, s0  }
0xbd: {  	[sflag:s0] =	ssyncadd.remote.s32 $0x1  }
0xbe: {  	_ =	sfence.sel $0xFFFF  }
0xbf: {  	[dreg:$0x0] =	wrdreg $0xFFFFFFFF;
	(pc) =	sbr.abs _section_cstart, $3  }
0xc0: {  	[dreg:$0x1] =	wrdreg $0xFFFFFFFF  }
0xc1: {  	_ =	task.clear_ibuf [dreg:s6], $0x2FFFF;
	_ =	strace $0x9FFFFFFF  }
0xc2: {  	(tm) =	ssettm $0x7FFFFFFF  }
0xc3: {  	_ =	shalt  }
tec
execute0_lowered:
.L_overlay_start_1:
0x0: {  	(tag) =	ssettag $0x1  }
0x1: {  	s4 =	rddreg [dreg:$0x0]  }
0x2: {  	s1 =	rddreg [dreg:$0x1]  }
0x3: {  	s0 =	rddreg [dreg:$0x2]  }
0x4: {  	s3 =	simm.s32 $0x0;
	s2 =	stileid.u32;
	s5 =	srdreg.scid  }
0x5: {  	s13 =	simm.s32 $0x4080;
	s14 =	simm.s32 $0x1;
	s15 =	simm.s32 $0x80  }
0x6: {  	s16 =	simm.s32 $0x0;
	[smem:$0x7FF] =	sst s3;
	s6 =	sshll.u32 s2, $0xB  }
0x7: {  	s7 =	smul.u32 $0x500, s2;
	s8 =	sand.u32 $0x1, s5;
	s26 =	sshll.u32 s2, $0x4  }
0x8: {  	p0 =	slt.u32 s2, $0xD;
	p1 =	slt.u32 s2, $0x2;
	s5 =	simm.s32 $0x4F  }
0x9: {  	s30 =	smul.u32 $0xA000, s2;
	_ =	strace $0x80000050;
	s9 =	sadd.s32 s6, s4  }
0xa: {  	s28 =	ssub.s32 $0x2, s8;
	s11 =	sadd.s32 s26, s4;
	s5 =	simm.s32 @!p1 $0x4E  }
.Ltmp0:
0xb: {  	s12 =	sadd.s32 s7, s4;
	s29 =	sshrl.u32 s28, $0x1;
	(pc) =	sbr.rel .LBB2_1-.Ltmp0, $4  }
0xc: {  	s4 =	simm.s32 $0x8;
	s31 =	sshrl.u32 s30, $0x2;
	s7 =	sadd.s32 $0x289A00, s9  }
0xd: {  	s9 =	sadd.s32 $0xCA00, s11;
	s11 =	sadd.s32 $0x11A00, s11;
	s6 =	ssub.s32 s28, s29  }
0xe: {  	s4 =	simm.s32 @!p0 $0x7;
	p0 =	seq.s32 s8, $0x1;
	s8 =	sadd.s32 s31, s1  }
0xf: {  	v0 =	vimm.f32 $0.0e+00;
	s10 =	sadd.s32 $0x4FAA00, s12;
	s12 =	sadd.s32 $0x521C00, s12;
	s6 =	smax.u32 s6, $0x1  }
.LBB2_17:
0x10: {  	[sflag:s14] =	ssyncset.done $0x0  }
0x11: {  	[sflag:s14] =	ssyncadd.s32 $0xFFFFFB00  }
.LBB2_18:
0x12: {  	s16 =	sadd.s32 $0x1, s16  }
0x13: {  	p1 =	sne.s32 s16, s6  }
.Ltmp1:
0x14: {  	_ = 	snop;
	(pc) =	sbr.rel @!p1 .LBB2_19-.Ltmp1, $1  }
0x15: {  	_ =	sdelay $0x3  }
.LBB2_1:
.Ltmp2:
0x16: {  	(pc) =	sbr.rel @!p0 .LBB2_2-.Ltmp2, $4  }
0x17: {  	_ = 	snop  }
0x18: {  	s17 =	sand.u32 $0xFE00, s3  }
0x19: {  	s18 =	sand.u32 $0x70, s3;
	s19 =	sshrl.u32 s17, $0x2  }
0x1a: {  	s17 =	simm.s32 $0x40;
	s19 =	sor.u32 s18, s19;
	s18 =	simm.s32 $0x0  }
.LBB2_10:
0x1b: {  	p1 =	sne.s32 s17, $0x9FC0  }
0x1c: {  	[tilespmem:s19+$0x4080] =	vst v0;
	s18 =	sadd.s32 $0x10, s18;
	s19 =	smov.u32 s17;
	s17 =	sadd.s32 $0x40, s17  }
.Ltmp3:
0x1d: {  	(pc) =	sbr.rel @p1 .LBB2_10-.Ltmp3, $4  }
0x1e: {  	_ = 	snop  }
0x1f: {  	s19 =	sand.u32 $0xFE00, s19  }
0x20: {  	s20 =	sand.u32 $0x70, s18;
	s19 =	sshrl.u32 s19, $0x2  }
0x21: {  	s19 =	sor.u32 s20, s19  }
0x22: {  	p1 =	sne.s32 s4, $0x1  }
.Ltmp4:
0x23: {  	_ = 	snop;
	(pc) =	sbr.rel @!p1 .LBB2_13-.Ltmp4, $4  }
0x24: {  	[tilespmem:s19+$0x4080] =	vst v0  }
0x25: {  	[spmem:s8] =	stream.linear.scatter [tilespmem:s13], [sflag:$0x1], $0x2800, $0x38;
	[tilespmem:$0x1A100] =	vst v63  }
0x26: {  	_ =	swait.ge [sflag:s14], $0x2800  }
0x27: {  	s17 =	sadd.s32 $0xFFFFFFFF, s4;
	s18 =	smov.u32 s8;
	[sflag:s14] =	ssyncset.done $0x0  }
.LBB2_12:
0x28: {  	p2 =	sne.s32 s17, $0x1;
	[sflag:s14] =	ssyncadd.s32 $0xFFFFD800;
	s18 =	sadd.s32 $0x28000, s18  }
.Ltmp5:
0x29: {  	s17 =	sadd.s32 $0xFFFFFFFF, s17;
	(pc) =	sbr.rel @p2 .LBB2_12-.Ltmp5, $4  }
0x2a: {  	_ = 	snop  }
0x2b: {  	[spmem:s18] =	stream.linear.scatter [tilespmem:s13], [sflag:$0x1], $0x2800, $0x38;
	[tilespmem:$0x1A100] =	vst v63  }
0x2c: {  	_ =	swait.ge [sflag:s14], $0x2800  }
0x2d: {  	[sflag:s14] =	ssyncset.done $0x0  }
.LBB2_13:
0x2e: {  	[sflag:s14] =	ssyncadd.s32 $0xFFFFD800  }
0x2f: {  	[bflag:$0x0] =	sbarrier.arrive $0xFFFF  }
0x30: {  	[tilespmem:s3], [sflag:$0x1] =	stream.linear.gather [hbm4b:s11+s3], $0x80, $0x38;
	[tilespmem:$0x1A100] =	vst v63  }
0x31: {  	_ =	swait.ge [sflag:s14], $0x80  }
0x32: {  	[sflag:s14] =	ssyncset.done $0x0  }
0x33: {  	[sflag:s14] =	ssyncadd.s32 $0xFFFFFF80  }
0x34: {  	[tilespmem:s15], [sflag:$0x1] =	stream.linear.gather [hbm4b:s7+s3], $0x4000, $0x38;
	[tilespmem:$0x1A100] =	vst v63  }
0x35: {  	p2 =	sne.s32 s5, $0x1;
	_ =	swait.ge [sflag:s14], $0x4000  }
.Ltmp6:
0x36: {  	[sflag:s14] =	ssyncset.done $0x0;
	(pc) =	sbr.rel @!p2 .LBB2_15-.Ltmp6, $4  }
0x37: {  	[sflag:s14] =	ssyncadd.s32 $0xFFFFC000  }
0x38: {  	[spmem:s1] =	stream.indirect.scatter.add.f32 [tilespmem:s15], [sflag:$0x1], $0x80, s3, s15, $0xb8;
	[tilespmem:$0x1A100] =	vst v63  }
0x39: {  	s17 =	sadd.s32 $0xFFFFFFFF, s5;
	_ =	swait.ge [sflag:s14], $0x4000  }
0x3a: {  	s18 =	smov.u32 s7;
	s19 =	smov.u32 s11;
	[sflag:s14] =	ssyncset.done $0x0  }
.LBB2_14:
0x3b: {  	[sflag:s14] =	ssyncadd.s32 $0xFFFFC000;
	s18 =	sadd.s32 $0x8000, s18;
	s19 =	sadd.s32 $0x100, s19  }
0x3c: {  	[tilespmem:s3], [sflag:$0x1] =	stream.linear.gather [hbm4b:s19+s3], $0x80, $0x38;
	[tilespmem:$0x1A100] =	vst v63  }
0x3d: {  	p2 =	sne.s32 s17, $0x1;
	s17 =	sadd.s32 $0xFFFFFFFF, s17;
	_ =	swait.ge [sflag:s14], $0x80  }
0x3e: {  	[sflag:s14] =	ssyncset.done $0x0  }
0x3f: {  	[sflag:s14] =	ssyncadd.s32 $0xFFFFFF80  }
0x40: {  	[tilespmem:s15], [sflag:$0x1] =	stream.linear.gather [hbm4b:s18+s3], $0x4000, $0x38;
	[tilespmem:$0x1A100] =	vst v63  }
0x41: {  	_ =	swait.ge [sflag:s14], $0x4000  }
.Ltmp7:
0x42: {  	[sflag:s14] =	ssyncset.done $0x0;
	(pc) =	sbr.rel @p2 .LBB2_14-.Ltmp7, $4  }
0x43: {  	[sflag:s14] =	ssyncadd.s32 $0xFFFFC000  }
0x44: {  	[spmem:s1] =	stream.indirect.scatter.add.f32 [tilespmem:s15], [sflag:$0x1], $0x80, s3, s15, $0xb8;
	[tilespmem:$0x1A100] =	vst v63  }
0x45: {  	_ =	swait.ge [sflag:s14], $0x4000  }
0x46: {  	[sflag:s14] =	ssyncset.done $0x0  }
.LBB2_15:
.Ltmp8:
0x47: {  	(pc) =	sbr.rel @!p1 .LBB2_17-.Ltmp8, $4  }
0x48: {  	[sflag:s14] =	ssyncadd.s32 $0xFFFFC000;
	s17 =	sshll.u32 s2, $0x6;
	s18 =	sshrl.u32 s8, $0x3  }
0x49: {  	s19 =	sadd.s32 $0x5000, s12;
	[bflag:$0x0] =	sbarrier.arrive $0xFFFF;
	s17 =	sor.u32 $0x1C01, s17  }
0x4a: {  	[hbm:s12], [sflag:s17] =	dma.local [spmem:s18], $0x500  }
0x4b: {  	s20 =	smov.u32 s8;
	s18 =	sadd.s32 $0xFFFFFFFF, s4;
	_ =	swait.ge [sflag:s14], $0x500  }
.LBB2_16:
0x4c: {  	[sflag:s14] =	ssyncset.done $0x0;
	s20 =	sadd.s32 $0x28000, s20;
	p1 =	sne.s32 s18, $0x1  }
.Ltmp9:
0x4d: {  	s21 =	sshrl.u32 s20, $0x3;
	[sflag:s14] =	ssyncadd.s32 $0xFFFFFB00;
	(pc) =	sbr.rel @p1 .LBB2_16-.Ltmp9, $3  }
0x4e: {  	[hbm:s19], [sflag:s17] =	dma.local [spmem:s21], $0x500  }
0x4f: {  	s18 =	sadd.s32 $0xFFFFFFFF, s18;
	_ =	sdelay $0x1  }
0x50: {  	s19 =	sadd.s32 $0x5000, s19;
	_ =	swait.ge [sflag:s14], $0x500  }
.Ltmp10:
0x51: {  	_ = 	snop;
	(pc) =	sbr.rel .LBB2_17-.Ltmp10, $1  }
0x52: {  	_ =	sdelay $0x3  }
.LBB2_2:
0x53: {  	p1 =	sne.s32 s17, $0x9FC0  }
0x54: {  	[tilespmem:s19+$0x4080] =	vst v0;
	s18 =	sadd.s32 $0x10, s18;
	s19 =	smov.u32 s17;
	s17 =	sadd.s32 $0x40, s17  }
.Ltmp11:
0x55: {  	(pc) =	sbr.rel @p1 .LBB2_2-.Ltmp11, $4  }
0x56: {  	_ = 	snop  }
0x57: {  	s19 =	sand.u32 $0xFE00, s19  }
0x58: {  	s20 =	sand.u32 $0x70, s18;
	s19 =	sshrl.u32 s19, $0x2  }
0x59: {  	s19 =	sor.u32 s20, s19  }
0x5a: {  	p1 =	sne.s32 s4, $0x1  }
.Ltmp12:
0x5b: {  	_ = 	snop;
	(pc) =	sbr.rel @!p1 .LBB2_5-.Ltmp12, $4  }
0x5c: {  	[tilespmem:s19+$0x4080] =	vst v0  }
0x5d: {  	[spmem:s8] =	stream.linear.scatter [tilespmem:s13], [sflag:$0x1], $0x2800, $0x38;
	[tilespmem:$0x1A100] =	vst v63  }
0x5e: {  	_ =	swait.ge [sflag:s14], $0x2800  }
0x5f: {  	s17 =	sadd.s32 $0xFFFFFFFF, s4;
	s18 =	smov.u32 s8;
	[sflag:s14] =	ssyncset.done $0x0  }
.LBB2_4:
0x60: {  	p1 =	sne.s32 s17, $0x1;
	[sflag:s14] =	ssyncadd.s32 $0xFFFFD800;
	s18 =	sadd.s32 $0x28000, s18  }
.Ltmp13:
0x61: {  	s17 =	sadd.s32 $0xFFFFFFFF, s17;
	(pc) =	sbr.rel @p1 .LBB2_4-.Ltmp13, $4  }
0x62: {  	_ = 	snop  }
0x63: {  	[spmem:s18] =	stream.linear.scatter [tilespmem:s13], [sflag:$0x1], $0x2800, $0x38;
	[tilespmem:$0x1A100] =	vst v63  }
0x64: {  	_ =	swait.ge [sflag:s14], $0x2800  }
0x65: {  	[sflag:s14] =	ssyncset.done $0x0  }
.LBB2_5:
0x66: {  	[sflag:s14] =	ssyncadd.s32 $0xFFFFD800  }
0x67: {  	[bflag:$0x0] =	sbarrier.arrive $0xFFFF  }
0x68: {  	[tilespmem:s3], [sflag:$0x1] =	stream.linear.gather [hbm4b:s9+s3], $0x80, $0x38;
	[tilespmem:$0x1A100] =	vst v63  }
0x69: {  	_ =	swait.ge [sflag:s14], $0x80  }
0x6a: {  	[sflag:s14] =	ssyncset.done $0x0  }
0x6b: {  	[sflag:s14] =	ssyncadd.s32 $0xFFFFFF80  }
0x6c: {  	[tilespmem:s15], [sflag:$0x1] =	stream.linear.gather [hbm4b:s7+s3], $0x4000, $0x38;
	[tilespmem:$0x1A100] =	vst v63  }
0x6d: {  	p1 =	sne.s32 s5, $0x1;
	_ =	swait.ge [sflag:s14], $0x4000  }
.Ltmp14:
0x6e: {  	[sflag:s14] =	ssyncset.done $0x0;
	(pc) =	sbr.rel @!p1 .LBB2_7-.Ltmp14, $4  }
0x6f: {  	[sflag:s14] =	ssyncadd.s32 $0xFFFFC000  }
0x70: {  	[spmem:s1] =	stream.indirect.scatter.add.f32 [tilespmem:s15], [sflag:$0x1], $0x80, s3, s15, $0xb8;
	[tilespmem:$0x1A100] =	vst v63  }
0x71: {  	s17 =	sadd.s32 $0xFFFFFFFF, s5;
	_ =	swait.ge [sflag:s14], $0x4000  }
0x72: {  	s18 =	smov.u32 s7;
	s19 =	smov.u32 s9;
	[sflag:s14] =	ssyncset.done $0x0  }
.LBB2_6:
0x73: {  	[sflag:s14] =	ssyncadd.s32 $0xFFFFC000;
	s18 =	sadd.s32 $0x8000, s18;
	s19 =	sadd.s32 $0x100, s19  }
0x74: {  	[tilespmem:s3], [sflag:$0x1] =	stream.linear.gather [hbm4b:s19+s3], $0x80, $0x38;
	[tilespmem:$0x1A100] =	vst v63  }
0x75: {  	p1 =	sne.s32 s17, $0x1;
	s17 =	sadd.s32 $0xFFFFFFFF, s17;
	_ =	swait.ge [sflag:s14], $0x80  }
0x76: {  	[sflag:s14] =	ssyncset.done $0x0  }
0x77: {  	[sflag:s14] =	ssyncadd.s32 $0xFFFFFF80  }
0x78: {  	[tilespmem:s15], [sflag:$0x1] =	stream.linear.gather [hbm4b:s18+s3], $0x4000, $0x38;
	[tilespmem:$0x1A100] =	vst v63  }
0x79: {  	_ =	swait.ge [sflag:s14], $0x4000  }
.Ltmp15:
0x7a: {  	[sflag:s14] =	ssyncset.done $0x0;
	(pc) =	sbr.rel @p1 .LBB2_6-.Ltmp15, $4  }
0x7b: {  	[sflag:s14] =	ssyncadd.s32 $0xFFFFC000  }
0x7c: {  	[spmem:s1] =	stream.indirect.scatter.add.f32 [tilespmem:s15], [sflag:$0x1], $0x80, s3, s15, $0xb8;
	[tilespmem:$0x1A100] =	vst v63  }
0x7d: {  	_ =	swait.ge [sflag:s14], $0x4000  }
0x7e: {  	[sflag:s14] =	ssyncset.done $0x0  }
.LBB2_7:
0x7f: {  	p1 =	seq.s32 s4, $0x1  }
.Ltmp16:
0x80: {  	_ = 	snop;
	(pc) =	sbr.rel @p1 .LBB2_9-.Ltmp16, $4  }
0x81: {  	[sflag:s14] =	ssyncadd.s32 $0xFFFFC000;
	s17 =	sshll.u32 s2, $0x6;
	s18 =	sshrl.u32 s8, $0x3  }
0x82: {  	s19 =	sadd.s32 $0x5000, s10;
	[bflag:$0x0] =	sbarrier.arrive $0xFFFF;
	s17 =	sor.u32 $0x1C01, s17  }
0x83: {  	[hbm:s10], [sflag:s17] =	dma.local [spmem:s18], $0x500  }
0x84: {  	s20 =	smov.u32 s8;
	s18 =	sadd.s32 $0xFFFFFFFF, s4;
	_ =	swait.ge [sflag:s14], $0x500  }
.LBB2_8:
0x85: {  	[sflag:s14] =	ssyncset.done $0x0;
	s20 =	sadd.s32 $0x28000, s20;
	p1 =	seq.s32 s18, $0x1  }
.Ltmp17:
0x86: {  	s21 =	sshrl.u32 s20, $0x3;
	[sflag:s14] =	ssyncadd.s32 $0xFFFFFB00;
	(pc) =	sbr.rel @!p1 .LBB2_8-.Ltmp17, $3  }
0x87: {  	[hbm:s19], [sflag:s17] =	dma.local [spmem:s21], $0x500  }
0x88: {  	s18 =	sadd.s32 $0xFFFFFFFF, s18;
	_ =	sdelay $0x1  }
0x89: {  	s19 =	sadd.s32 $0x5000, s19;
	_ =	swait.ge [sflag:s14], $0x500  }
.LBB2_9:
.Ltmp18:
0x8a: {  	(pc) =	sbr.rel .LBB2_18-.Ltmp18, $3  }
0x8b: {  	_ =	sdelay $0x1  }
0x8c: {  	[sflag:s14] =	ssyncset.done $0x0  }
0x8d: {  	[sflag:s14] =	ssyncadd.s32 $0xFFFFFB00  }
.LBB2_19:
0x8e: {  	_ =	sfence.sel $0x180000  }
0x8f: {  	[bflag:$0x0] =	sbarrier.arrive $0xFFFF  }
0x90: {  	p0 =	sne.s32 s2, $0x0;
	_ =	strace $0x90000050  }
0x91: {  	s0 =	sadd.s32 @!p0 $0x100000, s0;
	[bflag:$0x2] =	sbarrier.arrive $0xFFFF  }
0x92: {  	[sflag:s0] =	ssyncadd.tile.s32 @!p0 $0x1;
	_ =	shalt  }
.Lfunc_end2:
_tile_overlayer_lowered:
.L_overlay_start_2:
0x93: {  	(tag) =	ssettag $0x2  }
0x94: {  	s0 =	rddreg [dreg:$0x0];
	s2 =	stileid.u32  }
0x95: {  	s1 =	rddreg [dreg:$0x1];
	p0 =	sne.s32 s2, $0x0  }
0x96: {  	s3 =	rddreg [dreg:$0x2];
	[bflag:$0x3] =	sbarrier.arrive $0xFFFF;
	s2 =	simm.s32 @!p0 $0x1C01  }
0x97: {  	[timem:s3], [sflag:s2] =	dma.local @!p0 [hbm:s0], s1  }
0x98: {  	s0 =	simm.s32 @!p0 $0x1  }
0x99: {  	_ =	swait.ge @!p0 [sflag:s0], s1  }
0x9a: {  	s1 =	ssub.s32 @!p0 $0x0, s1;
	[sflag:s0] =	ssyncset.done @!p0 $0x0  }
0x9b: {  	[sflag:s0] =	ssyncadd.s32 @!p0 s1  }
0x9c: {  	[bflag:$0x3] =	sbarrier.arrive $0xFFFF  }
0x9d: {  	_ =	shalt  }

</sc_bundles>
